<compile_context>
chip_gen: v7x
topology: tpu7x:2x2x1
jax: 0.10.2.dev20260603
libtpu: 0.0.44.dev20260713+nightly
codegen_flags: <defaults>
</compile_context>

<pallas_src>
import functools

import jax
import jax.numpy as jnp
from jax import lax
from jax.experimental import pallas as pl
from jax.experimental.pallas import tpu as pltpu
from jax.experimental.pallas import tpu_sc as plsc

N = 10000
E = 160000
D = 256
H = 2
C = 128
ESL = E + N
NPAD = 10240
NTILES = 16
TPT = 10752
EPAD = NTILES * TPT
NB = TPT // 128
NPT = NPAD // NTILES


def _feat_kernel(x_ref, w_ref, asrc_ref, adst_ref, xwext_ref, adst16_ref):
    h = pl.program_id(0)
    bn = x_ref.shape[0]
    xwb = jnp.dot(x_ref[...], w_ref[...], preferred_element_type=jnp.float32)
    a_s = jax.lax.dot_general(xwb, asrc_ref[pl.ds(h, 1), :],
                              (((1,), (1,)), ((), ())),
                              preferred_element_type=jnp.float32)
    a_d = jax.lax.dot_general(xwb, adst_ref[pl.ds(h, 1), :],
                              (((1,), (1,)), ((), ())),
                              preferred_element_type=jnp.float32)
    zpad = jnp.zeros((bn, 15), jnp.float32)
    xwext_ref[...] = jnp.concatenate([xwb, a_s, zpad], axis=1)
    adst16_ref[...] = jnp.concatenate([a_d, zpad], axis=1)


def _compute_features(x, W, att_src, att_dst):
    BN = 1000
    grid = (H, N // BN)
    nb = N // BN
    return pl.pallas_call(
        _feat_kernel,
        grid=grid,
        in_specs=[
            pl.BlockSpec((BN, D), lambda h, i: (i, 0)),
            pl.BlockSpec((D, C), lambda h, i: (0, h)),
            pl.BlockSpec((H, C), lambda h, i: (0, 0)),
            pl.BlockSpec((H, C), lambda h, i: (0, 0)),
        ],
        out_specs=[
            pl.BlockSpec((BN, CW), lambda h, i: (h * nb + i, 0)),
            pl.BlockSpec((BN, 16), lambda h, i: (h * nb + i, 0)),
        ],
        out_shape=[
            jax.ShapeDtypeStruct((H * N, CW), jnp.float32),
            jax.ShapeDtypeStruct((H * N, 16), jnp.float32),
        ],
    )(x, W, att_src, att_dst)


CW = 144
EB = 64
NBAT = TPT // EB


def _edge_body(src_hbm, dst_hbm, xwext_hbm, adst_hbm,
               num_hbm, alpha_hbm, den2_hbm,
               srcv0, srcv1, dstv0, dstv1, gidx0, gidx1, didx0, didx1,
               sidx0, sidx1, exb0, exb1, rowsx0, rowsx1, ddata0, ddata1,
               ex_all, ab0, ab1, zb,
               semA0, semA1, semG0, semG1, semS0, semS1, num_s):
    srcv = (srcv0, srcv1)
    dstv = (dstv0, dstv1)
    gidx = (gidx0, gidx1)
    didx = (didx0, didx1)
    sidx = (sidx0, sidx1)
    exb = (exb0, exb1)
    rowsx = (rowsx0, rowsx1)
    ddata = (ddata0, ddata1)
    alpha_b = (ab0, ab1)
    semA = (semA0, semA1)
    semG = (semG0, semG1)
    semS = (semS0, semS1)

    c = lax.axis_index("c")
    s = lax.axis_index("s")
    base_e = s * TPT
    zero16 = jnp.zeros((16,), jnp.float32)
    iota16 = lax.iota(jnp.int32, 16)
    zidx = jnp.zeros((16,), jnp.int32)
    c128 = jnp.full((16,), 128, jnp.int32)
    unit = jnp.where(iota16 == 0, 1.0, 0.0).astype(jnp.float32)

    def _z1(i, _):
        for v in range(CW // 16):
            zb[i, pl.ds(v * 16, 16)] = zero16
        return 0
    lax.fori_loop(0, 16, _z1, 0)
    for k in range(NPT // 16):
        pltpu.sync_copy(zb, num_s.at[pl.ds(s * NPT + k * 16, 16)])
    plsc.subcore_barrier()

    def issueA(b, k):
        off = base_e + b * EB
        pltpu.async_copy(src_hbm.at[pl.ds(off, EB)], srcv[k], semA[k])
        pltpu.async_copy(dst_hbm.at[pl.ds(off, EB)], dstv[k], semA[k])

    def waitA(k):
        pltpu.make_async_copy(src_hbm.at[pl.ds(0, EB)], srcv[k], semA[k]).wait()
        pltpu.make_async_copy(dst_hbm.at[pl.ds(0, EB)], dstv[k], semA[k]).wait()

    def buildIdx(k):
        for v in range(EB // 16):
            sl = pl.ds(v * 16, 16)
            dv = dstv[k][sl]
            gidx[k][sl] = srcv[k][sl] + c * N
            didx[k][sl] = dv + c * N
            sidx[k][sl] = dv

    def issueG(k):
        pltpu.async_copy(xwext_hbm.at[gidx[k]], rowsx[k], semG[k])
        pltpu.async_copy(adst_hbm.at[didx[k]], ddata[k], semG[k])

    def waitG(k):
        pltpu.make_async_copy(xwext_hbm.at[gidx[k]], rowsx[k], semG[k]).wait()
        pltpu.make_async_copy(adst_hbm.at[didx[k]], ddata[k], semG[k]).wait()

    def waitS(k):
        pltpu.make_async_copy(rowsx[k], num_s.at[sidx[k]], semS[k]).wait()

    def _p1(b, k):
        @pl.when(b + 1 < NBAT)
        def _():
            waitA(1 - k)

            @pl.when(b >= 1)
            def _():
                waitS(1 - k)
            buildIdx(1 - k)
            issueG(1 - k)

            @pl.when(b + 2 < NBAT)
            def _():
                issueA(b + 2, k)
        waitG(k)
        off = base_e + b * EB
        for v in range(EB // 16):
            sl = pl.ds(v * 16, 16)
            rid = v * 16 + iota16
            asv = plsc.load_gather(rowsx[k], [rid, c128])
            adv = plsc.load_gather(ddata[k], [rid, zidx])
            e = asv + adv
            e = jnp.where(e > 0, e, 0.2 * e)
            exv = jnp.exp(e)
            ge = off + v * 16 + iota16
            exv = jnp.where(ge < ESL, exv, 0.0)
            exb[k][sl] = exv
            ex_all[pl.ds(b * EB + v * 16, 16)] = exv

        def _scale(j, _):
            exj = exb[k][pl.ds(j, 16)][0]
            for v in range(8):
                sl = pl.ds(v * 16, 16)
                rowsx[k][j, sl] = rowsx[k][j, sl] * exj
            rowsx[k][j, pl.ds(128, 16)] = unit * exj
            return 0
        lax.fori_loop(0, EB, _scale, 0)
        pltpu.async_copy(rowsx[k], num_s.at[sidx[k]], semS[k], add=True)

    issueA(0, 0)
    waitA(0)
    buildIdx(0)
    issueG(0)
    issueA(1, 1)

    def _pair1(i, _):
        _p1(2 * i, 0)
        _p1(2 * i + 1, 1)
        return 0
    lax.fori_loop(0, NBAT // 2, _pair1, 0)
    waitS(0)
    waitS(1)
    plsc.subcore_barrier()

    pltpu.sync_copy(num_s.at[pl.ds(s * NPT, NPT)],
                    num_hbm.at[c, pl.ds(s * NPT, NPT)])

    def _ext(j, _):
        pltpu.sync_copy(num_s.at[pl.ds(s * NPT + j * 16, 16)], zb)
        denv = plsc.load_gather(zb, [iota16, c128])
        ddata0[j, pl.ds(0, 16)] = denv
        return 0
    lax.fori_loop(0, NPT // 16, _ext, 0)
    pltpu.sync_copy(ddata0.at[pl.ds(0, NPT // 16)],
                    den2_hbm.at[pl.ds(c * (NPAD // 16) + s * (NPT // 16),
                                      NPT // 16)])
    plsc.subcore_barrier()

    def issueA2(b, k):
        off = base_e + b * EB
        pltpu.async_copy(dst_hbm.at[pl.ds(off, EB)], dstv[k], semA[k])

    def waitA2(k):
        pltpu.make_async_copy(dst_hbm.at[pl.ds(0, EB)], dstv[k], semA[k]).wait()

    def buildIdx2(k):
        for v in range(EB // 16):
            sl = pl.ds(v * 16, 16)
            dv16 = dstv[k][sl]
            didx[k][sl] = jnp.right_shift(dv16, 4) + c * (NPAD // 16)
            sidx[k][sl] = dv16 & 15

    def issueG2(k):
        pltpu.async_copy(den2_hbm.at[didx[k]], ddata[k], semG[k])

    def waitG2(k):
        pltpu.make_async_copy(den2_hbm.at[didx[k]], ddata[k], semG[k]).wait()

    def waitS2(b, k):
        off = base_e + b * EB
        pltpu.make_async_copy(
            alpha_b[k], alpha_hbm.at[c, pl.ds(off, EB)], semS[k]).wait()

    def _p2(b, k):
        @pl.when(b + 1 < NBAT)
        def _():
            waitA2(1 - k)
            buildIdx2(1 - k)
            issueG2(1 - k)

            @pl.when(b + 2 < NBAT)
            def _():
                issueA2(b + 2, k)
        waitG2(k)

        @pl.when(b >= 2)
        def _():
            waitS2(b - 2, k)
        off = base_e + b * EB
        for v in range(EB // 16):
            sl = pl.ds(v * 16, 16)
            rid = v * 16 + iota16
            dv = plsc.load_gather(ddata[k], [rid, sidx[k][sl]])
            exv = ex_all[pl.ds(b * EB + v * 16, 16)]
            alpha_b[k][sl] = exv / (dv + 1e-16)
        pltpu.async_copy(alpha_b[k], alpha_hbm.at[c, pl.ds(off, EB)], semS[k])

    issueA2(0, 0)
    waitA2(0)
    buildIdx2(0)
    issueG2(0)
    issueA2(1, 1)

    def _pair2(i, _):
        _p2(2 * i, 0)
        _p2(2 * i + 1, 1)
        return 0
    lax.fori_loop(0, NBAT // 2, _pair2, 0)
    waitS2(NBAT - 2, 0)
    waitS2(NBAT - 1, 1)


def _edge_phase(src, dst, xwext, adst_tab):
    mesh = plsc.VectorSubcoreMesh(core_axis_name="c", subcore_axis_name="s")
    dbl = lambda t: [t, t]
    f = pl.kernel(
        _edge_body,
        out_type=[
            jax.ShapeDtypeStruct((H, NPAD, CW), jnp.float32),
            jax.ShapeDtypeStruct((H, EPAD), jnp.float32),
            jax.ShapeDtypeStruct((H * (NPAD // 16), 16), jnp.float32),
        ],
        mesh=mesh,
        compiler_params=pltpu.CompilerParams(
            needs_layout_passes=False, use_tc_tiling_on_sc=False),
        scratch_types=(
            dbl(pltpu.VMEM((EB,), jnp.int32))
            + dbl(pltpu.VMEM((EB,), jnp.int32))
            + dbl(pltpu.VMEM((EB,), jnp.int32))
            + dbl(pltpu.VMEM((EB,), jnp.int32))
            + dbl(pltpu.VMEM((EB,), jnp.int32))
            + dbl(pltpu.VMEM((EB + 16,), jnp.float32))
            + dbl(pltpu.VMEM((EB, CW), jnp.float32))
            + dbl(pltpu.VMEM((EB, 16), jnp.float32))
            + [pltpu.VMEM((TPT,), jnp.float32)]
            + dbl(pltpu.VMEM((EB,), jnp.float32))
            + [pltpu.VMEM((16, CW), jnp.float32)]
            + [pltpu.SemaphoreType.DMA] * 6
            + [pltpu.VMEM_SHARED((NPAD, CW), jnp.float32)]
        ),
    )
    return f(src, dst, xwext, adst_tab)


def _mlp_kernel(num_ref, bc_ref, wa_ref, ba_ref, w1_ref, b1_ref,
                w2_ref, b2_ref, out_ref):
    arr = num_ref[...]
    den = arr[:, :, 128]
    den = jnp.where(den > 0, den, 1.0)
    h0 = jnp.concatenate(
        [arr[0, :, :C] / den[0][:, None], arr[1, :, :C] / den[1][:, None]],
        axis=1)
    h0 = jax.nn.relu(h0 + bc_ref[...])
    h1 = jax.nn.relu(jnp.dot(h0, wa_ref[...], preferred_element_type=jnp.float32)
                     + ba_ref[...])
    h2 = jax.nn.relu(jnp.dot(h1, w1_ref[...], preferred_element_type=jnp.float32)
                     + b1_ref[...])
    h3 = jnp.dot(h2, w2_ref[...], preferred_element_type=jnp.float32) + b2_ref[...]
    out_ref[...] = h3


def _mlp(num, b_conv, Wa, ba, W1, b1, W2, b2):
    BN = 1024
    grid = (NPAD // BN,)
    return pl.pallas_call(
        _mlp_kernel,
        grid=grid,
        in_specs=[
            pl.BlockSpec((2, BN, CW), lambda i: (0, i, 0)),
            pl.BlockSpec((1, H * C), lambda i: (0, 0)),
            pl.BlockSpec((H * C, 128), lambda i: (0, 0)),
            pl.BlockSpec((1, 128), lambda i: (0, 0)),
            pl.BlockSpec((128, 64), lambda i: (0, 0)),
            pl.BlockSpec((1, 64), lambda i: (0, 0)),
            pl.BlockSpec((64, 3), lambda i: (0, 0)),
            pl.BlockSpec((1, 3), lambda i: (0, 0)),
        ],
        out_specs=pl.BlockSpec((BN, 3), lambda i: (i, 0)),
        out_shape=jax.ShapeDtypeStruct((NPAD, 3), jnp.float32),
    )(num, b_conv.reshape(1, H * C), Wa, ba.reshape(1, 128),
      W1, b1.reshape(1, 64), W2, b2.reshape(1, 3))


def _cdist_kernel(hi_ref, hj_ref, out_ref):
    hi = hi_ref[...]
    hj = hj_ref[...]
    g = jax.lax.dot_general(hi, hj, (((1,), (1,)), ((), ())),
                            preferred_element_type=jnp.float32)
    sqi = jnp.sum(hi * hi, axis=1, keepdims=True)
    sqj = jnp.sum(hj * hj, axis=1)[None, :]
    d2 = sqi + sqj - 2.0 * g
    out_ref[...] = jnp.sqrt(jnp.maximum(d2, 0.0))


def _cdist(h3):
    BI, BJ = 2048, 2048
    return pl.pallas_call(
        _cdist_kernel,
        grid=(pl.cdiv(N, BI), pl.cdiv(N, BJ)),
        in_specs=[
            pl.BlockSpec((BI, 3), lambda i, j: (i, 0)),
            pl.BlockSpec((BJ, 3), lambda i, j: (j, 0)),
        ],
        out_specs=pl.BlockSpec((BI, BJ), lambda i, j: (i, j)),
        out_shape=jax.ShapeDtypeStruct((N, N), jnp.float32),
    )(h3, h3)


def kernel(x, edge_index, W, att_src, att_dst, b_conv, Wa, ba, W1, b1, W2, b2):
    loop = jnp.arange(N, dtype=edge_index.dtype)
    src = jnp.concatenate([edge_index[0], loop])
    dst = jnp.concatenate([edge_index[1], loop])

    xwext, adst16 = _compute_features(x, W, att_src, att_dst)

    pad = jnp.zeros((EPAD - ESL,), src.dtype)
    src_p = jnp.concatenate([src, pad])
    dst_p = jnp.concatenate([dst, pad])
    num, alpha_he, _den2 = _edge_phase(src_p, dst_p, xwext, adst16)
    alpha = jnp.stack([alpha_he[0, :ESL], alpha_he[1, :ESL]], axis=1)

    h3 = _mlp(num, b_conv, Wa, ba, W1, b1, W2, b2)
    dist = _cdist(h3)
    edge_index_sl = jnp.stack([src, dst], axis=0)
    return dist, (edge_index_sl, alpha)

# --- scband reference (transcript-rebuilt; emitter-appended) ---
"""Pipeline reference for scband-gatnet-heads-changed3-layers-embedding-dim256-entropy-43739946943266 (READ-ONLY COPY).

The authoritative reference and input builder live on the scoring server;
editing this copy changes nothing except your own understanding.
"""

import jax, jax.numpy as jnp
import numpy as np

N = 10000
E = 160000
D = 256
H = 2
C = 128

def setup_inputs(seed: int = 0) -> dict:
    key = jax.random.key(seed)
    ks = jax.random.split(key, 12)
    x = jax.random.normal(ks[0], (N, D), dtype=jnp.float32)
    edge_index = jax.random.randint(ks[1], (2, E), 0, N)
    W = jax.random.normal(ks[2], (D, H * C), dtype=jnp.float32) * (1.0 / np.sqrt(D))
    att_src = jax.random.normal(ks[3], (H, C), dtype=jnp.float32) * 0.1
    att_dst = jax.random.normal(ks[4], (H, C), dtype=jnp.float32) * 0.1
    b_conv = jnp.zeros((H * C,), dtype=jnp.float32)
    Wa = jax.random.normal(ks[5], (256, 128), dtype=jnp.float32) * (1.0 / np.sqrt(256))
    ba = jnp.zeros((128,), dtype=jnp.float32)
    W1 = jax.random.normal(ks[6], (128, 64), dtype=jnp.float32) * (1.0 / np.sqrt(128))
    b1 = jnp.zeros((64,), dtype=jnp.float32)
    W2 = jax.random.normal(ks[7], (64, 3), dtype=jnp.float32) * (1.0 / np.sqrt(64))
    b2 = jnp.zeros((3,), dtype=jnp.float32)
    return {"x": x, "edge_index": edge_index, "W": W, "att_src": att_src, "att_dst": att_dst,
            "b_conv": b_conv, "Wa": Wa, "ba": ba, "W1": W1, "b1": b1, "W2": W2, "b2": b2}

def _gat_conv(x, src, dst, W, att_src, att_dst, b_conv):
    n = x.shape[0]
    xw = (x @ W).reshape(n, H, C)
    a_src = jnp.sum(xw * att_src[None, :, :], axis=-1)  # [n, H]
    a_dst = jnp.sum(xw * att_dst[None, :, :], axis=-1)  # [n, H]
    e = a_src[src] + a_dst[dst]                          # [E', H]
    e = jnp.where(e > 0, e, 0.2 * e)                     # LeakyReLU(0.2), PyG default
    m = jax.ops.segment_max(e, dst, num_segments=n)
    m = jnp.where(jnp.isfinite(m), m, 0.0)
    ex = jnp.exp(e - m[dst])
    denom = jax.ops.segment_sum(ex, dst, num_segments=n)
    alpha = ex / (denom[dst] + 1e-16)
    out = jax.ops.segment_sum(alpha[:, :, None] * xw[src], dst, num_segments=n)
    out = out.reshape(n, H * C) + b_conv
    return out, alpha

def _cdist(h):
    sq = jnp.sum(h * h, axis=1)
    d2 = sq[:, None] + sq[None, :] - 2.0 * (h @ h.T)
    d2 = jnp.maximum(d2, 0.0)
    d = jnp.sqrt(jnp.where(d2 > 0, d2, 1.0))
    return jnp.where(d2 > 0, d, 0.0)

def reference(x, edge_index, W, att_src, att_dst, b_conv, Wa, ba, W1, b1, W2, b2):
    n = x.shape[0]
    loop = jnp.arange(n, dtype=edge_index.dtype)
    src = jnp.concatenate([edge_index[0], loop])  # add_self_loops=True (PyG default)
    dst = jnp.concatenate([edge_index[1], loop])
    h, alpha = _gat_conv(x, src, dst, W, att_src, att_dst, b_conv)
    h = jax.nn.relu(h)
    h = jax.nn.relu(h @ Wa + ba)
    h = jax.nn.relu(h @ W1 + b1)
    h = h @ W2 + b2
    dist = _cdist(h)
    edge_index_sl = jnp.stack([src, dst], axis=0)
    return dist, (edge_index_sl, alpha)

if __name__ == "__main__":
    import jax
    _d = setup_inputs()
    print(jax.jit(kernel)(*tuple(_d.values())))

</pallas_src>

<mosaic_0001>
#map = affine_map<(d0, d1) -> (0)>
#map1 = affine_map<(d0, d1) -> (0, 0)>
#map2 = affine_map<(d0, d1) -> (0, 0, 0)>
module attributes {stable_mosaic.version = 14 : i64} {
  func.func @_edge_body(%arg0: i32, %arg1: i32, %arg2: memref<172032xi32, #tpu.memory_space<hbm>>, %arg3: memref<172032xi32, #tpu.memory_space<hbm>>, %arg4: memref<20000x144xf32, #tpu.memory_space<hbm>>, %arg5: memref<20000x16xf32, #tpu.memory_space<hbm>>, %arg6: memref<2x10240x144xf32, #tpu.memory_space<hbm>>, %arg7: memref<2x172032xf32, #tpu.memory_space<hbm>>, %arg8: memref<1280x16xf32, #tpu.memory_space<hbm>>, %arg9: memref<64xi32, #tpu.memory_space<vmem>>, %arg10: memref<64xi32, #tpu.memory_space<vmem>>, %arg11: memref<64xi32, #tpu.memory_space<vmem>>, %arg12: memref<64xi32, #tpu.memory_space<vmem>>, %arg13: memref<64xi32, #tpu.memory_space<vmem>>, %arg14: memref<64xi32, #tpu.memory_space<vmem>>, %arg15: memref<64xi32, #tpu.memory_space<vmem>>, %arg16: memref<64xi32, #tpu.memory_space<vmem>>, %arg17: memref<64xi32, #tpu.memory_space<vmem>>, %arg18: memref<64xi32, #tpu.memory_space<vmem>>, %arg19: memref<80xf32, #tpu.memory_space<vmem>>, %arg20: memref<80xf32, #tpu.memory_space<vmem>>, %arg21: memref<64x144xf32, #tpu.memory_space<vmem>>, %arg22: memref<64x144xf32, #tpu.memory_space<vmem>>, %arg23: memref<64x16xf32, #tpu.memory_space<vmem>>, %arg24: memref<64x16xf32, #tpu.memory_space<vmem>>, %arg25: memref<10752xf32, #tpu.memory_space<vmem>>, %arg26: memref<64xf32, #tpu.memory_space<vmem>>, %arg27: memref<64xf32, #tpu.memory_space<vmem>>, %arg28: memref<16x144xf32, #tpu.memory_space<vmem>>, %arg29: memref<!tpu.dma_semaphore, #tpu.memory_space<semaphore_mem>>, %arg30: memref<!tpu.dma_semaphore, #tpu.memory_space<semaphore_mem>>, %arg31: memref<!tpu.dma_semaphore, #tpu.memory_space<semaphore_mem>>, %arg32: memref<!tpu.dma_semaphore, #tpu.memory_space<semaphore_mem>>, %arg33: memref<!tpu.dma_semaphore, #tpu.memory_space<semaphore_mem>>, %arg34: memref<!tpu.dma_semaphore, #tpu.memory_space<semaphore_mem>>, %arg35: memref<10240x144xf32, #tpu.memory_space<vmem_shared>>) attributes {dimension_semantics = [#tpu.dimension_semantics<core_parallel>, #tpu.dimension_semantics<subcore_parallel>], iteration_bounds = array<i64: 2, 16>, scalar_prefetch = 0 : i64, scratch_operands = 27 : i64, tpu.core_type = #tpu.core_type<sc_vector_subcore>, window_params = [{transform_indices = #map}, {transform_indices = #map}, {transform_indices = #map1}, {transform_indices = #map1}, {transform_indices = #map2}, {transform_indices = #map1}, {transform_indices = #map1}]} {
    %mul3A = arith.constant 10752 : i32
    %mul3A_0 = arith.muli %arg1, %mul3A : i32
    %broadcast_in_dim3A = arith.constant 0.000000e+00 : f32
    %broadcast_in_dim3A_1 = vector.broadcast %broadcast_in_dim3A : f32 to vector<16xf32>
    %iota3A = tpu.iota {dimensions = array<i32: 0>} : vector<16xi32>
    %broadcast_in_dim3A_2 = arith.constant 0 : i32
    %broadcast_in_dim3A_3 = vector.broadcast %broadcast_in_dim3A_2 : i32 to vector<16xi32>
    %broadcast_in_dim3A_4 = arith.constant 128 : i32
    %broadcast_in_dim3A_5 = vector.broadcast %broadcast_in_dim3A_4 : i32 to vector<16xi32>
    %eq3A = arith.constant 0 : i32
    %eq3A_6 = vector.broadcast %eq3A : i32 to vector<16xi32>
    %eq3A_7 = arith.cmpi eq, %iota3A, %eq3A_6 : vector<16xi32>
    %jit3A = arith.constant 1.000000e+00 : f32
    %jit3A_8 = arith.constant 0.000000e+00 : f32
    %broadcast_in_dim3A_9 = vector.broadcast %jit3A : f32 to vector<16xf32>
    %broadcast_in_dim3A_10 = vector.broadcast %jit3A_8 : f32 to vector<16xf32>
    %select_n3A = arith.select %eq3A_7, %broadcast_in_dim3A_9, %broadcast_in_dim3A_10 : vector<16xi1>, vector<16xf32>
    %scan3A = arith.constant 0 : i32
    %scan3A_11 = arith.constant 0 : i32
    %scan3A_12 = arith.constant 16 : i32
    %scan3A_13 = arith.addi %scan3A_11, %scan3A_12 : i32
    %scan3A_14 = arith.constant 1 : i32
    %scan3A_15 = scf.for %scan3A_397 = %scan3A_11 to %scan3A_13 step %scan3A_14 iter_args(%scan3A_398 = %scan3A) -> (i32)  : i32 {
      %swap3A_399 = arith.index_cast %scan3A_397 : i32 to index
      %swap3A_400 = arith.constant 0 : index
      %swap3A_401 = tpu.vector_load %arg28[%swap3A_399, %swap3A_400] {strides = array<i32>} : memref<16x144xf32, #tpu.memory_space<vmem>>, vector<16xf32>,
      tpu.vector_store %arg28[%swap3A_399, %swap3A_400], %broadcast_in_dim3A_1 {strides = array<i32>} : memref<16x144xf32, #tpu.memory_space<vmem>>, vector<16xf32>,
      %swap3A_402 = arith.index_cast %scan3A_397 : i32 to index
      %swap3A_403 = arith.constant 16 : index
      %swap3A_404 = tpu.vector_load %arg28[%swap3A_402, %swap3A_403] {strides = array<i32>} : memref<16x144xf32, #tpu.memory_space<vmem>>, vector<16xf32>,
      tpu.vector_store %arg28[%swap3A_402, %swap3A_403], %broadcast_in_dim3A_1 {strides = array<i32>} : memref<16x144xf32, #tpu.memory_space<vmem>>, vector<16xf32>,
      %swap3A_405 = arith.index_cast %scan3A_397 : i32 to index
      %swap3A_406 = arith.constant 32 : index
      %swap3A_407 = tpu.vector_load %arg28[%swap3A_405, %swap3A_406] {strides = array<i32>} : memref<16x144xf32, #tpu.memory_space<vmem>>, vector<16xf32>,
      tpu.vector_store %arg28[%swap3A_405, %swap3A_406], %broadcast_in_dim3A_1 {strides = array<i32>} : memref<16x144xf32, #tpu.memory_space<vmem>>, vector<16xf32>,
      %swap3A_408 = arith.index_cast %scan3A_397 : i32 to index
      %swap3A_409 = arith.constant 48 : index
      %swap3A_410 = tpu.vector_load %arg28[%swap3A_408, %swap3A_409] {strides = array<i32>} : memref<16x144xf32, #tpu.memory_space<vmem>>, vector<16xf32>,
      tpu.vector_store %arg28[%swap3A_408, %swap3A_409], %broadcast_in_dim3A_1 {strides = array<i32>} : memref<16x144xf32, #tpu.memory_space<vmem>>, vector<16xf32>,
      %swap3A_411 = arith.index_cast %scan3A_397 : i32 to index
      %swap3A_412 = arith.constant 64 : index
      %swap3A_413 = tpu.vector_load %arg28[%swap3A_411, %swap3A_412] {strides = array<i32>} : memref<16x144xf32, #tpu.memory_space<vmem>>, vector<16xf32>,
      tpu.vector_store %arg28[%swap3A_411, %swap3A_412], %broadcast_in_dim3A_1 {strides = array<i32>} : memref<16x144xf32, #tpu.memory_space<vmem>>, vector<16xf32>,
      %swap3A_414 = arith.index_cast %scan3A_397 : i32 to index
      %swap3A_415 = arith.constant 80 : index
      %swap3A_416 = tpu.vector_load %arg28[%swap3A_414, %swap3A_415] {strides = array<i32>} : memref<16x144xf32, #tpu.memory_space<vmem>>, vector<16xf32>,
      tpu.vector_store %arg28[%swap3A_414, %swap3A_415], %broadcast_in_dim3A_1 {strides = array<i32>} : memref<16x144xf32, #tpu.memory_space<vmem>>, vector<16xf32>,
      %swap3A_417 = arith.index_cast %scan3A_397 : i32 to index
      %swap3A_418 = arith.constant 96 : index
      %swap3A_419 = tpu.vector_load %arg28[%swap3A_417, %swap3A_418] {strides = array<i32>} : memref<16x144xf32, #tpu.memory_space<vmem>>, vector<16xf32>,
      tpu.vector_store %arg28[%swap3A_417, %swap3A_418], %broadcast_in_dim3A_1 {strides = array<i32>} : memref<16x144xf32, #tpu.memory_space<vmem>>, vector<16xf32>,
      %swap3A_420 = arith.index_cast %scan3A_397 : i32 to index
      %swap3A_421 = arith.constant 112 : index
      %swap3A_422 = tpu.vector_load %arg28[%swap3A_420, %swap3A_421] {strides = array<i32>} : memref<16x144xf32, #tpu.memory_space<vmem>>, vector<16xf32>,
      tpu.vector_store %arg28[%swap3A_420, %swap3A_421], %broadcast_in_dim3A_1 {strides = array<i32>} : memref<16x144xf32, #tpu.memory_space<vmem>>, vector<16xf32>,
      %swap3A_423 = arith.index_cast %scan3A_397 : i32 to index
      %swap3A_424 = arith.constant 128 : index
      %swap3A_425 = tpu.vector_load %arg28[%swap3A_423, %swap3A_424] {strides = array<i32>} : memref<16x144xf32, #tpu.memory_space<vmem>>, vector<16xf32>,
      tpu.vector_store %arg28[%swap3A_423, %swap3A_424], %broadcast_in_dim3A_1 {strides = array<i32>} : memref<16x144xf32, #tpu.memory_space<vmem>>, vector<16xf32>,
      %scan3A_426 = arith.constant 0 : i32
      scf.yield %scan3A_426 : i32
    }
    %scan3A_16 = arith.constant 16 : i32
    %mul3A_17 = arith.constant 640 : i32
    %mul3A_18 = arith.muli %arg1, %mul3A_17 : i32
    %add3A = arith.constant 0 : i32
    %add3A_19 = arith.addi %mul3A_18, %add3A : i32
    "tpu.region"() ({
      %run_scoped3A = tpu.sem_alloc : memref<!tpu.dma_semaphore, #tpu.memory_space<semaphore_mem>>
      %dma_start3A_397 = arith.constant 0 : i32
      %dma_start3A_398 = tpu.memref_slice %arg35[%add3A_19, %dma_start3A_397] : memref<10240x144xf32, #tpu.memory_space<vmem_shared>> -> memref<16x144xf32, #tpu.memory_space<vmem_shared>>
      %dma_start3A_399 = arith.constant 0 : i32
      %dma_start3A_400 = tpu.memref_slice %arg35[%add3A_19, %dma_start3A_399] : memref<10240x144xf32, #tpu.memory_space<vmem_shared>> -> memref<16x144xf32, #tpu.memory_space<vmem_shared>>
      tpu.enqueue_dma source(%arg28 : memref<16x144xf32, #tpu.memory_space<vmem>>) target(%dma_start3A_400 : memref<16x144xf32, #tpu.memory_space<vmem_shared>>) target_semaphore(%run_scoped3A : memref<!tpu.dma_semaphore, #tpu.memory_space<semaphore_mem>>)
      %dma_wait3A_401 = arith.constant 0 : i32
      %dma_wait3A_402 = tpu.memref_slice %arg35[%add3A_19, %dma_wait3A_401] : memref<10240x144xf32, #tpu.memory_space<vmem_shared>> -> memref<16x144xf32, #tpu.memory_space<vmem_shared>>
      %dma_wait3A_403 = arith.constant 0 : i32
      %dma_wait3A_404 = tpu.memref_slice %arg35[%add3A_19, %dma_wait3A_403] : memref<10240x144xf32, #tpu.memory_space<vmem_shared>> -> memref<16x144xf32, #tpu.memory_space<vmem_shared>>
      tpu.wait_dma2 semaphore(%run_scoped3A : memref<!tpu.dma_semaphore, #tpu.memory_space<semaphore_mem>>) src(%arg28 : memref<16x144xf32, #tpu.memory_space<vmem>>) dst(%dma_wait3A_404 : memref<16x144xf32, #tpu.memory_space<vmem_shared>>)
      tpu.yield
    }) : () -> ()
    %mul3A_20 = arith.constant 640 : i32
    %mul3A_21 = arith.muli %arg1, %mul3A_20 : i32
    %add3A_22 = arith.constant 16 : i32
    %add3A_23 = arith.addi %mul3A_21, %add3A_22 : i32
    "tpu.region"() ({
      %run_scoped3A = tpu.sem_alloc : memref<!tpu.dma_semaphore, #tpu.memory_space<semaphore_mem>>
      %dma_start3A_397 = arith.constant 0 : i32
      %dma_start3A_398 = tpu.memref_slice %arg35[%add3A_23, %dma_start3A_397] : memref<10240x144xf32, #tpu.memory_space<vmem_shared>> -> memref<16x144xf32, #tpu.memory_space<vmem_shared>>
      %dma_start3A_399 = arith.constant 0 : i32
      %dma_start3A_400 = tpu.memref_slice %arg35[%add3A_23, %dma_start3A_399] : memref<10240x144xf32, #tpu.memory_space<vmem_shared>> -> memref<16x144xf32, #tpu.memory_space<vmem_shared>>
      tpu.enqueue_dma source(%arg28 : memref<16x144xf32, #tpu.memory_space<vmem>>) target(%dma_start3A_400 : memref<16x144xf32, #tpu.memory_space<vmem_shared>>) target_semaphore(%run_scoped3A : memref<!tpu.dma_semaphore, #tpu.memory_space<semaphore_mem>>)
      %dma_wait3A_401 = arith.constant 0 : i32
      %dma_wait3A_402 = tpu.memref_slice %arg35[%add3A_23, %dma_wait3A_401] : memref<10240x144xf32, #tpu.memory_space<vmem_shared>> -> memref<16x144xf32, #tpu.memory_space<vmem_shared>>
      %dma_wait3A_403 = arith.constant 0 : i32
      %dma_wait3A_404 = tpu.memref_slice %arg35[%add3A_23, %dma_wait3A_403] : memref<10240x144xf32, #tpu.memory_space<vmem_shared>> -> memref<16x144xf32, #tpu.memory_space<vmem_shared>>
      tpu.wait_dma2 semaphore(%run_scoped3A : memref<!tpu.dma_semaphore, #tpu.memory_space<semaphore_mem>>) src(%arg28 : memref<16x144xf32, #tpu.memory_space<vmem>>) dst(%dma_wait3A_404 : memref<16x144xf32, #tpu.memory_space<vmem_shared>>)
      tpu.yield
    }) : () -> ()
    %mul3A_24 = arith.constant 640 : i32
    %mul3A_25 = arith.muli %arg1, %mul3A_24 : i32
    %add3A_26 = arith.constant 32 : i32
    %add3A_27 = arith.addi %mul3A_25, %add3A_26 : i32
    "tpu.region"() ({
      %run_scoped3A = tpu.sem_alloc : memref<!tpu.dma_semaphore, #tpu.memory_space<semaphore_mem>>
      %dma_start3A_397 = arith.constant 0 : i32
      %dma_start3A_398 = tpu.memref_slice %arg35[%add3A_27, %dma_start3A_397] : memref<10240x144xf32, #tpu.memory_space<vmem_shared>> -> memref<16x144xf32, #tpu.memory_space<vmem_shared>>
      %dma_start3A_399 = arith.constant 0 : i32
      %dma_start3A_400 = tpu.memref_slice %arg35[%add3A_27, %dma_start3A_399] : memref<10240x144xf32, #tpu.memory_space<vmem_shared>> -> memref<16x144xf32, #tpu.memory_space<vmem_shared>>
      tpu.enqueue_dma source(%arg28 : memref<16x144xf32, #tpu.memory_space<vmem>>) target(%dma_start3A_400 : memref<16x144xf32, #tpu.memory_space<vmem_shared>>) target_semaphore(%run_scoped3A : memref<!tpu.dma_semaphore, #tpu.memory_space<semaphore_mem>>)
      %dma_wait3A_401 = arith.constant 0 : i32
      %dma_wait3A_402 = tpu.memref_slice %arg35[%add3A_27, %dma_wait3A_401] : memref<10240x144xf32, #tpu.memory_space<vmem_shared>> -> memref<16x144xf32, #tpu.memory_space<vmem_shared>>
      %dma_wait3A_403 = arith.constant 0 : i32
      %dma_wait3A_404 = tpu.memref_slice %arg35[%add3A_27, %dma_wait3A_403] : memref<10240x144xf32, #tpu.memory_space<vmem_shared>> -> memref<16x144xf32, #tpu.memory_space<vmem_shared>>
      tpu.wait_dma2 semaphore(%run_scoped3A : memref<!tpu.dma_semaphore, #tpu.memory_space<semaphore_mem>>) src(%arg28 : memref<16x144xf32, #tpu.memory_space<vmem>>) dst(%dma_wait3A_404 : memref<16x144xf32, #tpu.memory_space<vmem_shared>>)
      tpu.yield
    }) : () -> ()
    %mul3A_28 = arith.constant 640 : i32
    %mul3A_29 = arith.muli %arg1, %mul3A_28 : i32
    %add3A_30 = arith.constant 48 : i32
    %add3A_31 = arith.addi %mul3A_29, %add3A_30 : i32
    "tpu.region"() ({
      %run_scoped3A = tpu.sem_alloc : memref<!tpu.dma_semaphore, #tpu.memory_space<semaphore_mem>>
      %dma_start3A_397 = arith.constant 0 : i32
      %dma_start3A_398 = tpu.memref_slice %arg35[%add3A_31, %dma_start3A_397] : memref<10240x144xf32, #tpu.memory_space<vmem_shared>> -> memref<16x144xf32, #tpu.memory_space<vmem_shared>>
      %dma_start3A_399 = arith.constant 0 : i32
      %dma_start3A_400 = tpu.memref_slice %arg35[%add3A_31, %dma_start3A_399] : memref<10240x144xf32, #tpu.memory_space<vmem_shared>> -> memref<16x144xf32, #tpu.memory_space<vmem_shared>>
      tpu.enqueue_dma source(%arg28 : memref<16x144xf32, #tpu.memory_space<vmem>>) target(%dma_start3A_400 : memref<16x144xf32, #tpu.memory_space<vmem_shared>>) target_semaphore(%run_scoped3A : memref<!tpu.dma_semaphore, #tpu.memory_space<semaphore_mem>>)
      %dma_wait3A_401 = arith.constant 0 : i32
      %dma_wait3A_402 = tpu.memref_slice %arg35[%add3A_31, %dma_wait3A_401] : memref<10240x144xf32, #tpu.memory_space<vmem_shared>> -> memref<16x144xf32, #tpu.memory_space<vmem_shared>>
      %dma_wait3A_403 = arith.constant 0 : i32
      %dma_wait3A_404 = tpu.memref_slice %arg35[%add3A_31, %dma_wait3A_403] : memref<10240x144xf32, #tpu.memory_space<vmem_shared>> -> memref<16x144xf32, #tpu.memory_space<vmem_shared>>
      tpu.wait_dma2 semaphore(%run_scoped3A : memref<!tpu.dma_semaphore, #tpu.memory_space<semaphore_mem>>) src(%arg28 : memref<16x144xf32, #tpu.memory_space<vmem>>) dst(%dma_wait3A_404 : memref<16x144xf32, #tpu.memory_space<vmem_shared>>)
      tpu.yield
    }) : () -> ()
    %mul3A_32 = arith.constant 640 : i32
    %mul3A_33 = arith.muli %arg1, %mul3A_32 : i32
    %add3A_34 = arith.constant 64 : i32
    %add3A_35 = arith.addi %mul3A_33, %add3A_34 : i32
    "tpu.region"() ({
      %run_scoped3A = tpu.sem_alloc : memref<!tpu.dma_semaphore, #tpu.memory_space<semaphore_mem>>
      %dma_start3A_397 = arith.constant 0 : i32
      %dma_start3A_398 = tpu.memref_slice %arg35[%add3A_35, %dma_start3A_397] : memref<10240x144xf32, #tpu.memory_space<vmem_shared>> -> memref<16x144xf32, #tpu.memory_space<vmem_shared>>
      %dma_start3A_399 = arith.constant 0 : i32
      %dma_start3A_400 = tpu.memref_slice %arg35[%add3A_35, %dma_start3A_399] : memref<10240x144xf32, #tpu.memory_space<vmem_shared>> -> memref<16x144xf32, #tpu.memory_space<vmem_shared>>
      tpu.enqueue_dma source(%arg28 : memref<16x144xf32, #tpu.memory_space<vmem>>) target(%dma_start3A_400 : memref<16x144xf32, #tpu.memory_space<vmem_shared>>) target_semaphore(%run_scoped3A : memref<!tpu.dma_semaphore, #tpu.memory_space<semaphore_mem>>)
      %dma_wait3A_401 = arith.constant 0 : i32
      %dma_wait3A_402 = tpu.memref_slice %arg35[%add3A_35, %dma_wait3A_401] : memref<10240x144xf32, #tpu.memory_space<vmem_shared>> -> memref<16x144xf32, #tpu.memory_space<vmem_shared>>
      %dma_wait3A_403 = arith.constant 0 : i32
      %dma_wait3A_404 = tpu.memref_slice %arg35[%add3A_35, %dma_wait3A_403] : memref<10240x144xf32, #tpu.memory_space<vmem_shared>> -> memref<16x144xf32, #tpu.memory_space<vmem_shared>>
      tpu.wait_dma2 semaphore(%run_scoped3A : memref<!tpu.dma_semaphore, #tpu.memory_space<semaphore_mem>>) src(%arg28 : memref<16x144xf32, #tpu.memory_space<vmem>>) dst(%dma_wait3A_404 : memref<16x144xf32, #tpu.memory_space<vmem_shared>>)
      tpu.yield
    }) : () -> ()
    %mul3A_36 = arith.constant 640 : i32
    %mul3A_37 = arith.muli %arg1, %mul3A_36 : i32
    %add3A_38 = arith.constant 80 : i32
    %add3A_39 = arith.addi %mul3A_37, %add3A_38 : i32
    "tpu.region"() ({
      %run_scoped3A = tpu.sem_alloc : memref<!tpu.dma_semaphore, #tpu.memory_space<semaphore_mem>>
      %dma_start3A_397 = arith.constant 0 : i32
      %dma_start3A_398 = tpu.memref_slice %arg35[%add3A_39, %dma_start3A_397] : memref<10240x144xf32, #tpu.memory_space<vmem_shared>> -> memref<16x144xf32, #tpu.memory_space<vmem_shared>>
      %dma_start3A_399 = arith.constant 0 : i32
      %dma_start3A_400 = tpu.memref_slice %arg35[%add3A_39, %dma_start3A_399] : memref<10240x144xf32, #tpu.memory_space<vmem_shared>> -> memref<16x144xf32, #tpu.memory_space<vmem_shared>>
      tpu.enqueue_dma source(%arg28 : memref<16x144xf32, #tpu.memory_space<vmem>>) target(%dma_start3A_400 : memref<16x144xf32, #tpu.memory_space<vmem_shared>>) target_semaphore(%run_scoped3A : memref<!tpu.dma_semaphore, #tpu.memory_space<semaphore_mem>>)
      %dma_wait3A_401 = arith.constant 0 : i32
      %dma_wait3A_402 = tpu.memref_slice %arg35[%add3A_39, %dma_wait3A_401] : memref<10240x144xf32, #tpu.memory_space<vmem_shared>> -> memref<16x144xf32, #tpu.memory_space<vmem_shared>>
      %dma_wait3A_403 = arith.constant 0 : i32
      %dma_wait3A_404 = tpu.memref_slice %arg35[%add3A_39, %dma_wait3A_403] : memref<10240x144xf32, #tpu.memory_space<vmem_shared>> -> memref<16x144xf32, #tpu.memory_space<vmem_shared>>
      tpu.wait_dma2 semaphore(%run_scoped3A : memref<!tpu.dma_semaphore, #tpu.memory_space<semaphore_mem>>) src(%arg28 : memref<16x144xf32, #tpu.memory_space<vmem>>) dst(%dma_wait3A_404 : memref<16x144xf32, #tpu.memory_space<vmem_shared>>)
      tpu.yield
    }) : () -> ()
    %mul3A_40 = arith.constant 640 : i32
    %mul3A_41 = arith.muli %arg1, %mul3A_40 : i32
    %add3A_42 = arith.constant 96 : i32
    %add3A_43 = arith.addi %mul3A_41, %add3A_42 : i32
    "tpu.region"() ({
      %run_scoped3A = tpu.sem_alloc : memref<!tpu.dma_semaphore, #tpu.memory_space<semaphore_mem>>
      %dma_start3A_397 = arith.constant 0 : i32
      %dma_start3A_398 = tpu.memref_slice %arg35[%add3A_43, %dma_start3A_397] : memref<10240x144xf32, #tpu.memory_space<vmem_shared>> -> memref<16x144xf32, #tpu.memory_space<vmem_shared>>
      %dma_start3A_399 = arith.constant 0 : i32
      %dma_start3A_400 = tpu.memref_slice %arg35[%add3A_43, %dma_start3A_399] : memref<10240x144xf32, #tpu.memory_space<vmem_shared>> -> memref<16x144xf32, #tpu.memory_space<vmem_shared>>
      tpu.enqueue_dma source(%arg28 : memref<16x144xf32, #tpu.memory_space<vmem>>) target(%dma_start3A_400 : memref<16x144xf32, #tpu.memory_space<vmem_shared>>) target_semaphore(%run_scoped3A : memref<!tpu.dma_semaphore, #tpu.memory_space<semaphore_mem>>)
      %dma_wait3A_401 = arith.constant 0 : i32
      %dma_wait3A_402 = tpu.memref_slice %arg35[%add3A_43, %dma_wait3A_401] : memref<10240x144xf32, #tpu.memory_space<vmem_shared>> -> memref<16x144xf32, #tpu.memory_space<vmem_shared>>
      %dma_wait3A_403 = arith.constant 0 : i32
      %dma_wait3A_404 = tpu.memref_slice %arg35[%add3A_43, %dma_wait3A_403] : memref<10240x144xf32, #tpu.memory_space<vmem_shared>> -> memref<16x144xf32, #tpu.memory_space<vmem_shared>>
      tpu.wait_dma2 semaphore(%run_scoped3A : memref<!tpu.dma_semaphore, #tpu.memory_space<semaphore_mem>>) src(%arg28 : memref<16x144xf32, #tpu.memory_space<vmem>>) dst(%dma_wait3A_404 : memref<16x144xf32, #tpu.memory_space<vmem_shared>>)
      tpu.yield
    }) : () -> ()
    %mul3A_44 = arith.constant 640 : i32
    %mul3A_45 = arith.muli %arg1, %mul3A_44 : i32
    %add3A_46 = arith.constant 112 : i32
    %add3A_47 = arith.addi %mul3A_45, %add3A_46 : i32
    "tpu.region"() ({
      %run_scoped3A = tpu.sem_alloc : memref<!tpu.dma_semaphore, #tpu.memory_space<semaphore_mem>>
      %dma_start3A_397 = arith.constant 0 : i32
      %dma_start3A_398 = tpu.memref_slice %arg35[%add3A_47, %dma_start3A_397] : memref<10240x144xf32, #tpu.memory_space<vmem_shared>> -> memref<16x144xf32, #tpu.memory_space<vmem_shared>>
      %dma_start3A_399 = arith.constant 0 : i32
      %dma_start3A_400 = tpu.memref_slice %arg35[%add3A_47, %dma_start3A_399] : memref<10240x144xf32, #tpu.memory_space<vmem_shared>> -> memref<16x144xf32, #tpu.memory_space<vmem_shared>>
      tpu.enqueue_dma source(%arg28 : memref<16x144xf32, #tpu.memory_space<vmem>>) target(%dma_start3A_400 : memref<16x144xf32, #tpu.memory_space<vmem_shared>>) target_semaphore(%run_scoped3A : memref<!tpu.dma_semaphore, #tpu.memory_space<semaphore_mem>>)
      %dma_wait3A_401 = arith.constant 0 : i32
      %dma_wait3A_402 = tpu.memref_slice %arg35[%add3A_47, %dma_wait3A_401] : memref<10240x144xf32, #tpu.memory_space<vmem_shared>> -> memref<16x144xf32, #tpu.memory_space<vmem_shared>>
      %dma_wait3A_403 = arith.constant 0 : i32
      %dma_wait3A_404 = tpu.memref_slice %arg35[%add3A_47, %dma_wait3A_403] : memref<10240x144xf32, #tpu.memory_space<vmem_shared>> -> memref<16x144xf32, #tpu.memory_space<vmem_shared>>
      tpu.wait_dma2 semaphore(%run_scoped3A : memref<!tpu.dma_semaphore, #tpu.memory_space<semaphore_mem>>) src(%arg28 : memref<16x144xf32, #tpu.memory_space<vmem>>) dst(%dma_wait3A_404 : memref<16x144xf32, #tpu.memory_space<vmem_shared>>)
      tpu.yield
    }) : () -> ()
    %mul3A_48 = arith.constant 640 : i32
    %mul3A_49 = arith.muli %arg1, %mul3A_48 : i32
    %add3A_50 = arith.constant 128 : i32
    %add3A_51 = arith.addi %mul3A_49, %add3A_50 : i32
    "tpu.region"() ({
      %run_scoped3A = tpu.sem_alloc : memref<!tpu.dma_semaphore, #tpu.memory_space<semaphore_mem>>
      %dma_start3A_397 = arith.constant 0 : i32
      %dma_start3A_398 = tpu.memref_slice %arg35[%add3A_51, %dma_start3A_397] : memref<10240x144xf32, #tpu.memory_space<vmem_shared>> -> memref<16x144xf32, #tpu.memory_space<vmem_shared>>
      %dma_start3A_399 = arith.constant 0 : i32
      %dma_start3A_400 = tpu.memref_slice %arg35[%add3A_51, %dma_start3A_399] : memref<10240x144xf32, #tpu.memory_space<vmem_shared>> -> memref<16x144xf32, #tpu.memory_space<vmem_shared>>
      tpu.enqueue_dma source(%arg28 : memref<16x144xf32, #tpu.memory_space<vmem>>) target(%dma_start3A_400 : memref<16x144xf32, #tpu.memory_space<vmem_shared>>) target_semaphore(%run_scoped3A : memref<!tpu.dma_semaphore, #tpu.memory_space<semaphore_mem>>)
      %dma_wait3A_401 = arith.constant 0 : i32
      %dma_wait3A_402 = tpu.memref_slice %arg35[%add3A_51, %dma_wait3A_401] : memref<10240x144xf32, #tpu.memory_space<vmem_shared>> -> memref<16x144xf32, #tpu.memory_space<vmem_shared>>
      %dma_wait3A_403 = arith.constant 0 : i32
      %dma_wait3A_404 = tpu.memref_slice %arg35[%add3A_51, %dma_wait3A_403] : memref<10240x144xf32, #tpu.memory_space<vmem_shared>> -> memref<16x144xf32, #tpu.memory_space<vmem_shared>>
      tpu.wait_dma2 semaphore(%run_scoped3A : memref<!tpu.dma_semaphore, #tpu.memory_space<semaphore_mem>>) src(%arg28 : memref<16x144xf32, #tpu.memory_space<vmem>>) dst(%dma_wait3A_404 : memref<16x144xf32, #tpu.memory_space<vmem_shared>>)
      tpu.yield
    }) : () -> ()
    %mul3A_52 = arith.constant 640 : i32
    %mul3A_53 = arith.muli %arg1, %mul3A_52 : i32
    %add3A_54 = arith.constant 144 : i32
    %add3A_55 = arith.addi %mul3A_53, %add3A_54 : i32
    "tpu.region"() ({
      %run_scoped3A = tpu.sem_alloc : memref<!tpu.dma_semaphore, #tpu.memory_space<semaphore_mem>>
      %dma_start3A_397 = arith.constant 0 : i32
      %dma_start3A_398 = tpu.memref_slice %arg35[%add3A_55, %dma_start3A_397] : memref<10240x144xf32, #tpu.memory_space<vmem_shared>> -> memref<16x144xf32, #tpu.memory_space<vmem_shared>>
      %dma_start3A_399 = arith.constant 0 : i32
      %dma_start3A_400 = tpu.memref_slice %arg35[%add3A_55, %dma_start3A_399] : memref<10240x144xf32, #tpu.memory_space<vmem_shared>> -> memref<16x144xf32, #tpu.memory_space<vmem_shared>>
      tpu.enqueue_dma source(%arg28 : memref<16x144xf32, #tpu.memory_space<vmem>>) target(%dma_start3A_400 : memref<16x144xf32, #tpu.memory_space<vmem_shared>>) target_semaphore(%run_scoped3A : memref<!tpu.dma_semaphore, #tpu.memory_space<semaphore_mem>>)
      %dma_wait3A_401 = arith.constant 0 : i32
      %dma_wait3A_402 = tpu.memref_slice %arg35[%add3A_55, %dma_wait3A_401] : memref<10240x144xf32, #tpu.memory_space<vmem_shared>> -> memref<16x144xf32, #tpu.memory_space<vmem_shared>>
      %dma_wait3A_403 = arith.constant 0 : i32
      %dma_wait3A_404 = tpu.memref_slice %arg35[%add3A_55, %dma_wait3A_403] : memref<10240x144xf32, #tpu.memory_space<vmem_shared>> -> memref<16x144xf32, #tpu.memory_space<vmem_shared>>
      tpu.wait_dma2 semaphore(%run_scoped3A : memref<!tpu.dma_semaphore, #tpu.memory_space<semaphore_mem>>) src(%arg28 : memref<16x144xf32, #tpu.memory_space<vmem>>) dst(%dma_wait3A_404 : memref<16x144xf32, #tpu.memory_space<vmem_shared>>)
      tpu.yield
    }) : () -> ()
    %mul3A_56 = arith.constant 640 : i32
    %mul3A_57 = arith.muli %arg1, %mul3A_56 : i32
    %add3A_58 = arith.constant 160 : i32
    %add3A_59 = arith.addi %mul3A_57, %add3A_58 : i32
    "tpu.region"() ({
      %run_scoped3A = tpu.sem_alloc : memref<!tpu.dma_semaphore, #tpu.memory_space<semaphore_mem>>
      %dma_start3A_397 = arith.constant 0 : i32
      %dma_start3A_398 = tpu.memref_slice %arg35[%add3A_59, %dma_start3A_397] : memref<10240x144xf32, #tpu.memory_space<vmem_shared>> -> memref<16x144xf32, #tpu.memory_space<vmem_shared>>
      %dma_start3A_399 = arith.constant 0 : i32
      %dma_start3A_400 = tpu.memref_slice %arg35[%add3A_59, %dma_start3A_399] : memref<10240x144xf32, #tpu.memory_space<vmem_shared>> -> memref<16x144xf32, #tpu.memory_space<vmem_shared>>
      tpu.enqueue_dma source(%arg28 : memref<16x144xf32, #tpu.memory_space<vmem>>) target(%dma_start3A_400 : memref<16x144xf32, #tpu.memory_space<vmem_shared>>) target_semaphore(%run_scoped3A : memref<!tpu.dma_semaphore, #tpu.memory_space<semaphore_mem>>)
      %dma_wait3A_401 = arith.constant 0 : i32
      %dma_wait3A_402 = tpu.memref_slice %arg35[%add3A_59, %dma_wait3A_401] : memref<10240x144xf32, #tpu.memory_space<vmem_shared>> -> memref<16x144xf32, #tpu.memory_space<vmem_shared>>
      %dma_wait3A_403 = arith.constant 0 : i32
      %dma_wait3A_404 = tpu.memref_slice %arg35[%add3A_59, %dma_wait3A_403] : memref<10240x144xf32, #tpu.memory_space<vmem_shared>> -> memref<16x144xf32, #tpu.memory_space<vmem_shared>>
      tpu.wait_dma2 semaphore(%run_scoped3A : memref<!tpu.dma_semaphore, #tpu.memory_space<semaphore_mem>>) src(%arg28 : memref<16x144xf32, #tpu.memory_space<vmem>>) dst(%dma_wait3A_404 : memref<16x144xf32, #tpu.memory_space<vmem_shared>>)
      tpu.yield
    }) : () -> ()
    %mul3A_60 = arith.constant 640 : i32
    %mul3A_61 = arith.muli %arg1, %mul3A_60 : i32
    %add3A_62 = arith.constant 176 : i32
    %add3A_63 = arith.addi %mul3A_61, %add3A_62 : i32
    "tpu.region"() ({
      %run_scoped3A = tpu.sem_alloc : memref<!tpu.dma_semaphore, #tpu.memory_space<semaphore_mem>>
      %dma_start3A_397 = arith.constant 0 : i32
      %dma_start3A_398 = tpu.memref_slice %arg35[%add3A_63, %dma_start3A_397] : memref<10240x144xf32, #tpu.memory_space<vmem_shared>> -> memref<16x144xf32, #tpu.memory_space<vmem_shared>>
      %dma_start3A_399 = arith.constant 0 : i32
      %dma_start3A_400 = tpu.memref_slice %arg35[%add3A_63, %dma_start3A_399] : memref<10240x144xf32, #tpu.memory_space<vmem_shared>> -> memref<16x144xf32, #tpu.memory_space<vmem_shared>>
      tpu.enqueue_dma source(%arg28 : memref<16x144xf32, #tpu.memory_space<vmem>>) target(%dma_start3A_400 : memref<16x144xf32, #tpu.memory_space<vmem_shared>>) target_semaphore(%run_scoped3A : memref<!tpu.dma_semaphore, #tpu.memory_space<semaphore_mem>>)
      %dma_wait3A_401 = arith.constant 0 : i32
      %dma_wait3A_402 = tpu.memref_slice %arg35[%add3A_63, %dma_wait3A_401] : memref<10240x144xf32, #tpu.memory_space<vmem_shared>> -> memref<16x144xf32, #tpu.memory_space<vmem_shared>>
      %dma_wait3A_403 = arith.constant 0 : i32
      %dma_wait3A_404 = tpu.memref_slice %arg35[%add3A_63, %dma_wait3A_403] : memref<10240x144xf32, #tpu.memory_space<vmem_shared>> -> memref<16x144xf32, #tpu.memory_space<vmem_shared>>
      tpu.wait_dma2 semaphore(%run_scoped3A : memref<!tpu.dma_semaphore, #tpu.memory_space<semaphore_mem>>) src(%arg28 : memref<16x144xf32, #tpu.memory_space<vmem>>) dst(%dma_wait3A_404 : memref<16x144xf32, #tpu.memory_space<vmem_shared>>)
      tpu.yield
    }) : () -> ()
    %mul3A_64 = arith.constant 640 : i32
    %mul3A_65 = arith.muli %arg1, %mul3A_64 : i32
    %add3A_66 = arith.constant 192 : i32
    %add3A_67 = arith.addi %mul3A_65, %add3A_66 : i32
    "tpu.region"() ({
      %run_scoped3A = tpu.sem_alloc : memref<!tpu.dma_semaphore, #tpu.memory_space<semaphore_mem>>
      %dma_start3A_397 = arith.constant 0 : i32
      %dma_start3A_398 = tpu.memref_slice %arg35[%add3A_67, %dma_start3A_397] : memref<10240x144xf32, #tpu.memory_space<vmem_shared>> -> memref<16x144xf32, #tpu.memory_space<vmem_shared>>
      %dma_start3A_399 = arith.constant 0 : i32
      %dma_start3A_400 = tpu.memref_slice %arg35[%add3A_67, %dma_start3A_399] : memref<10240x144xf32, #tpu.memory_space<vmem_shared>> -> memref<16x144xf32, #tpu.memory_space<vmem_shared>>
      tpu.enqueue_dma source(%arg28 : memref<16x144xf32, #tpu.memory_space<vmem>>) target(%dma_start3A_400 : memref<16x144xf32, #tpu.memory_space<vmem_shared>>) target_semaphore(%run_scoped3A : memref<!tpu.dma_semaphore, #tpu.memory_space<semaphore_mem>>)
      %dma_wait3A_401 = arith.constant 0 : i32
      %dma_wait3A_402 = tpu.memref_slice %arg35[%add3A_67, %dma_wait3A_401] : memref<10240x144xf32, #tpu.memory_space<vmem_shared>> -> memref<16x144xf32, #tpu.memory_space<vmem_shared>>
      %dma_wait3A_403 = arith.constant 0 : i32
      %dma_wait3A_404 = tpu.memref_slice %arg35[%add3A_67, %dma_wait3A_403] : memref<10240x144xf32, #tpu.memory_space<vmem_shared>> -> memref<16x144xf32, #tpu.memory_space<vmem_shared>>
      tpu.wait_dma2 semaphore(%run_scoped3A : memref<!tpu.dma_semaphore, #tpu.memory_space<semaphore_mem>>) src(%arg28 : memref<16x144xf32, #tpu.memory_space<vmem>>) dst(%dma_wait3A_404 : memref<16x144xf32, #tpu.memory_space<vmem_shared>>)
      tpu.yield
    }) : () -> ()
    %mul3A_68 = arith.constant 640 : i32
    %mul3A_69 = arith.muli %arg1, %mul3A_68 : i32
    %add3A_70 = arith.constant 208 : i32
    %add3A_71 = arith.addi %mul3A_69, %add3A_70 : i32
    "tpu.region"() ({
      %run_scoped3A = tpu.sem_alloc : memref<!tpu.dma_semaphore, #tpu.memory_space<semaphore_mem>>
      %dma_start3A_397 = arith.constant 0 : i32
      %dma_start3A_398 = tpu.memref_slice %arg35[%add3A_71, %dma_start3A_397] : memref<10240x144xf32, #tpu.memory_space<vmem_shared>> -> memref<16x144xf32, #tpu.memory_space<vmem_shared>>
      %dma_start3A_399 = arith.constant 0 : i32
      %dma_start3A_400 = tpu.memref_slice %arg35[%add3A_71, %dma_start3A_399] : memref<10240x144xf32, #tpu.memory_space<vmem_shared>> -> memref<16x144xf32, #tpu.memory_space<vmem_shared>>
      tpu.enqueue_dma source(%arg28 : memref<16x144xf32, #tpu.memory_space<vmem>>) target(%dma_start3A_400 : memref<16x144xf32, #tpu.memory_space<vmem_shared>>) target_semaphore(%run_scoped3A : memref<!tpu.dma_semaphore, #tpu.memory_space<semaphore_mem>>)
      %dma_wait3A_401 = arith.constant 0 : i32
      %dma_wait3A_402 = tpu.memref_slice %arg35[%add3A_71, %dma_wait3A_401] : memref<10240x144xf32, #tpu.memory_space<vmem_shared>> -> memref<16x144xf32, #tpu.memory_space<vmem_shared>>
      %dma_wait3A_403 = arith.constant 0 : i32
      %dma_wait3A_404 = tpu.memref_slice %arg35[%add3A_71, %dma_wait3A_403] : memref<10240x144xf32, #tpu.memory_space<vmem_shared>> -> memref<16x144xf32, #tpu.memory_space<vmem_shared>>
      tpu.wait_dma2 semaphore(%run_scoped3A : memref<!tpu.dma_semaphore, #tpu.memory_space<semaphore_mem>>) src(%arg28 : memref<16x144xf32, #tpu.memory_space<vmem>>) dst(%dma_wait3A_404 : memref<16x144xf32, #tpu.memory_space<vmem_shared>>)
      tpu.yield
    }) : () -> ()
    %mul3A_72 = arith.constant 640 : i32
    %mul3A_73 = arith.muli %arg1, %mul3A_72 : i32
    %add3A_74 = arith.constant 224 : i32
    %add3A_75 = arith.addi %mul3A_73, %add3A_74 : i32
    "tpu.region"() ({
      %run_scoped3A = tpu.sem_alloc : memref<!tpu.dma_semaphore, #tpu.memory_space<semaphore_mem>>
      %dma_start3A_397 = arith.constant 0 : i32
      %dma_start3A_398 = tpu.memref_slice %arg35[%add3A_75, %dma_start3A_397] : memref<10240x144xf32, #tpu.memory_space<vmem_shared>> -> memref<16x144xf32, #tpu.memory_space<vmem_shared>>
      %dma_start3A_399 = arith.constant 0 : i32
      %dma_start3A_400 = tpu.memref_slice %arg35[%add3A_75, %dma_start3A_399] : memref<10240x144xf32, #tpu.memory_space<vmem_shared>> -> memref<16x144xf32, #tpu.memory_space<vmem_shared>>
      tpu.enqueue_dma source(%arg28 : memref<16x144xf32, #tpu.memory_space<vmem>>) target(%dma_start3A_400 : memref<16x144xf32, #tpu.memory_space<vmem_shared>>) target_semaphore(%run_scoped3A : memref<!tpu.dma_semaphore, #tpu.memory_space<semaphore_mem>>)
      %dma_wait3A_401 = arith.constant 0 : i32
      %dma_wait3A_402 = tpu.memref_slice %arg35[%add3A_75, %dma_wait3A_401] : memref<10240x144xf32, #tpu.memory_space<vmem_shared>> -> memref<16x144xf32, #tpu.memory_space<vmem_shared>>
      %dma_wait3A_403 = arith.constant 0 : i32
      %dma_wait3A_404 = tpu.memref_slice %arg35[%add3A_75, %dma_wait3A_403] : memref<10240x144xf32, #tpu.memory_space<vmem_shared>> -> memref<16x144xf32, #tpu.memory_space<vmem_shared>>
      tpu.wait_dma2 semaphore(%run_scoped3A : memref<!tpu.dma_semaphore, #tpu.memory_space<semaphore_mem>>) src(%arg28 : memref<16x144xf32, #tpu.memory_space<vmem>>) dst(%dma_wait3A_404 : memref<16x144xf32, #tpu.memory_space<vmem_shared>>)
      tpu.yield
    }) : () -> ()
    %mul3A_76 = arith.constant 640 : i32
    %mul3A_77 = arith.muli %arg1, %mul3A_76 : i32
    %add3A_78 = arith.constant 240 : i32
    %add3A_79 = arith.addi %mul3A_77, %add3A_78 : i32
    "tpu.region"() ({
      %run_scoped3A = tpu.sem_alloc : memref<!tpu.dma_semaphore, #tpu.memory_space<semaphore_mem>>
      %dma_start3A_397 = arith.constant 0 : i32
      %dma_start3A_398 = tpu.memref_slice %arg35[%add3A_79, %dma_start3A_397] : memref<10240x144xf32, #tpu.memory_space<vmem_shared>> -> memref<16x144xf32, #tpu.memory_space<vmem_shared>>
      %dma_start3A_399 = arith.constant 0 : i32
      %dma_start3A_400 = tpu.memref_slice %arg35[%add3A_79, %dma_start3A_399] : memref<10240x144xf32, #tpu.memory_space<vmem_shared>> -> memref<16x144xf32, #tpu.memory_space<vmem_shared>>
      tpu.enqueue_dma source(%arg28 : memref<16x144xf32, #tpu.memory_space<vmem>>) target(%dma_start3A_400 : memref<16x144xf32, #tpu.memory_space<vmem_shared>>) target_semaphore(%run_scoped3A : memref<!tpu.dma_semaphore, #tpu.memory_space<semaphore_mem>>)
      %dma_wait3A_401 = arith.constant 0 : i32
      %dma_wait3A_402 = tpu.memref_slice %arg35[%add3A_79, %dma_wait3A_401] : memref<10240x144xf32, #tpu.memory_space<vmem_shared>> -> memref<16x144xf32, #tpu.memory_space<vmem_shared>>
      %dma_wait3A_403 = arith.constant 0 : i32
      %dma_wait3A_404 = tpu.memref_slice %arg35[%add3A_79, %dma_wait3A_403] : memref<10240x144xf32, #tpu.memory_space<vmem_shared>> -> memref<16x144xf32, #tpu.memory_space<vmem_shared>>
      tpu.wait_dma2 semaphore(%run_scoped3A : memref<!tpu.dma_semaphore, #tpu.memory_space<semaphore_mem>>) src(%arg28 : memref<16x144xf32, #tpu.memory_space<vmem>>) dst(%dma_wait3A_404 : memref<16x144xf32, #tpu.memory_space<vmem_shared>>)
      tpu.yield
    }) : () -> ()
    %mul3A_80 = arith.constant 640 : i32
    %mul3A_81 = arith.muli %arg1, %mul3A_80 : i32
    %add3A_82 = arith.constant 256 : i32
    %add3A_83 = arith.addi %mul3A_81, %add3A_82 : i32
    "tpu.region"() ({
      %run_scoped3A = tpu.sem_alloc : memref<!tpu.dma_semaphore, #tpu.memory_space<semaphore_mem>>
      %dma_start3A_397 = arith.constant 0 : i32
      %dma_start3A_398 = tpu.memref_slice %arg35[%add3A_83, %dma_start3A_397] : memref<10240x144xf32, #tpu.memory_space<vmem_shared>> -> memref<16x144xf32, #tpu.memory_space<vmem_shared>>
      %dma_start3A_399 = arith.constant 0 : i32
      %dma_start3A_400 = tpu.memref_slice %arg35[%add3A_83, %dma_start3A_399] : memref<10240x144xf32, #tpu.memory_space<vmem_shared>> -> memref<16x144xf32, #tpu.memory_space<vmem_shared>>
      tpu.enqueue_dma source(%arg28 : memref<16x144xf32, #tpu.memory_space<vmem>>) target(%dma_start3A_400 : memref<16x144xf32, #tpu.memory_space<vmem_shared>>) target_semaphore(%run_scoped3A : memref<!tpu.dma_semaphore, #tpu.memory_space<semaphore_mem>>)
      %dma_wait3A_401 = arith.constant 0 : i32
      %dma_wait3A_402 = tpu.memref_slice %arg35[%add3A_83, %dma_wait3A_401] : memref<10240x144xf32, #tpu.memory_space<vmem_shared>> -> memref<16x144xf32, #tpu.memory_space<vmem_shared>>
      %dma_wait3A_403 = arith.constant 0 : i32
      %dma_wait3A_404 = tpu.memref_slice %arg35[%add3A_83, %dma_wait3A_403] : memref<10240x144xf32, #tpu.memory_space<vmem_shared>> -> memref<16x144xf32, #tpu.memory_space<vmem_shared>>
      tpu.wait_dma2 semaphore(%run_scoped3A : memref<!tpu.dma_semaphore, #tpu.memory_space<semaphore_mem>>) src(%arg28 : memref<16x144xf32, #tpu.memory_space<vmem>>) dst(%dma_wait3A_404 : memref<16x144xf32, #tpu.memory_space<vmem_shared>>)
      tpu.yield
    }) : () -> ()
    %mul3A_84 = arith.constant 640 : i32
    %mul3A_85 = arith.muli %arg1, %mul3A_84 : i32
    %add3A_86 = arith.constant 272 : i32
    %add3A_87 = arith.addi %mul3A_85, %add3A_86 : i32
    "tpu.region"() ({
      %run_scoped3A = tpu.sem_alloc : memref<!tpu.dma_semaphore, #tpu.memory_space<semaphore_mem>>
      %dma_start3A_397 = arith.constant 0 : i32
      %dma_start3A_398 = tpu.memref_slice %arg35[%add3A_87, %dma_start3A_397] : memref<10240x144xf32, #tpu.memory_space<vmem_shared>> -> memref<16x144xf32, #tpu.memory_space<vmem_shared>>
      %dma_start3A_399 = arith.constant 0 : i32
      %dma_start3A_400 = tpu.memref_slice %arg35[%add3A_87, %dma_start3A_399] : memref<10240x144xf32, #tpu.memory_space<vmem_shared>> -> memref<16x144xf32, #tpu.memory_space<vmem_shared>>
      tpu.enqueue_dma source(%arg28 : memref<16x144xf32, #tpu.memory_space<vmem>>) target(%dma_start3A_400 : memref<16x144xf32, #tpu.memory_space<vmem_shared>>) target_semaphore(%run_scoped3A : memref<!tpu.dma_semaphore, #tpu.memory_space<semaphore_mem>>)
      %dma_wait3A_401 = arith.constant 0 : i32
      %dma_wait3A_402 = tpu.memref_slice %arg35[%add3A_87, %dma_wait3A_401] : memref<10240x144xf32, #tpu.memory_space<vmem_shared>> -> memref<16x144xf32, #tpu.memory_space<vmem_shared>>
      %dma_wait3A_403 = arith.constant 0 : i32
      %dma_wait3A_404 = tpu.memref_slice %arg35[%add3A_87, %dma_wait3A_403] : memref<10240x144xf32, #tpu.memory_space<vmem_shared>> -> memref<16x144xf32, #tpu.memory_space<vmem_shared>>
      tpu.wait_dma2 semaphore(%run_scoped3A : memref<!tpu.dma_semaphore, #tpu.memory_space<semaphore_mem>>) src(%arg28 : memref<16x144xf32, #tpu.memory_space<vmem>>) dst(%dma_wait3A_404 : memref<16x144xf32, #tpu.memory_space<vmem_shared>>)
      tpu.yield
    }) : () -> ()
    %mul3A_88 = arith.constant 640 : i32
    %mul3A_89 = arith.muli %arg1, %mul3A_88 : i32
    %add3A_90 = arith.constant 288 : i32
    %add3A_91 = arith.addi %mul3A_89, %add3A_90 : i32
    "tpu.region"() ({
      %run_scoped3A = tpu.sem_alloc : memref<!tpu.dma_semaphore, #tpu.memory_space<semaphore_mem>>
      %dma_start3A_397 = arith.constant 0 : i32
      %dma_start3A_398 = tpu.memref_slice %arg35[%add3A_91, %dma_start3A_397] : memref<10240x144xf32, #tpu.memory_space<vmem_shared>> -> memref<16x144xf32, #tpu.memory_space<vmem_shared>>
      %dma_start3A_399 = arith.constant 0 : i32
      %dma_start3A_400 = tpu.memref_slice %arg35[%add3A_91, %dma_start3A_399] : memref<10240x144xf32, #tpu.memory_space<vmem_shared>> -> memref<16x144xf32, #tpu.memory_space<vmem_shared>>
      tpu.enqueue_dma source(%arg28 : memref<16x144xf32, #tpu.memory_space<vmem>>) target(%dma_start3A_400 : memref<16x144xf32, #tpu.memory_space<vmem_shared>>) target_semaphore(%run_scoped3A : memref<!tpu.dma_semaphore, #tpu.memory_space<semaphore_mem>>)
      %dma_wait3A_401 = arith.constant 0 : i32
      %dma_wait3A_402 = tpu.memref_slice %arg35[%add3A_91, %dma_wait3A_401] : memref<10240x144xf32, #tpu.memory_space<vmem_shared>> -> memref<16x144xf32, #tpu.memory_space<vmem_shared>>
      %dma_wait3A_403 = arith.constant 0 : i32
      %dma_wait3A_404 = tpu.memref_slice %arg35[%add3A_91, %dma_wait3A_403] : memref<10240x144xf32, #tpu.memory_space<vmem_shared>> -> memref<16x144xf32, #tpu.memory_space<vmem_shared>>
      tpu.wait_dma2 semaphore(%run_scoped3A : memref<!tpu.dma_semaphore, #tpu.memory_space<semaphore_mem>>) src(%arg28 : memref<16x144xf32, #tpu.memory_space<vmem>>) dst(%dma_wait3A_404 : memref<16x144xf32, #tpu.memory_space<vmem_shared>>)
      tpu.yield
    }) : () -> ()
    %mul3A_92 = arith.constant 640 : i32
    %mul3A_93 = arith.muli %arg1, %mul3A_92 : i32
    %add3A_94 = arith.constant 304 : i32
    %add3A_95 = arith.addi %mul3A_93, %add3A_94 : i32
    "tpu.region"() ({
      %run_scoped3A = tpu.sem_alloc : memref<!tpu.dma_semaphore, #tpu.memory_space<semaphore_mem>>
      %dma_start3A_397 = arith.constant 0 : i32
      %dma_start3A_398 = tpu.memref_slice %arg35[%add3A_95, %dma_start3A_397] : memref<10240x144xf32, #tpu.memory_space<vmem_shared>> -> memref<16x144xf32, #tpu.memory_space<vmem_shared>>
      %dma_start3A_399 = arith.constant 0 : i32
      %dma_start3A_400 = tpu.memref_slice %arg35[%add3A_95, %dma_start3A_399] : memref<10240x144xf32, #tpu.memory_space<vmem_shared>> -> memref<16x144xf32, #tpu.memory_space<vmem_shared>>
      tpu.enqueue_dma source(%arg28 : memref<16x144xf32, #tpu.memory_space<vmem>>) target(%dma_start3A_400 : memref<16x144xf32, #tpu.memory_space<vmem_shared>>) target_semaphore(%run_scoped3A : memref<!tpu.dma_semaphore, #tpu.memory_space<semaphore_mem>>)
      %dma_wait3A_401 = arith.constant 0 : i32
      %dma_wait3A_402 = tpu.memref_slice %arg35[%add3A_95, %dma_wait3A_401] : memref<10240x144xf32, #tpu.memory_space<vmem_shared>> -> memref<16x144xf32, #tpu.memory_space<vmem_shared>>
      %dma_wait3A_403 = arith.constant 0 : i32
      %dma_wait3A_404 = tpu.memref_slice %arg35[%add3A_95, %dma_wait3A_403] : memref<10240x144xf32, #tpu.memory_space<vmem_shared>> -> memref<16x144xf32, #tpu.memory_space<vmem_shared>>
      tpu.wait_dma2 semaphore(%run_scoped3A : memref<!tpu.dma_semaphore, #tpu.memory_space<semaphore_mem>>) src(%arg28 : memref<16x144xf32, #tpu.memory_space<vmem>>) dst(%dma_wait3A_404 : memref<16x144xf32, #tpu.memory_space<vmem_shared>>)
      tpu.yield
    }) : () -> ()
    %mul3A_96 = arith.constant 640 : i32
    %mul3A_97 = arith.muli %arg1, %mul3A_96 : i32
    %add3A_98 = arith.constant 320 : i32
    %add3A_99 = arith.addi %mul3A_97, %add3A_98 : i32
    "tpu.region"() ({
      %run_scoped3A = tpu.sem_alloc : memref<!tpu.dma_semaphore, #tpu.memory_space<semaphore_mem>>
      %dma_start3A_397 = arith.constant 0 : i32
      %dma_start3A_398 = tpu.memref_slice %arg35[%add3A_99, %dma_start3A_397] : memref<10240x144xf32, #tpu.memory_space<vmem_shared>> -> memref<16x144xf32, #tpu.memory_space<vmem_shared>>
      %dma_start3A_399 = arith.constant 0 : i32
      %dma_start3A_400 = tpu.memref_slice %arg35[%add3A_99, %dma_start3A_399] : memref<10240x144xf32, #tpu.memory_space<vmem_shared>> -> memref<16x144xf32, #tpu.memory_space<vmem_shared>>
      tpu.enqueue_dma source(%arg28 : memref<16x144xf32, #tpu.memory_space<vmem>>) target(%dma_start3A_400 : memref<16x144xf32, #tpu.memory_space<vmem_shared>>) target_semaphore(%run_scoped3A : memref<!tpu.dma_semaphore, #tpu.memory_space<semaphore_mem>>)
      %dma_wait3A_401 = arith.constant 0 : i32
      %dma_wait3A_402 = tpu.memref_slice %arg35[%add3A_99, %dma_wait3A_401] : memref<10240x144xf32, #tpu.memory_space<vmem_shared>> -> memref<16x144xf32, #tpu.memory_space<vmem_shared>>
      %dma_wait3A_403 = arith.constant 0 : i32
      %dma_wait3A_404 = tpu.memref_slice %arg35[%add3A_99, %dma_wait3A_403] : memref<10240x144xf32, #tpu.memory_space<vmem_shared>> -> memref<16x144xf32, #tpu.memory_space<vmem_shared>>
      tpu.wait_dma2 semaphore(%run_scoped3A : memref<!tpu.dma_semaphore, #tpu.memory_space<semaphore_mem>>) src(%arg28 : memref<16x144xf32, #tpu.memory_space<vmem>>) dst(%dma_wait3A_404 : memref<16x144xf32, #tpu.memory_space<vmem_shared>>)
      tpu.yield
    }) : () -> ()
    %mul3A_100 = arith.constant 640 : i32
    %mul3A_101 = arith.muli %arg1, %mul3A_100 : i32
    %add3A_102 = arith.constant 336 : i32
    %add3A_103 = arith.addi %mul3A_101, %add3A_102 : i32
    "tpu.region"() ({
      %run_scoped3A = tpu.sem_alloc : memref<!tpu.dma_semaphore, #tpu.memory_space<semaphore_mem>>
      %dma_start3A_397 = arith.constant 0 : i32
      %dma_start3A_398 = tpu.memref_slice %arg35[%add3A_103, %dma_start3A_397] : memref<10240x144xf32, #tpu.memory_space<vmem_shared>> -> memref<16x144xf32, #tpu.memory_space<vmem_shared>>
      %dma_start3A_399 = arith.constant 0 : i32
      %dma_start3A_400 = tpu.memref_slice %arg35[%add3A_103, %dma_start3A_399] : memref<10240x144xf32, #tpu.memory_space<vmem_shared>> -> memref<16x144xf32, #tpu.memory_space<vmem_shared>>
      tpu.enqueue_dma source(%arg28 : memref<16x144xf32, #tpu.memory_space<vmem>>) target(%dma_start3A_400 : memref<16x144xf32, #tpu.memory_space<vmem_shared>>) target_semaphore(%run_scoped3A : memref<!tpu.dma_semaphore, #tpu.memory_space<semaphore_mem>>)
      %dma_wait3A_401 = arith.constant 0 : i32
      %dma_wait3A_402 = tpu.memref_slice %arg35[%add3A_103, %dma_wait3A_401] : memref<10240x144xf32, #tpu.memory_space<vmem_shared>> -> memref<16x144xf32, #tpu.memory_space<vmem_shared>>
      %dma_wait3A_403 = arith.constant 0 : i32
      %dma_wait3A_404 = tpu.memref_slice %arg35[%add3A_103, %dma_wait3A_403] : memref<10240x144xf32, #tpu.memory_space<vmem_shared>> -> memref<16x144xf32, #tpu.memory_space<vmem_shared>>
      tpu.wait_dma2 semaphore(%run_scoped3A : memref<!tpu.dma_semaphore, #tpu.memory_space<semaphore_mem>>) src(%arg28 : memref<16x144xf32, #tpu.memory_space<vmem>>) dst(%dma_wait3A_404 : memref<16x144xf32, #tpu.memory_space<vmem_shared>>)
      tpu.yield
    }) : () -> ()
    %mul3A_104 = arith.constant 640 : i32
    %mul3A_105 = arith.muli %arg1, %mul3A_104 : i32
    %add3A_106 = arith.constant 352 : i32
    %add3A_107 = arith.addi %mul3A_105, %add3A_106 : i32
    "tpu.region"() ({
      %run_scoped3A = tpu.sem_alloc : memref<!tpu.dma_semaphore, #tpu.memory_space<semaphore_mem>>
      %dma_start3A_397 = arith.constant 0 : i32
      %dma_start3A_398 = tpu.memref_slice %arg35[%add3A_107, %dma_start3A_397] : memref<10240x144xf32, #tpu.memory_space<vmem_shared>> -> memref<16x144xf32, #tpu.memory_space<vmem_shared>>
      %dma_start3A_399 = arith.constant 0 : i32
      %dma_start3A_400 = tpu.memref_slice %arg35[%add3A_107, %dma_start3A_399] : memref<10240x144xf32, #tpu.memory_space<vmem_shared>> -> memref<16x144xf32, #tpu.memory_space<vmem_shared>>
      tpu.enqueue_dma source(%arg28 : memref<16x144xf32, #tpu.memory_space<vmem>>) target(%dma_start3A_400 : memref<16x144xf32, #tpu.memory_space<vmem_shared>>) target_semaphore(%run_scoped3A : memref<!tpu.dma_semaphore, #tpu.memory_space<semaphore_mem>>)
      %dma_wait3A_401 = arith.constant 0 : i32
      %dma_wait3A_402 = tpu.memref_slice %arg35[%add3A_107, %dma_wait3A_401] : memref<10240x144xf32, #tpu.memory_space<vmem_shared>> -> memref<16x144xf32, #tpu.memory_space<vmem_shared>>
      %dma_wait3A_403 = arith.constant 0 : i32
      %dma_wait3A_404 = tpu.memref_slice %arg35[%add3A_107, %dma_wait3A_403] : memref<10240x144xf32, #tpu.memory_space<vmem_shared>> -> memref<16x144xf32, #tpu.memory_space<vmem_shared>>
      tpu.wait_dma2 semaphore(%run_scoped3A : memref<!tpu.dma_semaphore, #tpu.memory_space<semaphore_mem>>) src(%arg28 : memref<16x144xf32, #tpu.memory_space<vmem>>) dst(%dma_wait3A_404 : memref<16x144xf32, #tpu.memory_space<vmem_shared>>)
      tpu.yield
    }) : () -> ()
    %mul3A_108 = arith.constant 640 : i32
    %mul3A_109 = arith.muli %arg1, %mul3A_108 : i32
    %add3A_110 = arith.constant 368 : i32
    %add3A_111 = arith.addi %mul3A_109, %add3A_110 : i32
    "tpu.region"() ({
      %run_scoped3A = tpu.sem_alloc : memref<!tpu.dma_semaphore, #tpu.memory_space<semaphore_mem>>
      %dma_start3A_397 = arith.constant 0 : i32
      %dma_start3A_398 = tpu.memref_slice %arg35[%add3A_111, %dma_start3A_397] : memref<10240x144xf32, #tpu.memory_space<vmem_shared>> -> memref<16x144xf32, #tpu.memory_space<vmem_shared>>
      %dma_start3A_399 = arith.constant 0 : i32
      %dma_start3A_400 = tpu.memref_slice %arg35[%add3A_111, %dma_start3A_399] : memref<10240x144xf32, #tpu.memory_space<vmem_shared>> -> memref<16x144xf32, #tpu.memory_space<vmem_shared>>
      tpu.enqueue_dma source(%arg28 : memref<16x144xf32, #tpu.memory_space<vmem>>) target(%dma_start3A_400 : memref<16x144xf32, #tpu.memory_space<vmem_shared>>) target_semaphore(%run_scoped3A : memref<!tpu.dma_semaphore, #tpu.memory_space<semaphore_mem>>)
      %dma_wait3A_401 = arith.constant 0 : i32
      %dma_wait3A_402 = tpu.memref_slice %arg35[%add3A_111, %dma_wait3A_401] : memref<10240x144xf32, #tpu.memory_space<vmem_shared>> -> memref<16x144xf32, #tpu.memory_space<vmem_shared>>
      %dma_wait3A_403 = arith.constant 0 : i32
      %dma_wait3A_404 = tpu.memref_slice %arg35[%add3A_111, %dma_wait3A_403] : memref<10240x144xf32, #tpu.memory_space<vmem_shared>> -> memref<16x144xf32, #tpu.memory_space<vmem_shared>>
      tpu.wait_dma2 semaphore(%run_scoped3A : memref<!tpu.dma_semaphore, #tpu.memory_space<semaphore_mem>>) src(%arg28 : memref<16x144xf32, #tpu.memory_space<vmem>>) dst(%dma_wait3A_404 : memref<16x144xf32, #tpu.memory_space<vmem_shared>>)
      tpu.yield
    }) : () -> ()
    %mul3A_112 = arith.constant 640 : i32
    %mul3A_113 = arith.muli %arg1, %mul3A_112 : i32
    %add3A_114 = arith.constant 384 : i32
    %add3A_115 = arith.addi %mul3A_113, %add3A_114 : i32
    "tpu.region"() ({
      %run_scoped3A = tpu.sem_alloc : memref<!tpu.dma_semaphore, #tpu.memory_space<semaphore_mem>>
      %dma_start3A_397 = arith.constant 0 : i32
      %dma_start3A_398 = tpu.memref_slice %arg35[%add3A_115, %dma_start3A_397] : memref<10240x144xf32, #tpu.memory_space<vmem_shared>> -> memref<16x144xf32, #tpu.memory_space<vmem_shared>>
      %dma_start3A_399 = arith.constant 0 : i32
      %dma_start3A_400 = tpu.memref_slice %arg35[%add3A_115, %dma_start3A_399] : memref<10240x144xf32, #tpu.memory_space<vmem_shared>> -> memref<16x144xf32, #tpu.memory_space<vmem_shared>>
      tpu.enqueue_dma source(%arg28 : memref<16x144xf32, #tpu.memory_space<vmem>>) target(%dma_start3A_400 : memref<16x144xf32, #tpu.memory_space<vmem_shared>>) target_semaphore(%run_scoped3A : memref<!tpu.dma_semaphore, #tpu.memory_space<semaphore_mem>>)
      %dma_wait3A_401 = arith.constant 0 : i32
      %dma_wait3A_402 = tpu.memref_slice %arg35[%add3A_115, %dma_wait3A_401] : memref<10240x144xf32, #tpu.memory_space<vmem_shared>> -> memref<16x144xf32, #tpu.memory_space<vmem_shared>>
      %dma_wait3A_403 = arith.constant 0 : i32
      %dma_wait3A_404 = tpu.memref_slice %arg35[%add3A_115, %dma_wait3A_403] : memref<10240x144xf32, #tpu.memory_space<vmem_shared>> -> memref<16x144xf32, #tpu.memory_space<vmem_shared>>
      tpu.wait_dma2 semaphore(%run_scoped3A : memref<!tpu.dma_semaphore, #tpu.memory_space<semaphore_mem>>) src(%arg28 : memref<16x144xf32, #tpu.memory_space<vmem>>) dst(%dma_wait3A_404 : memref<16x144xf32, #tpu.memory_space<vmem_shared>>)
      tpu.yield
    }) : () -> ()
    %mul3A_116 = arith.constant 640 : i32
    %mul3A_117 = arith.muli %arg1, %mul3A_116 : i32
    %add3A_118 = arith.constant 400 : i32
    %add3A_119 = arith.addi %mul3A_117, %add3A_118 : i32
    "tpu.region"() ({
      %run_scoped3A = tpu.sem_alloc : memref<!tpu.dma_semaphore, #tpu.memory_space<semaphore_mem>>
      %dma_start3A_397 = arith.constant 0 : i32
      %dma_start3A_398 = tpu.memref_slice %arg35[%add3A_119, %dma_start3A_397] : memref<10240x144xf32, #tpu.memory_space<vmem_shared>> -> memref<16x144xf32, #tpu.memory_space<vmem_shared>>
      %dma_start3A_399 = arith.constant 0 : i32
      %dma_start3A_400 = tpu.memref_slice %arg35[%add3A_119, %dma_start3A_399] : memref<10240x144xf32, #tpu.memory_space<vmem_shared>> -> memref<16x144xf32, #tpu.memory_space<vmem_shared>>
      tpu.enqueue_dma source(%arg28 : memref<16x144xf32, #tpu.memory_space<vmem>>) target(%dma_start3A_400 : memref<16x144xf32, #tpu.memory_space<vmem_shared>>) target_semaphore(%run_scoped3A : memref<!tpu.dma_semaphore, #tpu.memory_space<semaphore_mem>>)
      %dma_wait3A_401 = arith.constant 0 : i32
      %dma_wait3A_402 = tpu.memref_slice %arg35[%add3A_119, %dma_wait3A_401] : memref<10240x144xf32, #tpu.memory_space<vmem_shared>> -> memref<16x144xf32, #tpu.memory_space<vmem_shared>>
      %dma_wait3A_403 = arith.constant 0 : i32
      %dma_wait3A_404 = tpu.memref_slice %arg35[%add3A_119, %dma_wait3A_403] : memref<10240x144xf32, #tpu.memory_space<vmem_shared>> -> memref<16x144xf32, #tpu.memory_space<vmem_shared>>
      tpu.wait_dma2 semaphore(%run_scoped3A : memref<!tpu.dma_semaphore, #tpu.memory_space<semaphore_mem>>) src(%arg28 : memref<16x144xf32, #tpu.memory_space<vmem>>) dst(%dma_wait3A_404 : memref<16x144xf32, #tpu.memory_space<vmem_shared>>)
      tpu.yield
    }) : () -> ()
    %mul3A_120 = arith.constant 640 : i32
    %mul3A_121 = arith.muli %arg1, %mul3A_120 : i32
    %add3A_122 = arith.constant 416 : i32
    %add3A_123 = arith.addi %mul3A_121, %add3A_122 : i32
    "tpu.region"() ({
      %run_scoped3A = tpu.sem_alloc : memref<!tpu.dma_semaphore, #tpu.memory_space<semaphore_mem>>
      %dma_start3A_397 = arith.constant 0 : i32
      %dma_start3A_398 = tpu.memref_slice %arg35[%add3A_123, %dma_start3A_397] : memref<10240x144xf32, #tpu.memory_space<vmem_shared>> -> memref<16x144xf32, #tpu.memory_space<vmem_shared>>
      %dma_start3A_399 = arith.constant 0 : i32
      %dma_start3A_400 = tpu.memref_slice %arg35[%add3A_123, %dma_start3A_399] : memref<10240x144xf32, #tpu.memory_space<vmem_shared>> -> memref<16x144xf32, #tpu.memory_space<vmem_shared>>
      tpu.enqueue_dma source(%arg28 : memref<16x144xf32, #tpu.memory_space<vmem>>) target(%dma_start3A_400 : memref<16x144xf32, #tpu.memory_space<vmem_shared>>) target_semaphore(%run_scoped3A : memref<!tpu.dma_semaphore, #tpu.memory_space<semaphore_mem>>)
      %dma_wait3A_401 = arith.constant 0 : i32
      %dma_wait3A_402 = tpu.memref_slice %arg35[%add3A_123, %dma_wait3A_401] : memref<10240x144xf32, #tpu.memory_space<vmem_shared>> -> memref<16x144xf32, #tpu.memory_space<vmem_shared>>
      %dma_wait3A_403 = arith.constant 0 : i32
      %dma_wait3A_404 = tpu.memref_slice %arg35[%add3A_123, %dma_wait3A_403] : memref<10240x144xf32, #tpu.memory_space<vmem_shared>> -> memref<16x144xf32, #tpu.memory_space<vmem_shared>>
      tpu.wait_dma2 semaphore(%run_scoped3A : memref<!tpu.dma_semaphore, #tpu.memory_space<semaphore_mem>>) src(%arg28 : memref<16x144xf32, #tpu.memory_space<vmem>>) dst(%dma_wait3A_404 : memref<16x144xf32, #tpu.memory_space<vmem_shared>>)
      tpu.yield
    }) : () -> ()
    %mul3A_124 = arith.constant 640 : i32
    %mul3A_125 = arith.muli %arg1, %mul3A_124 : i32
    %add3A_126 = arith.constant 432 : i32
    %add3A_127 = arith.addi %mul3A_125, %add3A_126 : i32
    "tpu.region"() ({
      %run_scoped3A = tpu.sem_alloc : memref<!tpu.dma_semaphore, #tpu.memory_space<semaphore_mem>>
      %dma_start3A_397 = arith.constant 0 : i32
      %dma_start3A_398 = tpu.memref_slice %arg35[%add3A_127, %dma_start3A_397] : memref<10240x144xf32, #tpu.memory_space<vmem_shared>> -> memref<16x144xf32, #tpu.memory_space<vmem_shared>>
      %dma_start3A_399 = arith.constant 0 : i32
      %dma_start3A_400 = tpu.memref_slice %arg35[%add3A_127, %dma_start3A_399] : memref<10240x144xf32, #tpu.memory_space<vmem_shared>> -> memref<16x144xf32, #tpu.memory_space<vmem_shared>>
      tpu.enqueue_dma source(%arg28 : memref<16x144xf32, #tpu.memory_space<vmem>>) target(%dma_start3A_400 : memref<16x144xf32, #tpu.memory_space<vmem_shared>>) target_semaphore(%run_scoped3A : memref<!tpu.dma_semaphore, #tpu.memory_space<semaphore_mem>>)
      %dma_wait3A_401 = arith.constant 0 : i32
      %dma_wait3A_402 = tpu.memref_slice %arg35[%add3A_127, %dma_wait3A_401] : memref<10240x144xf32, #tpu.memory_space<vmem_shared>> -> memref<16x144xf32, #tpu.memory_space<vmem_shared>>
      %dma_wait3A_403 = arith.constant 0 : i32
      %dma_wait3A_404 = tpu.memref_slice %arg35[%add3A_127, %dma_wait3A_403] : memref<10240x144xf32, #tpu.memory_space<vmem_shared>> -> memref<16x144xf32, #tpu.memory_space<vmem_shared>>
      tpu.wait_dma2 semaphore(%run_scoped3A : memref<!tpu.dma_semaphore, #tpu.memory_space<semaphore_mem>>) src(%arg28 : memref<16x144xf32, #tpu.memory_space<vmem>>) dst(%dma_wait3A_404 : memref<16x144xf32, #tpu.memory_space<vmem_shared>>)
      tpu.yield
    }) : () -> ()
    %mul3A_128 = arith.constant 640 : i32
    %mul3A_129 = arith.muli %arg1, %mul3A_128 : i32
    %add3A_130 = arith.constant 448 : i32
    %add3A_131 = arith.addi %mul3A_129, %add3A_130 : i32
    "tpu.region"() ({
      %run_scoped3A = tpu.sem_alloc : memref<!tpu.dma_semaphore, #tpu.memory_space<semaphore_mem>>
      %dma_start3A_397 = arith.constant 0 : i32
      %dma_start3A_398 = tpu.memref_slice %arg35[%add3A_131, %dma_start3A_397] : memref<10240x144xf32, #tpu.memory_space<vmem_shared>> -> memref<16x144xf32, #tpu.memory_space<vmem_shared>>
      %dma_start3A_399 = arith.constant 0 : i32
      %dma_start3A_400 = tpu.memref_slice %arg35[%add3A_131, %dma_start3A_399] : memref<10240x144xf32, #tpu.memory_space<vmem_shared>> -> memref<16x144xf32, #tpu.memory_space<vmem_shared>>
      tpu.enqueue_dma source(%arg28 : memref<16x144xf32, #tpu.memory_space<vmem>>) target(%dma_start3A_400 : memref<16x144xf32, #tpu.memory_space<vmem_shared>>) target_semaphore(%run_scoped3A : memref<!tpu.dma_semaphore, #tpu.memory_space<semaphore_mem>>)
      %dma_wait3A_401 = arith.constant 0 : i32
      %dma_wait3A_402 = tpu.memref_slice %arg35[%add3A_131, %dma_wait3A_401] : memref<10240x144xf32, #tpu.memory_space<vmem_shared>> -> memref<16x144xf32, #tpu.memory_space<vmem_shared>>
      %dma_wait3A_403 = arith.constant 0 : i32
      %dma_wait3A_404 = tpu.memref_slice %arg35[%add3A_131, %dma_wait3A_403] : memref<10240x144xf32, #tpu.memory_space<vmem_shared>> -> memref<16x144xf32, #tpu.memory_space<vmem_shared>>
      tpu.wait_dma2 semaphore(%run_scoped3A : memref<!tpu.dma_semaphore, #tpu.memory_space<semaphore_mem>>) src(%arg28 : memref<16x144xf32, #tpu.memory_space<vmem>>) dst(%dma_wait3A_404 : memref<16x144xf32, #tpu.memory_space<vmem_shared>>)
      tpu.yield
    }) : () -> ()
    %mul3A_132 = arith.constant 640 : i32
    %mul3A_133 = arith.muli %arg1, %mul3A_132 : i32
    %add3A_134 = arith.constant 464 : i32
    %add3A_135 = arith.addi %mul3A_133, %add3A_134 : i32
    "tpu.region"() ({
      %run_scoped3A = tpu.sem_alloc : memref<!tpu.dma_semaphore, #tpu.memory_space<semaphore_mem>>
      %dma_start3A_397 = arith.constant 0 : i32
      %dma_start3A_398 = tpu.memref_slice %arg35[%add3A_135, %dma_start3A_397] : memref<10240x144xf32, #tpu.memory_space<vmem_shared>> -> memref<16x144xf32, #tpu.memory_space<vmem_shared>>
      %dma_start3A_399 = arith.constant 0 : i32
      %dma_start3A_400 = tpu.memref_slice %arg35[%add3A_135, %dma_start3A_399] : memref<10240x144xf32, #tpu.memory_space<vmem_shared>> -> memref<16x144xf32, #tpu.memory_space<vmem_shared>>
      tpu.enqueue_dma source(%arg28 : memref<16x144xf32, #tpu.memory_space<vmem>>) target(%dma_start3A_400 : memref<16x144xf32, #tpu.memory_space<vmem_shared>>) target_semaphore(%run_scoped3A : memref<!tpu.dma_semaphore, #tpu.memory_space<semaphore_mem>>)
      %dma_wait3A_401 = arith.constant 0 : i32
      %dma_wait3A_402 = tpu.memref_slice %arg35[%add3A_135, %dma_wait3A_401] : memref<10240x144xf32, #tpu.memory_space<vmem_shared>> -> memref<16x144xf32, #tpu.memory_space<vmem_shared>>
      %dma_wait3A_403 = arith.constant 0 : i32
      %dma_wait3A_404 = tpu.memref_slice %arg35[%add3A_135, %dma_wait3A_403] : memref<10240x144xf32, #tpu.memory_space<vmem_shared>> -> memref<16x144xf32, #tpu.memory_space<vmem_shared>>
      tpu.wait_dma2 semaphore(%run_scoped3A : memref<!tpu.dma_semaphore, #tpu.memory_space<semaphore_mem>>) src(%arg28 : memref<16x144xf32, #tpu.memory_space<vmem>>) dst(%dma_wait3A_404 : memref<16x144xf32, #tpu.memory_space<vmem_shared>>)
      tpu.yield
    }) : () -> ()
    %mul3A_136 = arith.constant 640 : i32
    %mul3A_137 = arith.muli %arg1, %mul3A_136 : i32
    %add3A_138 = arith.constant 480 : i32
    %add3A_139 = arith.addi %mul3A_137, %add3A_138 : i32
    "tpu.region"() ({
      %run_scoped3A = tpu.sem_alloc : memref<!tpu.dma_semaphore, #tpu.memory_space<semaphore_mem>>
      %dma_start3A_397 = arith.constant 0 : i32
      %dma_start3A_398 = tpu.memref_slice %arg35[%add3A_139, %dma_start3A_397] : memref<10240x144xf32, #tpu.memory_space<vmem_shared>> -> memref<16x144xf32, #tpu.memory_space<vmem_shared>>
      %dma_start3A_399 = arith.constant 0 : i32
      %dma_start3A_400 = tpu.memref_slice %arg35[%add3A_139, %dma_start3A_399] : memref<10240x144xf32, #tpu.memory_space<vmem_shared>> -> memref<16x144xf32, #tpu.memory_space<vmem_shared>>
      tpu.enqueue_dma source(%arg28 : memref<16x144xf32, #tpu.memory_space<vmem>>) target(%dma_start3A_400 : memref<16x144xf32, #tpu.memory_space<vmem_shared>>) target_semaphore(%run_scoped3A : memref<!tpu.dma_semaphore, #tpu.memory_space<semaphore_mem>>)
      %dma_wait3A_401 = arith.constant 0 : i32
      %dma_wait3A_402 = tpu.memref_slice %arg35[%add3A_139, %dma_wait3A_401] : memref<10240x144xf32, #tpu.memory_space<vmem_shared>> -> memref<16x144xf32, #tpu.memory_space<vmem_shared>>
      %dma_wait3A_403 = arith.constant 0 : i32
      %dma_wait3A_404 = tpu.memref_slice %arg35[%add3A_139, %dma_wait3A_403] : memref<10240x144xf32, #tpu.memory_space<vmem_shared>> -> memref<16x144xf32, #tpu.memory_space<vmem_shared>>
      tpu.wait_dma2 semaphore(%run_scoped3A : memref<!tpu.dma_semaphore, #tpu.memory_space<semaphore_mem>>) src(%arg28 : memref<16x144xf32, #tpu.memory_space<vmem>>) dst(%dma_wait3A_404 : memref<16x144xf32, #tpu.memory_space<vmem_shared>>)
      tpu.yield
    }) : () -> ()
    %mul3A_140 = arith.constant 640 : i32
    %mul3A_141 = arith.muli %arg1, %mul3A_140 : i32
    %add3A_142 = arith.constant 496 : i32
    %add3A_143 = arith.addi %mul3A_141, %add3A_142 : i32
    "tpu.region"() ({
      %run_scoped3A = tpu.sem_alloc : memref<!tpu.dma_semaphore, #tpu.memory_space<semaphore_mem>>
      %dma_start3A_397 = arith.constant 0 : i32
      %dma_start3A_398 = tpu.memref_slice %arg35[%add3A_143, %dma_start3A_397] : memref<10240x144xf32, #tpu.memory_space<vmem_shared>> -> memref<16x144xf32, #tpu.memory_space<vmem_shared>>
      %dma_start3A_399 = arith.constant 0 : i32
      %dma_start3A_400 = tpu.memref_slice %arg35[%add3A_143, %dma_start3A_399] : memref<10240x144xf32, #tpu.memory_space<vmem_shared>> -> memref<16x144xf32, #tpu.memory_space<vmem_shared>>
      tpu.enqueue_dma source(%arg28 : memref<16x144xf32, #tpu.memory_space<vmem>>) target(%dma_start3A_400 : memref<16x144xf32, #tpu.memory_space<vmem_shared>>) target_semaphore(%run_scoped3A : memref<!tpu.dma_semaphore, #tpu.memory_space<semaphore_mem>>)
      %dma_wait3A_401 = arith.constant 0 : i32
      %dma_wait3A_402 = tpu.memref_slice %arg35[%add3A_143, %dma_wait3A_401] : memref<10240x144xf32, #tpu.memory_space<vmem_shared>> -> memref<16x144xf32, #tpu.memory_space<vmem_shared>>
      %dma_wait3A_403 = arith.constant 0 : i32
      %dma_wait3A_404 = tpu.memref_slice %arg35[%add3A_143, %dma_wait3A_403] : memref<10240x144xf32, #tpu.memory_space<vmem_shared>> -> memref<16x144xf32, #tpu.memory_space<vmem_shared>>
      tpu.wait_dma2 semaphore(%run_scoped3A : memref<!tpu.dma_semaphore, #tpu.memory_space<semaphore_mem>>) src(%arg28 : memref<16x144xf32, #tpu.memory_space<vmem>>) dst(%dma_wait3A_404 : memref<16x144xf32, #tpu.memory_space<vmem_shared>>)
      tpu.yield
    }) : () -> ()
    %mul3A_144 = arith.constant 640 : i32
    %mul3A_145 = arith.muli %arg1, %mul3A_144 : i32
    %add3A_146 = arith.constant 512 : i32
    %add3A_147 = arith.addi %mul3A_145, %add3A_146 : i32
    "tpu.region"() ({
      %run_scoped3A = tpu.sem_alloc : memref<!tpu.dma_semaphore, #tpu.memory_space<semaphore_mem>>
      %dma_start3A_397 = arith.constant 0 : i32
      %dma_start3A_398 = tpu.memref_slice %arg35[%add3A_147, %dma_start3A_397] : memref<10240x144xf32, #tpu.memory_space<vmem_shared>> -> memref<16x144xf32, #tpu.memory_space<vmem_shared>>
      %dma_start3A_399 = arith.constant 0 : i32
      %dma_start3A_400 = tpu.memref_slice %arg35[%add3A_147, %dma_start3A_399] : memref<10240x144xf32, #tpu.memory_space<vmem_shared>> -> memref<16x144xf32, #tpu.memory_space<vmem_shared>>
      tpu.enqueue_dma source(%arg28 : memref<16x144xf32, #tpu.memory_space<vmem>>) target(%dma_start3A_400 : memref<16x144xf32, #tpu.memory_space<vmem_shared>>) target_semaphore(%run_scoped3A : memref<!tpu.dma_semaphore, #tpu.memory_space<semaphore_mem>>)
      %dma_wait3A_401 = arith.constant 0 : i32
      %dma_wait3A_402 = tpu.memref_slice %arg35[%add3A_147, %dma_wait3A_401] : memref<10240x144xf32, #tpu.memory_space<vmem_shared>> -> memref<16x144xf32, #tpu.memory_space<vmem_shared>>
      %dma_wait3A_403 = arith.constant 0 : i32
      %dma_wait3A_404 = tpu.memref_slice %arg35[%add3A_147, %dma_wait3A_403] : memref<10240x144xf32, #tpu.memory_space<vmem_shared>> -> memref<16x144xf32, #tpu.memory_space<vmem_shared>>
      tpu.wait_dma2 semaphore(%run_scoped3A : memref<!tpu.dma_semaphore, #tpu.memory_space<semaphore_mem>>) src(%arg28 : memref<16x144xf32, #tpu.memory_space<vmem>>) dst(%dma_wait3A_404 : memref<16x144xf32, #tpu.memory_space<vmem_shared>>)
      tpu.yield
    }) : () -> ()
    %mul3A_148 = arith.constant 640 : i32
    %mul3A_149 = arith.muli %arg1, %mul3A_148 : i32
    %add3A_150 = arith.constant 528 : i32
    %add3A_151 = arith.addi %mul3A_149, %add3A_150 : i32
    "tpu.region"() ({
      %run_scoped3A = tpu.sem_alloc : memref<!tpu.dma_semaphore, #tpu.memory_space<semaphore_mem>>
      %dma_start3A_397 = arith.constant 0 : i32
      %dma_start3A_398 = tpu.memref_slice %arg35[%add3A_151, %dma_start3A_397] : memref<10240x144xf32, #tpu.memory_space<vmem_shared>> -> memref<16x144xf32, #tpu.memory_space<vmem_shared>>
      %dma_start3A_399 = arith.constant 0 : i32
      %dma_start3A_400 = tpu.memref_slice %arg35[%add3A_151, %dma_start3A_399] : memref<10240x144xf32, #tpu.memory_space<vmem_shared>> -> memref<16x144xf32, #tpu.memory_space<vmem_shared>>
      tpu.enqueue_dma source(%arg28 : memref<16x144xf32, #tpu.memory_space<vmem>>) target(%dma_start3A_400 : memref<16x144xf32, #tpu.memory_space<vmem_shared>>) target_semaphore(%run_scoped3A : memref<!tpu.dma_semaphore, #tpu.memory_space<semaphore_mem>>)
      %dma_wait3A_401 = arith.constant 0 : i32
      %dma_wait3A_402 = tpu.memref_slice %arg35[%add3A_151, %dma_wait3A_401] : memref<10240x144xf32, #tpu.memory_space<vmem_shared>> -> memref<16x144xf32, #tpu.memory_space<vmem_shared>>
      %dma_wait3A_403 = arith.constant 0 : i32
      %dma_wait3A_404 = tpu.memref_slice %arg35[%add3A_151, %dma_wait3A_403] : memref<10240x144xf32, #tpu.memory_space<vmem_shared>> -> memref<16x144xf32, #tpu.memory_space<vmem_shared>>
      tpu.wait_dma2 semaphore(%run_scoped3A : memref<!tpu.dma_semaphore, #tpu.memory_space<semaphore_mem>>) src(%arg28 : memref<16x144xf32, #tpu.memory_space<vmem>>) dst(%dma_wait3A_404 : memref<16x144xf32, #tpu.memory_space<vmem_shared>>)
      tpu.yield
    }) : () -> ()
    %mul3A_152 = arith.constant 640 : i32
    %mul3A_153 = arith.muli %arg1, %mul3A_152 : i32
    %add3A_154 = arith.constant 544 : i32
    %add3A_155 = arith.addi %mul3A_153, %add3A_154 : i32
    "tpu.region"() ({
      %run_scoped3A = tpu.sem_alloc : memref<!tpu.dma_semaphore, #tpu.memory_space<semaphore_mem>>
      %dma_start3A_397 = arith.constant 0 : i32
      %dma_start3A_398 = tpu.memref_slice %arg35[%add3A_155, %dma_start3A_397] : memref<10240x144xf32, #tpu.memory_space<vmem_shared>> -> memref<16x144xf32, #tpu.memory_space<vmem_shared>>
      %dma_start3A_399 = arith.constant 0 : i32
      %dma_start3A_400 = tpu.memref_slice %arg35[%add3A_155, %dma_start3A_399] : memref<10240x144xf32, #tpu.memory_space<vmem_shared>> -> memref<16x144xf32, #tpu.memory_space<vmem_shared>>
      tpu.enqueue_dma source(%arg28 : memref<16x144xf32, #tpu.memory_space<vmem>>) target(%dma_start3A_400 : memref<16x144xf32, #tpu.memory_space<vmem_shared>>) target_semaphore(%run_scoped3A : memref<!tpu.dma_semaphore, #tpu.memory_space<semaphore_mem>>)
      %dma_wait3A_401 = arith.constant 0 : i32
      %dma_wait3A_402 = tpu.memref_slice %arg35[%add3A_155, %dma_wait3A_401] : memref<10240x144xf32, #tpu.memory_space<vmem_shared>> -> memref<16x144xf32, #tpu.memory_space<vmem_shared>>
      %dma_wait3A_403 = arith.constant 0 : i32
      %dma_wait3A_404 = tpu.memref_slice %arg35[%add3A_155, %dma_wait3A_403] : memref<10240x144xf32, #tpu.memory_space<vmem_shared>> -> memref<16x144xf32, #tpu.memory_space<vmem_shared>>
      tpu.wait_dma2 semaphore(%run_scoped3A : memref<!tpu.dma_semaphore, #tpu.memory_space<semaphore_mem>>) src(%arg28 : memref<16x144xf32, #tpu.memory_space<vmem>>) dst(%dma_wait3A_404 : memref<16x144xf32, #tpu.memory_space<vmem_shared>>)
      tpu.yield
    }) : () -> ()
    %mul3A_156 = arith.constant 640 : i32
    %mul3A_157 = arith.muli %arg1, %mul3A_156 : i32
    %add3A_158 = arith.constant 560 : i32
    %add3A_159 = arith.addi %mul3A_157, %add3A_158 : i32
    "tpu.region"() ({
      %run_scoped3A = tpu.sem_alloc : memref<!tpu.dma_semaphore, #tpu.memory_space<semaphore_mem>>
      %dma_start3A_397 = arith.constant 0 : i32
      %dma_start3A_398 = tpu.memref_slice %arg35[%add3A_159, %dma_start3A_397] : memref<10240x144xf32, #tpu.memory_space<vmem_shared>> -> memref<16x144xf32, #tpu.memory_space<vmem_shared>>
      %dma_start3A_399 = arith.constant 0 : i32
      %dma_start3A_400 = tpu.memref_slice %arg35[%add3A_159, %dma_start3A_399] : memref<10240x144xf32, #tpu.memory_space<vmem_shared>> -> memref<16x144xf32, #tpu.memory_space<vmem_shared>>
      tpu.enqueue_dma source(%arg28 : memref<16x144xf32, #tpu.memory_space<vmem>>) target(%dma_start3A_400 : memref<16x144xf32, #tpu.memory_space<vmem_shared>>) target_semaphore(%run_scoped3A : memref<!tpu.dma_semaphore, #tpu.memory_space<semaphore_mem>>)
      %dma_wait3A_401 = arith.constant 0 : i32
      %dma_wait3A_402 = tpu.memref_slice %arg35[%add3A_159, %dma_wait3A_401] : memref<10240x144xf32, #tpu.memory_space<vmem_shared>> -> memref<16x144xf32, #tpu.memory_space<vmem_shared>>
      %dma_wait3A_403 = arith.constant 0 : i32
      %dma_wait3A_404 = tpu.memref_slice %arg35[%add3A_159, %dma_wait3A_403] : memref<10240x144xf32, #tpu.memory_space<vmem_shared>> -> memref<16x144xf32, #tpu.memory_space<vmem_shared>>
      tpu.wait_dma2 semaphore(%run_scoped3A : memref<!tpu.dma_semaphore, #tpu.memory_space<semaphore_mem>>) src(%arg28 : memref<16x144xf32, #tpu.memory_space<vmem>>) dst(%dma_wait3A_404 : memref<16x144xf32, #tpu.memory_space<vmem_shared>>)
      tpu.yield
    }) : () -> ()
    %mul3A_160 = arith.constant 640 : i32
    %mul3A_161 = arith.muli %arg1, %mul3A_160 : i32
    %add3A_162 = arith.constant 576 : i32
    %add3A_163 = arith.addi %mul3A_161, %add3A_162 : i32
    "tpu.region"() ({
      %run_scoped3A = tpu.sem_alloc : memref<!tpu.dma_semaphore, #tpu.memory_space<semaphore_mem>>
      %dma_start3A_397 = arith.constant 0 : i32
      %dma_start3A_398 = tpu.memref_slice %arg35[%add3A_163, %dma_start3A_397] : memref<10240x144xf32, #tpu.memory_space<vmem_shared>> -> memref<16x144xf32, #tpu.memory_space<vmem_shared>>
      %dma_start3A_399 = arith.constant 0 : i32
      %dma_start3A_400 = tpu.memref_slice %arg35[%add3A_163, %dma_start3A_399] : memref<10240x144xf32, #tpu.memory_space<vmem_shared>> -> memref<16x144xf32, #tpu.memory_space<vmem_shared>>
      tpu.enqueue_dma source(%arg28 : memref<16x144xf32, #tpu.memory_space<vmem>>) target(%dma_start3A_400 : memref<16x144xf32, #tpu.memory_space<vmem_shared>>) target_semaphore(%run_scoped3A : memref<!tpu.dma_semaphore, #tpu.memory_space<semaphore_mem>>)
      %dma_wait3A_401 = arith.constant 0 : i32
      %dma_wait3A_402 = tpu.memref_slice %arg35[%add3A_163, %dma_wait3A_401] : memref<10240x144xf32, #tpu.memory_space<vmem_shared>> -> memref<16x144xf32, #tpu.memory_space<vmem_shared>>
      %dma_wait3A_403 = arith.constant 0 : i32
      %dma_wait3A_404 = tpu.memref_slice %arg35[%add3A_163, %dma_wait3A_403] : memref<10240x144xf32, #tpu.memory_space<vmem_shared>> -> memref<16x144xf32, #tpu.memory_space<vmem_shared>>
      tpu.wait_dma2 semaphore(%run_scoped3A : memref<!tpu.dma_semaphore, #tpu.memory_space<semaphore_mem>>) src(%arg28 : memref<16x144xf32, #tpu.memory_space<vmem>>) dst(%dma_wait3A_404 : memref<16x144xf32, #tpu.memory_space<vmem_shared>>)
      tpu.yield
    }) : () -> ()
    %mul3A_164 = arith.constant 640 : i32
    %mul3A_165 = arith.muli %arg1, %mul3A_164 : i32
    %add3A_166 = arith.constant 592 : i32
    %add3A_167 = arith.addi %mul3A_165, %add3A_166 : i32
    "tpu.region"() ({
      %run_scoped3A = tpu.sem_alloc : memref<!tpu.dma_semaphore, #tpu.memory_space<semaphore_mem>>
      %dma_start3A_397 = arith.constant 0 : i32
      %dma_start3A_398 = tpu.memref_slice %arg35[%add3A_167, %dma_start3A_397] : memref<10240x144xf32, #tpu.memory_space<vmem_shared>> -> memref<16x144xf32, #tpu.memory_space<vmem_shared>>
      %dma_start3A_399 = arith.constant 0 : i32
      %dma_start3A_400 = tpu.memref_slice %arg35[%add3A_167, %dma_start3A_399] : memref<10240x144xf32, #tpu.memory_space<vmem_shared>> -> memref<16x144xf32, #tpu.memory_space<vmem_shared>>
      tpu.enqueue_dma source(%arg28 : memref<16x144xf32, #tpu.memory_space<vmem>>) target(%dma_start3A_400 : memref<16x144xf32, #tpu.memory_space<vmem_shared>>) target_semaphore(%run_scoped3A : memref<!tpu.dma_semaphore, #tpu.memory_space<semaphore_mem>>)
      %dma_wait3A_401 = arith.constant 0 : i32
      %dma_wait3A_402 = tpu.memref_slice %arg35[%add3A_167, %dma_wait3A_401] : memref<10240x144xf32, #tpu.memory_space<vmem_shared>> -> memref<16x144xf32, #tpu.memory_space<vmem_shared>>
      %dma_wait3A_403 = arith.constant 0 : i32
      %dma_wait3A_404 = tpu.memref_slice %arg35[%add3A_167, %dma_wait3A_403] : memref<10240x144xf32, #tpu.memory_space<vmem_shared>> -> memref<16x144xf32, #tpu.memory_space<vmem_shared>>
      tpu.wait_dma2 semaphore(%run_scoped3A : memref<!tpu.dma_semaphore, #tpu.memory_space<semaphore_mem>>) src(%arg28 : memref<16x144xf32, #tpu.memory_space<vmem>>) dst(%dma_wait3A_404 : memref<16x144xf32, #tpu.memory_space<vmem_shared>>)
      tpu.yield
    }) : () -> ()
    %mul3A_168 = arith.constant 640 : i32
    %mul3A_169 = arith.muli %arg1, %mul3A_168 : i32
    %add3A_170 = arith.constant 608 : i32
    %add3A_171 = arith.addi %mul3A_169, %add3A_170 : i32
    "tpu.region"() ({
      %run_scoped3A = tpu.sem_alloc : memref<!tpu.dma_semaphore, #tpu.memory_space<semaphore_mem>>
      %dma_start3A_397 = arith.constant 0 : i32
      %dma_start3A_398 = tpu.memref_slice %arg35[%add3A_171, %dma_start3A_397] : memref<10240x144xf32, #tpu.memory_space<vmem_shared>> -> memref<16x144xf32, #tpu.memory_space<vmem_shared>>
      %dma_start3A_399 = arith.constant 0 : i32
      %dma_start3A_400 = tpu.memref_slice %arg35[%add3A_171, %dma_start3A_399] : memref<10240x144xf32, #tpu.memory_space<vmem_shared>> -> memref<16x144xf32, #tpu.memory_space<vmem_shared>>
      tpu.enqueue_dma source(%arg28 : memref<16x144xf32, #tpu.memory_space<vmem>>) target(%dma_start3A_400 : memref<16x144xf32, #tpu.memory_space<vmem_shared>>) target_semaphore(%run_scoped3A : memref<!tpu.dma_semaphore, #tpu.memory_space<semaphore_mem>>)
      %dma_wait3A_401 = arith.constant 0 : i32
      %dma_wait3A_402 = tpu.memref_slice %arg35[%add3A_171, %dma_wait3A_401] : memref<10240x144xf32, #tpu.memory_space<vmem_shared>> -> memref<16x144xf32, #tpu.memory_space<vmem_shared>>
      %dma_wait3A_403 = arith.constant 0 : i32
      %dma_wait3A_404 = tpu.memref_slice %arg35[%add3A_171, %dma_wait3A_403] : memref<10240x144xf32, #tpu.memory_space<vmem_shared>> -> memref<16x144xf32, #tpu.memory_space<vmem_shared>>
      tpu.wait_dma2 semaphore(%run_scoped3A : memref<!tpu.dma_semaphore, #tpu.memory_space<semaphore_mem>>) src(%arg28 : memref<16x144xf32, #tpu.memory_space<vmem>>) dst(%dma_wait3A_404 : memref<16x144xf32, #tpu.memory_space<vmem_shared>>)
      tpu.yield
    }) : () -> ()
    %mul3A_172 = arith.constant 640 : i32
    %mul3A_173 = arith.muli %arg1, %mul3A_172 : i32
    %add3A_174 = arith.constant 624 : i32
    %add3A_175 = arith.addi %mul3A_173, %add3A_174 : i32
    "tpu.region"() ({
      %run_scoped3A = tpu.sem_alloc : memref<!tpu.dma_semaphore, #tpu.memory_space<semaphore_mem>>
      %dma_start3A_397 = arith.constant 0 : i32
      %dma_start3A_398 = tpu.memref_slice %arg35[%add3A_175, %dma_start3A_397] : memref<10240x144xf32, #tpu.memory_space<vmem_shared>> -> memref<16x144xf32, #tpu.memory_space<vmem_shared>>
      %dma_start3A_399 = arith.constant 0 : i32
      %dma_start3A_400 = tpu.memref_slice %arg35[%add3A_175, %dma_start3A_399] : memref<10240x144xf32, #tpu.memory_space<vmem_shared>> -> memref<16x144xf32, #tpu.memory_space<vmem_shared>>
      tpu.enqueue_dma source(%arg28 : memref<16x144xf32, #tpu.memory_space<vmem>>) target(%dma_start3A_400 : memref<16x144xf32, #tpu.memory_space<vmem_shared>>) target_semaphore(%run_scoped3A : memref<!tpu.dma_semaphore, #tpu.memory_space<semaphore_mem>>)
      %dma_wait3A_401 = arith.constant 0 : i32
      %dma_wait3A_402 = tpu.memref_slice %arg35[%add3A_175, %dma_wait3A_401] : memref<10240x144xf32, #tpu.memory_space<vmem_shared>> -> memref<16x144xf32, #tpu.memory_space<vmem_shared>>
      %dma_wait3A_403 = arith.constant 0 : i32
      %dma_wait3A_404 = tpu.memref_slice %arg35[%add3A_175, %dma_wait3A_403] : memref<10240x144xf32, #tpu.memory_space<vmem_shared>> -> memref<16x144xf32, #tpu.memory_space<vmem_shared>>
      tpu.wait_dma2 semaphore(%run_scoped3A : memref<!tpu.dma_semaphore, #tpu.memory_space<semaphore_mem>>) src(%arg28 : memref<16x144xf32, #tpu.memory_space<vmem>>) dst(%dma_wait3A_404 : memref<16x144xf32, #tpu.memory_space<vmem_shared>>)
      tpu.yield
    }) : () -> ()
    %barrier3A = arith.constant 0 : index
    tpu.barrier barrier_id(%barrier3A)
    %add3A_176 = arith.constant 0 : i32
    %add3A_177 = arith.addi %mul3A_0, %add3A_176 : i32
    %dma_start3A = tpu.memref_slice %arg2[%add3A_177] : memref<172032xi32, #tpu.memory_space<hbm>> -> memref<64xi32, #tpu.memory_space<hbm>>
    %dma_start3A_178 = tpu.memref_slice %arg2[%add3A_177] : memref<172032xi32, #tpu.memory_space<hbm>> -> memref<64xi32, #tpu.memory_space<hbm>>
    tpu.enqueue_dma source(%dma_start3A_178 : memref<64xi32, #tpu.memory_space<hbm>>) target(%arg9 : memref<64xi32, #tpu.memory_space<vmem>>) target_semaphore(%arg29 : memref<!tpu.dma_semaphore, #tpu.memory_space<semaphore_mem>>)
    %dma_start3A_179 = tpu.memref_slice %arg3[%add3A_177] : memref<172032xi32, #tpu.memory_space<hbm>> -> memref<64xi32, #tpu.memory_space<hbm>>
    %dma_start3A_180 = tpu.memref_slice %arg3[%add3A_177] : memref<172032xi32, #tpu.memory_space<hbm>> -> memref<64xi32, #tpu.memory_space<hbm>>
    tpu.enqueue_dma source(%dma_start3A_180 : memref<64xi32, #tpu.memory_space<hbm>>) target(%arg11 : memref<64xi32, #tpu.memory_space<vmem>>) target_semaphore(%arg29 : memref<!tpu.dma_semaphore, #tpu.memory_space<semaphore_mem>>)
    %dma_wait3A = arith.constant 0 : i32
    %dma_wait3A_181 = tpu.memref_slice %arg2[%dma_wait3A] : memref<172032xi32, #tpu.memory_space<hbm>> -> memref<64xi32, #tpu.memory_space<hbm>>
    %dma_wait3A_182 = arith.constant 0 : i32
    %dma_wait3A_183 = tpu.memref_slice %arg2[%dma_wait3A_182] : memref<172032xi32, #tpu.memory_space<hbm>> -> memref<64xi32, #tpu.memory_space<hbm>>
    tpu.wait_dma2 semaphore(%arg29 : memref<!tpu.dma_semaphore, #tpu.memory_space<semaphore_mem>>) src(%dma_wait3A_183 : memref<64xi32, #tpu.memory_space<hbm>>) dst(%arg9 : memref<64xi32, #tpu.memory_space<vmem>>)
    %dma_wait3A_184 = arith.constant 0 : i32
    %dma_wait3A_185 = tpu.memref_slice %arg3[%dma_wait3A_184] : memref<172032xi32, #tpu.memory_space<hbm>> -> memref<64xi32, #tpu.memory_space<hbm>>
    %dma_wait3A_186 = arith.constant 0 : i32
    %dma_wait3A_187 = tpu.memref_slice %arg3[%dma_wait3A_186] : memref<172032xi32, #tpu.memory_space<hbm>> -> memref<64xi32, #tpu.memory_space<hbm>>
    tpu.wait_dma2 semaphore(%arg29 : memref<!tpu.dma_semaphore, #tpu.memory_space<semaphore_mem>>) src(%dma_wait3A_187 : memref<64xi32, #tpu.memory_space<hbm>>) dst(%arg11 : memref<64xi32, #tpu.memory_space<vmem>>)
    %get3A = arith.constant 0 : index
    %get3A_188 = tpu.vector_load %arg11[%get3A] {strides = array<i32>} : memref<64xi32, #tpu.memory_space<vmem>>, vector<16xi32>,
    %get3A_189 = arith.constant 0 : index
    %get3A_190 = tpu.vector_load %arg9[%get3A_189] {strides = array<i32>} : memref<64xi32, #tpu.memory_space<vmem>>, vector<16xi32>,
    %mul3A_191 = arith.constant 10000 : i32
    %mul3A_192 = arith.muli %arg0, %mul3A_191 : i32
    %add3A_193 = vector.broadcast %mul3A_192 : i32 to vector<16xi32>
    %add3A_194 = arith.addi %get3A_190, %add3A_193 : vector<16xi32>
    %swap3A = arith.constant 0 : index
    %swap3A_195 = tpu.vector_load %arg13[%swap3A] {strides = array<i32>} : memref<64xi32, #tpu.memory_space<vmem>>, vector<16xi32>,
    tpu.vector_store %arg13[%swap3A], %add3A_194 {strides = array<i32>} : memref<64xi32, #tpu.memory_space<vmem>>, vector<16xi32>,
    %mul3A_196 = arith.constant 10000 : i32
    %mul3A_197 = arith.muli %arg0, %mul3A_196 : i32
    %add3A_198 = vector.broadcast %mul3A_197 : i32 to vector<16xi32>
    %add3A_199 = arith.addi %get3A_188, %add3A_198 : vector<16xi32>
    %swap3A_200 = arith.constant 0 : index
    %swap3A_201 = tpu.vector_load %arg15[%swap3A_200] {strides = array<i32>} : memref<64xi32, #tpu.memory_space<vmem>>, vector<16xi32>,
    tpu.vector_store %arg15[%swap3A_200], %add3A_199 {strides = array<i32>} : memref<64xi32, #tpu.memory_space<vmem>>, vector<16xi32>,
    %swap3A_202 = arith.constant 0 : index
    %swap3A_203 = tpu.vector_load %arg17[%swap3A_202] {strides = array<i32>} : memref<64xi32, #tpu.memory_space<vmem>>, vector<16xi32>,
    tpu.vector_store %arg17[%swap3A_202], %get3A_188 {strides = array<i32>} : memref<64xi32, #tpu.memory_space<vmem>>, vector<16xi32>,
    %get3A_204 = arith.constant 16 : index
    %get3A_205 = tpu.vector_load %arg11[%get3A_204] {strides = array<i32>} : memref<64xi32, #tpu.memory_space<vmem>>, vector<16xi32>,
    %get3A_206 = arith.constant 16 : index
    %get3A_207 = tpu.vector_load %arg9[%get3A_206] {strides = array<i32>} : memref<64xi32, #tpu.memory_space<vmem>>, vector<16xi32>,
    %mul3A_208 = arith.constant 10000 : i32
    %mul3A_209 = arith.muli %arg0, %mul3A_208 : i32
    %add3A_210 = vector.broadcast %mul3A_209 : i32 to vector<16xi32>
    %add3A_211 = arith.addi %get3A_207, %add3A_210 : vector<16xi32>
    %swap3A_212 = arith.constant 16 : index
    %swap3A_213 = tpu.vector_load %arg13[%swap3A_212] {strides = array<i32>} : memref<64xi32, #tpu.memory_space<vmem>>, vector<16xi32>,
    tpu.vector_store %arg13[%swap3A_212], %add3A_211 {strides = array<i32>} : memref<64xi32, #tpu.memory_space<vmem>>, vector<16xi32>,
    %mul3A_214 = arith.constant 10000 : i32
    %mul3A_215 = arith.muli %arg0, %mul3A_214 : i32
    %add3A_216 = vector.broadcast %mul3A_215 : i32 to vector<16xi32>
    %add3A_217 = arith.addi %get3A_205, %add3A_216 : vector<16xi32>
    %swap3A_218 = arith.constant 16 : index
    %swap3A_219 = tpu.vector_load %arg15[%swap3A_218] {strides = array<i32>} : memref<64xi32, #tpu.memory_space<vmem>>, vector<16xi32>,
    tpu.vector_store %arg15[%swap3A_218], %add3A_217 {strides = array<i32>} : memref<64xi32, #tpu.memory_space<vmem>>, vector<16xi32>,
    %swap3A_220 = arith.constant 16 : index
    %swap3A_221 = tpu.vector_load %arg17[%swap3A_220] {strides = array<i32>} : memref<64xi32, #tpu.memory_space<vmem>>, vector<16xi32>,
    tpu.vector_store %arg17[%swap3A_220], %get3A_205 {strides = array<i32>} : memref<64xi32, #tpu.memory_space<vmem>>, vector<16xi32>,
    %get3A_222 = arith.constant 32 : index
    %get3A_223 = tpu.vector_load %arg11[%get3A_222] {strides = array<i32>} : memref<64xi32, #tpu.memory_space<vmem>>, vector<16xi32>,
    %get3A_224 = arith.constant 32 : index
    %get3A_225 = tpu.vector_load %arg9[%get3A_224] {strides = array<i32>} : memref<64xi32, #tpu.memory_space<vmem>>, vector<16xi32>,
    %mul3A_226 = arith.constant 10000 : i32
    %mul3A_227 = arith.muli %arg0, %mul3A_226 : i32
    %add3A_228 = vector.broadcast %mul3A_227 : i32 to vector<16xi32>
    %add3A_229 = arith.addi %get3A_225, %add3A_228 : vector<16xi32>
    %swap3A_230 = arith.constant 32 : index
    %swap3A_231 = tpu.vector_load %arg13[%swap3A_230] {strides = array<i32>} : memref<64xi32, #tpu.memory_space<vmem>>, vector<16xi32>,
    tpu.vector_store %arg13[%swap3A_230], %add3A_229 {strides = array<i32>} : memref<64xi32, #tpu.memory_space<vmem>>, vector<16xi32>,
    %mul3A_232 = arith.constant 10000 : i32
    %mul3A_233 = arith.muli %arg0, %mul3A_232 : i32
    %add3A_234 = vector.broadcast %mul3A_233 : i32 to vector<16xi32>
    %add3A_235 = arith.addi %get3A_223, %add3A_234 : vector<16xi32>
    %swap3A_236 = arith.constant 32 : index
    %swap3A_237 = tpu.vector_load %arg15[%swap3A_236] {strides = array<i32>} : memref<64xi32, #tpu.memory_space<vmem>>, vector<16xi32>,
    tpu.vector_store %arg15[%swap3A_236], %add3A_235 {strides = array<i32>} : memref<64xi32, #tpu.memory_space<vmem>>, vector<16xi32>,
    %swap3A_238 = arith.constant 32 : index
    %swap3A_239 = tpu.vector_load %arg17[%swap3A_238] {strides = array<i32>} : memref<64xi32, #tpu.memory_space<vmem>>, vector<16xi32>,
    tpu.vector_store %arg17[%swap3A_238], %get3A_223 {strides = array<i32>} : memref<64xi32, #tpu.memory_space<vmem>>, vector<16xi32>,
    %get3A_240 = arith.constant 48 : index
    %get3A_241 = tpu.vector_load %arg11[%get3A_240] {strides = array<i32>} : memref<64xi32, #tpu.memory_space<vmem>>, vector<16xi32>,
    %get3A_242 = arith.constant 48 : index
    %get3A_243 = tpu.vector_load %arg9[%get3A_242] {strides = array<i32>} : memref<64xi32, #tpu.memory_space<vmem>>, vector<16xi32>,
    %mul3A_244 = arith.constant 10000 : i32
    %mul3A_245 = arith.muli %arg0, %mul3A_244 : i32
    %add3A_246 = vector.broadcast %mul3A_245 : i32 to vector<16xi32>
    %add3A_247 = arith.addi %get3A_243, %add3A_246 : vector<16xi32>
    %swap3A_248 = arith.constant 48 : index
    %swap3A_249 = tpu.vector_load %arg13[%swap3A_248] {strides = array<i32>} : memref<64xi32, #tpu.memory_space<vmem>>, vector<16xi32>,
    tpu.vector_store %arg13[%swap3A_248], %add3A_247 {strides = array<i32>} : memref<64xi32, #tpu.memory_space<vmem>>, vector<16xi32>,
    %mul3A_250 = arith.constant 10000 : i32
    %mul3A_251 = arith.muli %arg0, %mul3A_250 : i32
    %add3A_252 = vector.broadcast %mul3A_251 : i32 to vector<16xi32>
    %add3A_253 = arith.addi %get3A_241, %add3A_252 : vector<16xi32>
    %swap3A_254 = arith.constant 48 : index
    %swap3A_255 = tpu.vector_load %arg15[%swap3A_254] {strides = array<i32>} : memref<64xi32, #tpu.memory_space<vmem>>, vector<16xi32>,
    tpu.vector_store %arg15[%swap3A_254], %add3A_253 {strides = array<i32>} : memref<64xi32, #tpu.memory_space<vmem>>, vector<16xi32>,
    %swap3A_256 = arith.constant 48 : index
    %swap3A_257 = tpu.vector_load %arg17[%swap3A_256] {strides = array<i32>} : memref<64xi32, #tpu.memory_space<vmem>>, vector<16xi32>,
    tpu.vector_store %arg17[%swap3A_256], %get3A_241 {strides = array<i32>} : memref<64xi32, #tpu.memory_space<vmem>>, vector<16xi32>,
    %dma_start3A_258 = arith.constant 0 : i32
    %dma_start3A_259 = arith.constant 0 : i32
    %dma_start3A_260 = tpu.memref_slice %arg4[%dma_start3A_258, %dma_start3A_259] : memref<20000x144xf32, #tpu.memory_space<hbm>> -> memref<20000x144xf32, #tpu.memory_space<hbm>>
    tpu.enqueue_indirect_dma source(%dma_start3A_260 : memref<20000x144xf32, #tpu.memory_space<hbm>>) target(%arg21 : memref<64x144xf32, #tpu.memory_space<vmem>>) offsets(%arg13 : memref<64xi32, #tpu.memory_space<vmem>>) semaphore(%arg31 : memref<!tpu.dma_semaphore, #tpu.memory_space<semaphore_mem>>)
    %dma_start3A_261 = arith.constant 0 : i32
    %dma_start3A_262 = arith.constant 0 : i32
    %dma_start3A_263 = tpu.memref_slice %arg5[%dma_start3A_261, %dma_start3A_262] : memref<20000x16xf32, #tpu.memory_space<hbm>> -> memref<20000x16xf32, #tpu.memory_space<hbm>>
    tpu.enqueue_indirect_dma source(%dma_start3A_263 : memref<20000x16xf32, #tpu.memory_space<hbm>>) target(%arg23 : memref<64x16xf32, #tpu.memory_space<vmem>>) offsets(%arg15 : memref<64xi32, #tpu.memory_space<vmem>>) semaphore(%arg31 : memref<!tpu.dma_semaphore, #tpu.memory_space<semaphore_mem>>)
    %add3A_264 = arith.constant 64 : i32
    %add3A_265 = arith.addi %mul3A_0, %add3A_264 : i32
    %dma_start3A_266 = tpu.memref_slice %arg2[%add3A_265] : memref<172032xi32, #tpu.memory_space<hbm>> -> memref<64xi32, #tpu.memory_space<hbm>>
    %dma_start3A_267 = tpu.memref_slice %arg2[%add3A_265] : memref<172032xi32, #tpu.memory_space<hbm>> -> memref<64xi32, #tpu.memory_space<hbm>>
    tpu.enqueue_dma source(%dma_start3A_267 : memref<64xi32, #tpu.memory_space<hbm>>) target(%arg10 : memref<64xi32, #tpu.memory_space<vmem>>) target_semaphore(%arg30 : memref<!tpu.dma_semaphore, #tpu.memory_space<semaphore_mem>>)
    %dma_start3A_268 = tpu.memref_slice %arg3[%add3A_265] : memref<172032xi32, #tpu.memory_space<hbm>> -> memref<64xi32, #tpu.memory_space<hbm>>
    %dma_start3A_269 = tpu.memref_slice %arg3[%add3A_265] : memref<172032xi32, #tpu.memory_space<hbm>> -> memref<64xi32, #tpu.memory_space<hbm>>
    tpu.enqueue_dma source(%dma_start3A_269 : memref<64xi32, #tpu.memory_space<hbm>>) target(%arg12 : memref<64xi32, #tpu.memory_space<vmem>>) target_semaphore(%arg30 : memref<!tpu.dma_semaphore, #tpu.memory_space<semaphore_mem>>)
    %scan3A_270 = arith.constant 0 : i32
    %scan3A_271 = arith.constant 0 : i32
    %scan3A_272 = arith.constant 84 : i32
    %scan3A_273 = arith.addi %scan3A_271, %scan3A_272 : i32
    %scan3A_274 = arith.constant 1 : i32
    %scan3A_275 = scf.for %scan3A_397 = %scan3A_271 to %scan3A_273 step %scan3A_274 iter_args(%scan3A_398 = %scan3A_270) -> (i32)  : i32 {
      %mul3A_399 = arith.constant 2 : i32
      %mul3A_400 = arith.muli %mul3A_399, %scan3A_397 : i32
      %add3A_401 = arith.constant 1 : i32
      %add3A_402 = arith.addi %mul3A_400, %add3A_401 : i32
      %lt3A = arith.constant 168 : i32
      %lt3A_403 = arith.cmpi slt, %add3A_402, %lt3A : i32
      %convert_element_type3A = arith.extui %lt3A_403 : i1 to i32
      %cond3A = arith.constant 0 : i32
      %cond3A_404 = arith.cmpi ne, %convert_element_type3A, %cond3A : i32
      scf.if %cond3A_404 {
        %dma_wait3A_708 = arith.constant 0 : i32
        %dma_wait3A_709 = tpu.memref_slice %arg2[%dma_wait3A_708] : memref<172032xi32, #tpu.memory_space<hbm>> -> memref<64xi32, #tpu.memory_space<hbm>>
        %dma_wait3A_710 = arith.constant 0 : i32
        %dma_wait3A_711 = tpu.memref_slice %arg2[%dma_wait3A_710] : memref<172032xi32, #tpu.memory_space<hbm>> -> memref<64xi32, #tpu.memory_space<hbm>>
        tpu.wait_dma2 semaphore(%arg30 : memref<!tpu.dma_semaphore, #tpu.memory_space<semaphore_mem>>) src(%dma_wait3A_711 : memref<64xi32, #tpu.memory_space<hbm>>) dst(%arg10 : memref<64xi32, #tpu.memory_space<vmem>>)
        %dma_wait3A_712 = arith.constant 0 : i32
        %dma_wait3A_713 = tpu.memref_slice %arg3[%dma_wait3A_712] : memref<172032xi32, #tpu.memory_space<hbm>> -> memref<64xi32, #tpu.memory_space<hbm>>
        %dma_wait3A_714 = arith.constant 0 : i32
        %dma_wait3A_715 = tpu.memref_slice %arg3[%dma_wait3A_714] : memref<172032xi32, #tpu.memory_space<hbm>> -> memref<64xi32, #tpu.memory_space<hbm>>
        tpu.wait_dma2 semaphore(%arg30 : memref<!tpu.dma_semaphore, #tpu.memory_space<semaphore_mem>>) src(%dma_wait3A_715 : memref<64xi32, #tpu.memory_space<hbm>>) dst(%arg12 : memref<64xi32, #tpu.memory_space<vmem>>)
        %ge3A = arith.constant 1 : i32
        %ge3A_716 = arith.cmpi sge, %mul3A_400, %ge3A : i32
        %convert_element_type3A_717 = arith.extui %ge3A_716 : i1 to i32
        %cond3A_718 = arith.constant 0 : i32
        %cond3A_719 = arith.cmpi ne, %convert_element_type3A_717, %cond3A_718 : i32
        scf.if %cond3A_719 {
          %dma_wait3A_805 = arith.constant 0 : i32
          %dma_wait3A_806 = arith.constant 0 : i32
          %dma_wait3A_807 = tpu.memref_slice %arg35[%dma_wait3A_805, %dma_wait3A_806] : memref<10240x144xf32, #tpu.memory_space<vmem_shared>> -> memref<10240x144xf32, #tpu.memory_space<vmem_shared>>
          tpu.wait_indirect_dma semaphore(%arg34 : memref<!tpu.dma_semaphore, #tpu.memory_space<semaphore_mem>>) src(%arg22 : memref<64x144xf32, #tpu.memory_space<vmem>>) dst(%dma_wait3A_807 : memref<10240x144xf32, #tpu.memory_space<vmem_shared>>)
        } else {
        }
        %get3A_720 = arith.constant 0 : index
        %get3A_721 = tpu.vector_load %arg12[%get3A_720] {strides = array<i32>} : memref<64xi32, #tpu.memory_space<vmem>>, vector<16xi32>,
        %get3A_722 = arith.constant 0 : index
        %get3A_723 = tpu.vector_load %arg10[%get3A_722] {strides = array<i32>} : memref<64xi32, #tpu.memory_space<vmem>>, vector<16xi32>,
        %mul3A_724 = arith.constant 10000 : i32
        %mul3A_725 = arith.muli %arg0, %mul3A_724 : i32
        %add3A_726 = vector.broadcast %mul3A_725 : i32 to vector<16xi32>
        %add3A_727 = arith.addi %get3A_723, %add3A_726 : vector<16xi32>
        %swap3A_728 = arith.constant 0 : index
        %swap3A_729 = tpu.vector_load %arg14[%swap3A_728] {strides = array<i32>} : memref<64xi32, #tpu.memory_space<vmem>>, vector<16xi32>,
        tpu.vector_store %arg14[%swap3A_728], %add3A_727 {strides = array<i32>} : memref<64xi32, #tpu.memory_space<vmem>>, vector<16xi32>,
        %mul3A_730 = arith.constant 10000 : i32
        %mul3A_731 = arith.muli %arg0, %mul3A_730 : i32
        %add3A_732 = vector.broadcast %mul3A_731 : i32 to vector<16xi32>
        %add3A_733 = arith.addi %get3A_721, %add3A_732 : vector<16xi32>
        %swap3A_734 = arith.constant 0 : index
        %swap3A_735 = tpu.vector_load %arg16[%swap3A_734] {strides = array<i32>} : memref<64xi32, #tpu.memory_space<vmem>>, vector<16xi32>,
        tpu.vector_store %arg16[%swap3A_734], %add3A_733 {strides = array<i32>} : memref<64xi32, #tpu.memory_space<vmem>>, vector<16xi32>,
        %swap3A_736 = arith.constant 0 : index
        %swap3A_737 = tpu.vector_load %arg18[%swap3A_736] {strides = array<i32>} : memref<64xi32, #tpu.memory_space<vmem>>, vector<16xi32>,
        tpu.vector_store %arg18[%swap3A_736], %get3A_721 {strides = array<i32>} : memref<64xi32, #tpu.memory_space<vmem>>, vector<16xi32>,
        %get3A_738 = arith.constant 16 : index
        %get3A_739 = tpu.vector_load %arg12[%get3A_738] {strides = array<i32>} : memref<64xi32, #tpu.memory_space<vmem>>, vector<16xi32>,
        %get3A_740 = arith.constant 16 : index
        %get3A_741 = tpu.vector_load %arg10[%get3A_740] {strides = array<i32>} : memref<64xi32, #tpu.memory_space<vmem>>, vector<16xi32>,
        %mul3A_742 = arith.constant 10000 : i32
        %mul3A_743 = arith.muli %arg0, %mul3A_742 : i32
        %add3A_744 = vector.broadcast %mul3A_743 : i32 to vector<16xi32>
        %add3A_745 = arith.addi %get3A_741, %add3A_744 : vector<16xi32>
        %swap3A_746 = arith.constant 16 : index
        %swap3A_747 = tpu.vector_load %arg14[%swap3A_746] {strides = array<i32>} : memref<64xi32, #tpu.memory_space<vmem>>, vector<16xi32>,
        tpu.vector_store %arg14[%swap3A_746], %add3A_745 {strides = array<i32>} : memref<64xi32, #tpu.memory_space<vmem>>, vector<16xi32>,
        %mul3A_748 = arith.constant 10000 : i32
        %mul3A_749 = arith.muli %arg0, %mul3A_748 : i32
        %add3A_750 = vector.broadcast %mul3A_749 : i32 to vector<16xi32>
        %add3A_751 = arith.addi %get3A_739, %add3A_750 : vector<16xi32>
        %swap3A_752 = arith.constant 16 : index
        %swap3A_753 = tpu.vector_load %arg16[%swap3A_752] {strides = array<i32>} : memref<64xi32, #tpu.memory_space<vmem>>, vector<16xi32>,
        tpu.vector_store %arg16[%swap3A_752], %add3A_751 {strides = array<i32>} : memref<64xi32, #tpu.memory_space<vmem>>, vector<16xi32>,
        %swap3A_754 = arith.constant 16 : index
        %swap3A_755 = tpu.vector_load %arg18[%swap3A_754] {strides = array<i32>} : memref<64xi32, #tpu.memory_space<vmem>>, vector<16xi32>,
        tpu.vector_store %arg18[%swap3A_754], %get3A_739 {strides = array<i32>} : memref<64xi32, #tpu.memory_space<vmem>>, vector<16xi32>,
        %get3A_756 = arith.constant 32 : index
        %get3A_757 = tpu.vector_load %arg12[%get3A_756] {strides = array<i32>} : memref<64xi32, #tpu.memory_space<vmem>>, vector<16xi32>,
        %get3A_758 = arith.constant 32 : index
        %get3A_759 = tpu.vector_load %arg10[%get3A_758] {strides = array<i32>} : memref<64xi32, #tpu.memory_space<vmem>>, vector<16xi32>,
        %mul3A_760 = arith.constant 10000 : i32
        %mul3A_761 = arith.muli %arg0, %mul3A_760 : i32
        %add3A_762 = vector.broadcast %mul3A_761 : i32 to vector<16xi32>
        %add3A_763 = arith.addi %get3A_759, %add3A_762 : vector<16xi32>
        %swap3A_764 = arith.constant 32 : index
        %swap3A_765 = tpu.vector_load %arg14[%swap3A_764] {strides = array<i32>} : memref<64xi32, #tpu.memory_space<vmem>>, vector<16xi32>,
        tpu.vector_store %arg14[%swap3A_764], %add3A_763 {strides = array<i32>} : memref<64xi32, #tpu.memory_space<vmem>>, vector<16xi32>,
        %mul3A_766 = arith.constant 10000 : i32
        %mul3A_767 = arith.muli %arg0, %mul3A_766 : i32
        %add3A_768 = vector.broadcast %mul3A_767 : i32 to vector<16xi32>
        %add3A_769 = arith.addi %get3A_757, %add3A_768 : vector<16xi32>
        %swap3A_770 = arith.constant 32 : index
        %swap3A_771 = tpu.vector_load %arg16[%swap3A_770] {strides = array<i32>} : memref<64xi32, #tpu.memory_space<vmem>>, vector<16xi32>,
        tpu.vector_store %arg16[%swap3A_770], %add3A_769 {strides = array<i32>} : memref<64xi32, #tpu.memory_space<vmem>>, vector<16xi32>,
        %swap3A_772 = arith.constant 32 : index
        %swap3A_773 = tpu.vector_load %arg18[%swap3A_772] {strides = array<i32>} : memref<64xi32, #tpu.memory_space<vmem>>, vector<16xi32>,
        tpu.vector_store %arg18[%swap3A_772], %get3A_757 {strides = array<i32>} : memref<64xi32, #tpu.memory_space<vmem>>, vector<16xi32>,
        %get3A_774 = arith.constant 48 : index
        %get3A_775 = tpu.vector_load %arg12[%get3A_774] {strides = array<i32>} : memref<64xi32, #tpu.memory_space<vmem>>, vector<16xi32>,
        %get3A_776 = arith.constant 48 : index
        %get3A_777 = tpu.vector_load %arg10[%get3A_776] {strides = array<i32>} : memref<64xi32, #tpu.memory_space<vmem>>, vector<16xi32>,
        %mul3A_778 = arith.constant 10000 : i32
        %mul3A_779 = arith.muli %arg0, %mul3A_778 : i32
        %add3A_780 = vector.broadcast %mul3A_779 : i32 to vector<16xi32>
        %add3A_781 = arith.addi %get3A_777, %add3A_780 : vector<16xi32>
        %swap3A_782 = arith.constant 48 : index
        %swap3A_783 = tpu.vector_load %arg14[%swap3A_782] {strides = array<i32>} : memref<64xi32, #tpu.memory_space<vmem>>, vector<16xi32>,
        tpu.vector_store %arg14[%swap3A_782], %add3A_781 {strides = array<i32>} : memref<64xi32, #tpu.memory_space<vmem>>, vector<16xi32>,
        %mul3A_784 = arith.constant 10000 : i32
        %mul3A_785 = arith.muli %arg0, %mul3A_784 : i32
        %add3A_786 = vector.broadcast %mul3A_785 : i32 to vector<16xi32>
        %add3A_787 = arith.addi %get3A_775, %add3A_786 : vector<16xi32>
        %swap3A_788 = arith.constant 48 : index
        %swap3A_789 = tpu.vector_load %arg16[%swap3A_788] {strides = array<i32>} : memref<64xi32, #tpu.memory_space<vmem>>, vector<16xi32>,
        tpu.vector_store %arg16[%swap3A_788], %add3A_787 {strides = array<i32>} : memref<64xi32, #tpu.memory_space<vmem>>, vector<16xi32>,
        %swap3A_790 = arith.constant 48 : index
        %swap3A_791 = tpu.vector_load %arg18[%swap3A_790] {strides = array<i32>} : memref<64xi32, #tpu.memory_space<vmem>>, vector<16xi32>,
        tpu.vector_store %arg18[%swap3A_790], %get3A_775 {strides = array<i32>} : memref<64xi32, #tpu.memory_space<vmem>>, vector<16xi32>,
        %dma_start3A_792 = arith.constant 0 : i32
        %dma_start3A_793 = arith.constant 0 : i32
        %dma_start3A_794 = tpu.memref_slice %arg4[%dma_start3A_792, %dma_start3A_793] : memref<20000x144xf32, #tpu.memory_space<hbm>> -> memref<20000x144xf32, #tpu.memory_space<hbm>>
        tpu.enqueue_indirect_dma source(%dma_start3A_794 : memref<20000x144xf32, #tpu.memory_space<hbm>>) target(%arg22 : memref<64x144xf32, #tpu.memory_space<vmem>>) offsets(%arg14 : memref<64xi32, #tpu.memory_space<vmem>>) semaphore(%arg32 : memref<!tpu.dma_semaphore, #tpu.memory_space<semaphore_mem>>)
        %dma_start3A_795 = arith.constant 0 : i32
        %dma_start3A_796 = arith.constant 0 : i32
        %dma_start3A_797 = tpu.memref_slice %arg5[%dma_start3A_795, %dma_start3A_796] : memref<20000x16xf32, #tpu.memory_space<hbm>> -> memref<20000x16xf32, #tpu.memory_space<hbm>>
        tpu.enqueue_indirect_dma source(%dma_start3A_797 : memref<20000x16xf32, #tpu.memory_space<hbm>>) target(%arg24 : memref<64x16xf32, #tpu.memory_space<vmem>>) offsets(%arg16 : memref<64xi32, #tpu.memory_space<vmem>>) semaphore(%arg32 : memref<!tpu.dma_semaphore, #tpu.memory_space<semaphore_mem>>)
        %add3A_798 = arith.constant 2 : i32
        %add3A_799 = arith.addi %mul3A_400, %add3A_798 : i32
        %lt3A_800 = arith.constant 168 : i32
        %lt3A_801 = arith.cmpi slt, %add3A_799, %lt3A_800 : i32
        %convert_element_type3A_802 = arith.extui %lt3A_801 : i1 to i32
        %cond3A_803 = arith.constant 0 : i32
        %cond3A_804 = arith.cmpi ne, %convert_element_type3A_802, %cond3A_803 : i32
        scf.if %cond3A_804 {
          %add3A_805 = arith.constant 2 : i32
          %add3A_806 = arith.addi %mul3A_400, %add3A_805 : i32
          %mul3A_807 = arith.constant 64 : i32
          %mul3A_808 = arith.muli %add3A_806, %mul3A_807 : i32
          %add3A_809 = arith.addi %mul3A_0, %mul3A_808 : i32
          %dma_start3A_810 = tpu.memref_slice %arg2[%add3A_809] : memref<172032xi32, #tpu.memory_space<hbm>> -> memref<64xi32, #tpu.memory_space<hbm>>
          %dma_start3A_811 = tpu.memref_slice %arg2[%add3A_809] : memref<172032xi32, #tpu.memory_space<hbm>> -> memref<64xi32, #tpu.memory_space<hbm>>
          tpu.enqueue_dma source(%dma_start3A_811 : memref<64xi32, #tpu.memory_space<hbm>>) target(%arg9 : memref<64xi32, #tpu.memory_space<vmem>>) target_semaphore(%arg29 : memref<!tpu.dma_semaphore, #tpu.memory_space<semaphore_mem>>)
          %dma_start3A_812 = tpu.memref_slice %arg3[%add3A_809] : memref<172032xi32, #tpu.memory_space<hbm>> -> memref<64xi32, #tpu.memory_space<hbm>>
          %dma_start3A_813 = tpu.memref_slice %arg3[%add3A_809] : memref<172032xi32, #tpu.memory_space<hbm>> -> memref<64xi32, #tpu.memory_space<hbm>>
          tpu.enqueue_dma source(%dma_start3A_813 : memref<64xi32, #tpu.memory_space<hbm>>) target(%arg11 : memref<64xi32, #tpu.memory_space<vmem>>) target_semaphore(%arg29 : memref<!tpu.dma_semaphore, #tpu.memory_space<semaphore_mem>>)
        } else {
        }
      } else {
      }
      %dma_wait3A_405 = arith.constant 0 : i32
      %dma_wait3A_406 = arith.constant 0 : i32
      %dma_wait3A_407 = tpu.memref_slice %arg4[%dma_wait3A_405, %dma_wait3A_406] : memref<20000x144xf32, #tpu.memory_space<hbm>> -> memref<20000x144xf32, #tpu.memory_space<hbm>>
      tpu.wait_indirect_dma semaphore(%arg31 : memref<!tpu.dma_semaphore, #tpu.memory_space<semaphore_mem>>) src(%dma_wait3A_407 : memref<20000x144xf32, #tpu.memory_space<hbm>>) dst(%arg21 : memref<64x144xf32, #tpu.memory_space<vmem>>)
      %dma_wait3A_408 = arith.constant 0 : i32
      %dma_wait3A_409 = arith.constant 0 : i32
      %dma_wait3A_410 = tpu.memref_slice %arg5[%dma_wait3A_408, %dma_wait3A_409] : memref<20000x16xf32, #tpu.memory_space<hbm>> -> memref<20000x16xf32, #tpu.memory_space<hbm>>
      tpu.wait_indirect_dma semaphore(%arg31 : memref<!tpu.dma_semaphore, #tpu.memory_space<semaphore_mem>>) src(%dma_wait3A_410 : memref<20000x16xf32, #tpu.memory_space<hbm>>) dst(%arg23 : memref<64x16xf32, #tpu.memory_space<vmem>>)
      %mul3A_411 = arith.constant 64 : i32
      %mul3A_412 = arith.muli %mul3A_400, %mul3A_411 : i32
      %add3A_413 = arith.addi %mul3A_0, %mul3A_412 : i32
      %add3A_414 = arith.constant 0 : i32
      %add3A_415 = vector.broadcast %add3A_414 : i32 to vector<16xi32>
      %add3A_416 = arith.addi %add3A_415, %iota3A : vector<16xi32>
      %gather3A = tpu.vector_load_idx %arg21[%add3A_416, %broadcast_in_dim3A_5] : memref<64x144xf32, #tpu.memory_space<vmem>>[vector<16xi32>, vector<16xi32>], vector<16xf32>,
      %gather3A_417 = tpu.vector_load_idx %arg23[%add3A_416, %broadcast_in_dim3A_3] : memref<64x16xf32, #tpu.memory_space<vmem>>[vector<16xi32>, vector<16xi32>], vector<16xf32>,
      %add3A_418 = arith.addf %gather3A, %gather3A_417 : vector<16xf32>
      %gt3A = arith.constant 0.000000e+00 : f32
      %gt3A_419 = vector.broadcast %gt3A : f32 to vector<16xf32>
      %gt3A_420 = arith.cmpf ogt, %add3A_418, %gt3A_419 : vector<16xf32>
      %mul3A_421 = arith.constant 2.000000e-01 : f32
      %mul3A_422 = vector.broadcast %mul3A_421 : f32 to vector<16xf32>
      %mul3A_423 = arith.mulf %mul3A_422, %add3A_418 : vector<16xf32>
      %select_n3A_424 = arith.select %gt3A_420, %add3A_418, %mul3A_423 : vector<16xi1>, vector<16xf32>
      %exp3A = math.exp %select_n3A_424 : vector<16xf32>
      %add3A_425 = arith.constant 0 : i32
      %add3A_426 = arith.addi %add3A_413, %add3A_425 : i32
      %add3A_427 = vector.broadcast %add3A_426 : i32 to vector<16xi32>
      %add3A_428 = arith.addi %add3A_427, %iota3A : vector<16xi32>
      %lt3A_429 = arith.constant 170000 : i32
      %lt3A_430 = vector.broadcast %lt3A_429 : i32 to vector<16xi32>
      %lt3A_431 = arith.cmpi slt, %add3A_428, %lt3A_430 : vector<16xi32>
      %jit3A_432 = arith.constant 0.000000e+00 : f32
      %broadcast_in_dim3A_433 = vector.broadcast %jit3A_432 : f32 to vector<16xf32>
      %select_n3A_434 = arith.select %lt3A_431, %exp3A, %broadcast_in_dim3A_433 : vector<16xi1>, vector<16xf32>
      %swap3A_435 = arith.constant 0 : index
      %swap3A_436 = tpu.vector_load %arg19[%swap3A_435] {strides = array<i32>} : memref<80xf32, #tpu.memory_space<vmem>>, vector<16xf32>,
      tpu.vector_store %arg19[%swap3A_435], %select_n3A_434 {strides = array<i32>} : memref<80xf32, #tpu.memory_space<vmem>>, vector<16xf32>,
      %mul3A_437 = arith.constant 64 : i32
      %mul3A_438 = arith.muli %mul3A_400, %mul3A_437 : i32
      %add3A_439 = arith.constant 0 : i32
      %add3A_440 = arith.addi %mul3A_438, %add3A_439 : i32
      %swap3A_441 = arith.index_cast %add3A_440 : i32 to index
      %swap3A_442 = tpu.vector_load %arg25[%swap3A_441] {strides = array<i32>} : memref<10752xf32, #tpu.memory_space<vmem>>, vector<16xf32>,
      tpu.vector_store %arg25[%swap3A_441], %select_n3A_434 {strides = array<i32>} : memref<10752xf32, #tpu.memory_space<vmem>>, vector<16xf32>,
      %add3A_443 = arith.constant 16 : i32
      %add3A_444 = vector.broadcast %add3A_443 : i32 to vector<16xi32>
      %add3A_445 = arith.addi %add3A_444, %iota3A : vector<16xi32>
      %gather3A_446 = tpu.vector_load_idx %arg21[%add3A_445, %broadcast_in_dim3A_5] : memref<64x144xf32, #tpu.memory_space<vmem>>[vector<16xi32>, vector<16xi32>], vector<16xf32>,
      %gather3A_447 = tpu.vector_load_idx %arg23[%add3A_445, %broadcast_in_dim3A_3] : memref<64x16xf32, #tpu.memory_space<vmem>>[vector<16xi32>, vector<16xi32>], vector<16xf32>,
      %add3A_448 = arith.addf %gather3A_446, %gather3A_447 : vector<16xf32>
      %gt3A_449 = arith.constant 0.000000e+00 : f32
      %gt3A_450 = vector.broadcast %gt3A_449 : f32 to vector<16xf32>
      %gt3A_451 = arith.cmpf ogt, %add3A_448, %gt3A_450 : vector<16xf32>
      %mul3A_452 = arith.constant 2.000000e-01 : f32
      %mul3A_453 = vector.broadcast %mul3A_452 : f32 to vector<16xf32>
      %mul3A_454 = arith.mulf %mul3A_453, %add3A_448 : vector<16xf32>
      %select_n3A_455 = arith.select %gt3A_451, %add3A_448, %mul3A_454 : vector<16xi1>, vector<16xf32>
      %exp3A_456 = math.exp %select_n3A_455 : vector<16xf32>
      %add3A_457 = arith.constant 16 : i32
      %add3A_458 = arith.addi %add3A_413, %add3A_457 : i32
      %add3A_459 = vector.broadcast %add3A_458 : i32 to vector<16xi32>
      %add3A_460 = arith.addi %add3A_459, %iota3A : vector<16xi32>
      %lt3A_461 = arith.constant 170000 : i32
      %lt3A_462 = vector.broadcast %lt3A_461 : i32 to vector<16xi32>
      %lt3A_463 = arith.cmpi slt, %add3A_460, %lt3A_462 : vector<16xi32>
      %jit3A_464 = arith.constant 0.000000e+00 : f32
      %broadcast_in_dim3A_465 = vector.broadcast %jit3A_464 : f32 to vector<16xf32>
      %select_n3A_466 = arith.select %lt3A_463, %exp3A_456, %broadcast_in_dim3A_465 : vector<16xi1>, vector<16xf32>
      %swap3A_467 = arith.constant 16 : index
      %swap3A_468 = tpu.vector_load %arg19[%swap3A_467] {strides = array<i32>} : memref<80xf32, #tpu.memory_space<vmem>>, vector<16xf32>,
      tpu.vector_store %arg19[%swap3A_467], %select_n3A_466 {strides = array<i32>} : memref<80xf32, #tpu.memory_space<vmem>>, vector<16xf32>,
      %mul3A_469 = arith.constant 64 : i32
      %mul3A_470 = arith.muli %mul3A_400, %mul3A_469 : i32
      %add3A_471 = arith.constant 16 : i32
      %add3A_472 = arith.addi %mul3A_470, %add3A_471 : i32
      %swap3A_473 = arith.index_cast %add3A_472 : i32 to index
      %swap3A_474 = tpu.vector_load %arg25[%swap3A_473] {strides = array<i32>} : memref<10752xf32, #tpu.memory_space<vmem>>, vector<16xf32>,
      tpu.vector_store %arg25[%swap3A_473], %select_n3A_466 {strides = array<i32>} : memref<10752xf32, #tpu.memory_space<vmem>>, vector<16xf32>,
      %add3A_475 = arith.constant 32 : i32
      %add3A_476 = vector.broadcast %add3A_475 : i32 to vector<16xi32>
      %add3A_477 = arith.addi %add3A_476, %iota3A : vector<16xi32>
      %gather3A_478 = tpu.vector_load_idx %arg21[%add3A_477, %broadcast_in_dim3A_5] : memref<64x144xf32, #tpu.memory_space<vmem>>[vector<16xi32>, vector<16xi32>], vector<16xf32>,
      %gather3A_479 = tpu.vector_load_idx %arg23[%add3A_477, %broadcast_in_dim3A_3] : memref<64x16xf32, #tpu.memory_space<vmem>>[vector<16xi32>, vector<16xi32>], vector<16xf32>,
      %add3A_480 = arith.addf %gather3A_478, %gather3A_479 : vector<16xf32>
      %gt3A_481 = arith.constant 0.000000e+00 : f32
      %gt3A_482 = vector.broadcast %gt3A_481 : f32 to vector<16xf32>
      %gt3A_483 = arith.cmpf ogt, %add3A_480, %gt3A_482 : vector<16xf32>
      %mul3A_484 = arith.constant 2.000000e-01 : f32
      %mul3A_485 = vector.broadcast %mul3A_484 : f32 to vector<16xf32>
      %mul3A_486 = arith.mulf %mul3A_485, %add3A_480 : vector<16xf32>
      %select_n3A_487 = arith.select %gt3A_483, %add3A_480, %mul3A_486 : vector<16xi1>, vector<16xf32>
      %exp3A_488 = math.exp %select_n3A_487 : vector<16xf32>
      %add3A_489 = arith.constant 32 : i32
      %add3A_490 = arith.addi %add3A_413, %add3A_489 : i32
      %add3A_491 = vector.broadcast %add3A_490 : i32 to vector<16xi32>
      %add3A_492 = arith.addi %add3A_491, %iota3A : vector<16xi32>
      %lt3A_493 = arith.constant 170000 : i32
      %lt3A_494 = vector.broadcast %lt3A_493 : i32 to vector<16xi32>
      %lt3A_495 = arith.cmpi slt, %add3A_492, %lt3A_494 : vector<16xi32>
      %jit3A_496 = arith.constant 0.000000e+00 : f32
      %broadcast_in_dim3A_497 = vector.broadcast %jit3A_496 : f32 to vector<16xf32>
      %select_n3A_498 = arith.select %lt3A_495, %exp3A_488, %broadcast_in_dim3A_497 : vector<16xi1>, vector<16xf32>
      %swap3A_499 = arith.constant 32 : index
      %swap3A_500 = tpu.vector_load %arg19[%swap3A_499] {strides = array<i32>} : memref<80xf32, #tpu.memory_space<vmem>>, vector<16xf32>,
      tpu.vector_store %arg19[%swap3A_499], %select_n3A_498 {strides = array<i32>} : memref<80xf32, #tpu.memory_space<vmem>>, vector<16xf32>,
      %mul3A_501 = arith.constant 64 : i32
      %mul3A_502 = arith.muli %mul3A_400, %mul3A_501 : i32
      %add3A_503 = arith.constant 32 : i32
      %add3A_504 = arith.addi %mul3A_502, %add3A_503 : i32
      %swap3A_505 = arith.index_cast %add3A_504 : i32 to index
      %swap3A_506 = tpu.vector_load %arg25[%swap3A_505] {strides = array<i32>} : memref<10752xf32, #tpu.memory_space<vmem>>, vector<16xf32>,
      tpu.vector_store %arg25[%swap3A_505], %select_n3A_498 {strides = array<i32>} : memref<10752xf32, #tpu.memory_space<vmem>>, vector<16xf32>,
      %add3A_507 = arith.constant 48 : i32
      %add3A_508 = vector.broadcast %add3A_507 : i32 to vector<16xi32>
      %add3A_509 = arith.addi %add3A_508, %iota3A : vector<16xi32>
      %gather3A_510 = tpu.vector_load_idx %arg21[%add3A_509, %broadcast_in_dim3A_5] : memref<64x144xf32, #tpu.memory_space<vmem>>[vector<16xi32>, vector<16xi32>], vector<16xf32>,
      %gather3A_511 = tpu.vector_load_idx %arg23[%add3A_509, %broadcast_in_dim3A_3] : memref<64x16xf32, #tpu.memory_space<vmem>>[vector<16xi32>, vector<16xi32>], vector<16xf32>,
      %add3A_512 = arith.addf %gather3A_510, %gather3A_511 : vector<16xf32>
      %gt3A_513 = arith.constant 0.000000e+00 : f32
      %gt3A_514 = vector.broadcast %gt3A_513 : f32 to vector<16xf32>
      %gt3A_515 = arith.cmpf ogt, %add3A_512, %gt3A_514 : vector<16xf32>
      %mul3A_516 = arith.constant 2.000000e-01 : f32
      %mul3A_517 = vector.broadcast %mul3A_516 : f32 to vector<16xf32>
      %mul3A_518 = arith.mulf %mul3A_517, %add3A_512 : vector<16xf32>
      %select_n3A_519 = arith.select %gt3A_515, %add3A_512, %mul3A_518 : vector<16xi1>, vector<16xf32>
      %exp3A_520 = math.exp %select_n3A_519 : vector<16xf32>
      %add3A_521 = arith.constant 48 : i32
      %add3A_522 = arith.addi %add3A_413, %add3A_521 : i32
      %add3A_523 = vector.broadcast %add3A_522 : i32 to vector<16xi32>
      %add3A_524 = arith.addi %add3A_523, %iota3A : vector<16xi32>
      %lt3A_525 = arith.constant 170000 : i32
      %lt3A_526 = vector.broadcast %lt3A_525 : i32 to vector<16xi32>
      %lt3A_527 = arith.cmpi slt, %add3A_524, %lt3A_526 : vector<16xi32>
      %jit3A_528 = arith.constant 0.000000e+00 : f32
      %broadcast_in_dim3A_529 = vector.broadcast %jit3A_528 : f32 to vector<16xf32>
      %select_n3A_530 = arith.select %lt3A_527, %exp3A_520, %broadcast_in_dim3A_529 : vector<16xi1>, vector<16xf32>
      %swap3A_531 = arith.constant 48 : index
      %swap3A_532 = tpu.vector_load %arg19[%swap3A_531] {strides = array<i32>} : memref<80xf32, #tpu.memory_space<vmem>>, vector<16xf32>,
      tpu.vector_store %arg19[%swap3A_531], %select_n3A_530 {strides = array<i32>} : memref<80xf32, #tpu.memory_space<vmem>>, vector<16xf32>,
      %mul3A_533 = arith.constant 64 : i32
      %mul3A_534 = arith.muli %mul3A_400, %mul3A_533 : i32
      %add3A_535 = arith.constant 48 : i32
      %add3A_536 = arith.addi %mul3A_534, %add3A_535 : i32
      %swap3A_537 = arith.index_cast %add3A_536 : i32 to index
      %swap3A_538 = tpu.vector_load %arg25[%swap3A_537] {strides = array<i32>} : memref<10752xf32, #tpu.memory_space<vmem>>, vector<16xf32>,
      tpu.vector_store %arg25[%swap3A_537], %select_n3A_530 {strides = array<i32>} : memref<10752xf32, #tpu.memory_space<vmem>>, vector<16xf32>,
      %scan3A_539 = arith.constant 0 : i32
      %scan3A_540 = arith.constant 0 : i32
      %scan3A_541 = arith.constant 64 : i32
      %scan3A_542 = arith.addi %scan3A_540, %scan3A_541 : i32
      %scan3A_543 = arith.constant 1 : i32
      %scan3A_544 = scf.for %scan3A_708 = %scan3A_540 to %scan3A_542 step %scan3A_543 iter_args(%scan3A_709 = %scan3A_539) -> (i32)  : i32 {
        %get3A_710 = arith.index_cast %scan3A_708 : i32 to index
        %get3A_711 = tpu.vector_load %arg19[%get3A_710] {strides = array<i32>} : memref<80xf32, #tpu.memory_space<vmem>>, vector<16xf32>,
        %slice3A = vector.extract_strided_slice %get3A_711 {offsets = [0], sizes = [1], strides = [1]} : vector<16xf32> to vector<1xf32>
        %squeeze3A = vector.extract %slice3A[0] : f32 from vector<1xf32>
        %get3A_712 = arith.index_cast %scan3A_708 : i32 to index
        %get3A_713 = arith.constant 0 : index
        %get3A_714 = tpu.vector_load %arg21[%get3A_712, %get3A_713] {strides = array<i32>} : memref<64x144xf32, #tpu.memory_space<vmem>>, vector<16xf32>,
        %mul3A_715 = vector.broadcast %squeeze3A : f32 to vector<16xf32>
        %mul3A_716 = arith.mulf %get3A_714, %mul3A_715 : vector<16xf32>
        %swap3A_717 = arith.index_cast %scan3A_708 : i32 to index
        %swap3A_718 = arith.constant 0 : index
        %swap3A_719 = tpu.vector_load %arg21[%swap3A_717, %swap3A_718] {strides = array<i32>} : memref<64x144xf32, #tpu.memory_space<vmem>>, vector<16xf32>,
        tpu.vector_store %arg21[%swap3A_717, %swap3A_718], %mul3A_716 {strides = array<i32>} : memref<64x144xf32, #tpu.memory_space<vmem>>, vector<16xf32>,
        %get3A_720 = arith.index_cast %scan3A_708 : i32 to index
        %get3A_721 = arith.constant 16 : index
        %get3A_722 = tpu.vector_load %arg21[%get3A_720, %get3A_721] {strides = array<i32>} : memref<64x144xf32, #tpu.memory_space<vmem>>, vector<16xf32>,
        %mul3A_723 = vector.broadcast %squeeze3A : f32 to vector<16xf32>
        %mul3A_724 = arith.mulf %get3A_722, %mul3A_723 : vector<16xf32>
        %swap3A_725 = arith.index_cast %scan3A_708 : i32 to index
        %swap3A_726 = arith.constant 16 : index
        %swap3A_727 = tpu.vector_load %arg21[%swap3A_725, %swap3A_726] {strides = array<i32>} : memref<64x144xf32, #tpu.memory_space<vmem>>, vector<16xf32>,
        tpu.vector_store %arg21[%swap3A_725, %swap3A_726], %mul3A_724 {strides = array<i32>} : memref<64x144xf32, #tpu.memory_space<vmem>>, vector<16xf32>,
        %get3A_728 = arith.index_cast %scan3A_708 : i32 to index
        %get3A_729 = arith.constant 32 : index
        %get3A_730 = tpu.vector_load %arg21[%get3A_728, %get3A_729] {strides = array<i32>} : memref<64x144xf32, #tpu.memory_space<vmem>>, vector<16xf32>,
        %mul3A_731 = vector.broadcast %squeeze3A : f32 to vector<16xf32>
        %mul3A_732 = arith.mulf %get3A_730, %mul3A_731 : vector<16xf32>
        %swap3A_733 = arith.index_cast %scan3A_708 : i32 to index
        %swap3A_734 = arith.constant 32 : index
        %swap3A_735 = tpu.vector_load %arg21[%swap3A_733, %swap3A_734] {strides = array<i32>} : memref<64x144xf32, #tpu.memory_space<vmem>>, vector<16xf32>,
        tpu.vector_store %arg21[%swap3A_733, %swap3A_734], %mul3A_732 {strides = array<i32>} : memref<64x144xf32, #tpu.memory_space<vmem>>, vector<16xf32>,
        %get3A_736 = arith.index_cast %scan3A_708 : i32 to index
        %get3A_737 = arith.constant 48 : index
        %get3A_738 = tpu.vector_load %arg21[%get3A_736, %get3A_737] {strides = array<i32>} : memref<64x144xf32, #tpu.memory_space<vmem>>, vector<16xf32>,
        %mul3A_739 = vector.broadcast %squeeze3A : f32 to vector<16xf32>
        %mul3A_740 = arith.mulf %get3A_738, %mul3A_739 : vector<16xf32>
        %swap3A_741 = arith.index_cast %scan3A_708 : i32 to index
        %swap3A_742 = arith.constant 48 : index
        %swap3A_743 = tpu.vector_load %arg21[%swap3A_741, %swap3A_742] {strides = array<i32>} : memref<64x144xf32, #tpu.memory_space<vmem>>, vector<16xf32>,
        tpu.vector_store %arg21[%swap3A_741, %swap3A_742], %mul3A_740 {strides = array<i32>} : memref<64x144xf32, #tpu.memory_space<vmem>>, vector<16xf32>,
        %get3A_744 = arith.index_cast %scan3A_708 : i32 to index
        %get3A_745 = arith.constant 64 : index
        %get3A_746 = tpu.vector_load %arg21[%get3A_744, %get3A_745] {strides = array<i32>} : memref<64x144xf32, #tpu.memory_space<vmem>>, vector<16xf32>,
        %mul3A_747 = vector.broadcast %squeeze3A : f32 to vector<16xf32>
        %mul3A_748 = arith.mulf %get3A_746, %mul3A_747 : vector<16xf32>
        %swap3A_749 = arith.index_cast %scan3A_708 : i32 to index
        %swap3A_750 = arith.constant 64 : index
        %swap3A_751 = tpu.vector_load %arg21[%swap3A_749, %swap3A_750] {strides = array<i32>} : memref<64x144xf32, #tpu.memory_space<vmem>>, vector<16xf32>,
        tpu.vector_store %arg21[%swap3A_749, %swap3A_750], %mul3A_748 {strides = array<i32>} : memref<64x144xf32, #tpu.memory_space<vmem>>, vector<16xf32>,
        %get3A_752 = arith.index_cast %scan3A_708 : i32 to index
        %get3A_753 = arith.constant 80 : index
        %get3A_754 = tpu.vector_load %arg21[%get3A_752, %get3A_753] {strides = array<i32>} : memref<64x144xf32, #tpu.memory_space<vmem>>, vector<16xf32>,
        %mul3A_755 = vector.broadcast %squeeze3A : f32 to vector<16xf32>
        %mul3A_756 = arith.mulf %get3A_754, %mul3A_755 : vector<16xf32>
        %swap3A_757 = arith.index_cast %scan3A_708 : i32 to index
        %swap3A_758 = arith.constant 80 : index
        %swap3A_759 = tpu.vector_load %arg21[%swap3A_757, %swap3A_758] {strides = array<i32>} : memref<64x144xf32, #tpu.memory_space<vmem>>, vector<16xf32>,
        tpu.vector_store %arg21[%swap3A_757, %swap3A_758], %mul3A_756 {strides = array<i32>} : memref<64x144xf32, #tpu.memory_space<vmem>>, vector<16xf32>,
        %get3A_760 = arith.index_cast %scan3A_708 : i32 to index
        %get3A_761 = arith.constant 96 : index
        %get3A_762 = tpu.vector_load %arg21[%get3A_760, %get3A_761] {strides = array<i32>} : memref<64x144xf32, #tpu.memory_space<vmem>>, vector<16xf32>,
        %mul3A_763 = vector.broadcast %squeeze3A : f32 to vector<16xf32>
        %mul3A_764 = arith.mulf %get3A_762, %mul3A_763 : vector<16xf32>
        %swap3A_765 = arith.index_cast %scan3A_708 : i32 to index
        %swap3A_766 = arith.constant 96 : index
        %swap3A_767 = tpu.vector_load %arg21[%swap3A_765, %swap3A_766] {strides = array<i32>} : memref<64x144xf32, #tpu.memory_space<vmem>>, vector<16xf32>,
        tpu.vector_store %arg21[%swap3A_765, %swap3A_766], %mul3A_764 {strides = array<i32>} : memref<64x144xf32, #tpu.memory_space<vmem>>, vector<16xf32>,
        %get3A_768 = arith.index_cast %scan3A_708 : i32 to index
        %get3A_769 = arith.constant 112 : index
        %get3A_770 = tpu.vector_load %arg21[%get3A_768, %get3A_769] {strides = array<i32>} : memref<64x144xf32, #tpu.memory_space<vmem>>, vector<16xf32>,
        %mul3A_771 = vector.broadcast %squeeze3A : f32 to vector<16xf32>
        %mul3A_772 = arith.mulf %get3A_770, %mul3A_771 : vector<16xf32>
        %swap3A_773 = arith.index_cast %scan3A_708 : i32 to index
        %swap3A_774 = arith.constant 112 : index
        %swap3A_775 = tpu.vector_load %arg21[%swap3A_773, %swap3A_774] {strides = array<i32>} : memref<64x144xf32, #tpu.memory_space<vmem>>, vector<16xf32>,
        tpu.vector_store %arg21[%swap3A_773, %swap3A_774], %mul3A_772 {strides = array<i32>} : memref<64x144xf32, #tpu.memory_space<vmem>>, vector<16xf32>,
        %mul3A_776 = vector.broadcast %squeeze3A : f32 to vector<16xf32>
        %mul3A_777 = arith.mulf %select_n3A, %mul3A_776 : vector<16xf32>
        %swap3A_778 = arith.index_cast %scan3A_708 : i32 to index
        %swap3A_779 = arith.constant 128 : index
        %swap3A_780 = tpu.vector_load %arg21[%swap3A_778, %swap3A_779] {strides = array<i32>} : memref<64x144xf32, #tpu.memory_space<vmem>>, vector<16xf32>,
        tpu.vector_store %arg21[%swap3A_778, %swap3A_779], %mul3A_777 {strides = array<i32>} : memref<64x144xf32, #tpu.memory_space<vmem>>, vector<16xf32>,
        %scan3A_781 = arith.constant 0 : i32
        scf.yield %scan3A_781 : i32
      }
      %scan3A_545 = arith.constant 64 : i32
      %dma_start3A_546 = arith.constant 0 : i32
      %dma_start3A_547 = arith.constant 0 : i32
      %dma_start3A_548 = tpu.memref_slice %arg35[%dma_start3A_546, %dma_start3A_547] : memref<10240x144xf32, #tpu.memory_space<vmem_shared>> -> memref<10240x144xf32, #tpu.memory_space<vmem_shared>>
      tpu.enqueue_indirect_dma source(%arg21 : memref<64x144xf32, #tpu.memory_space<vmem>>) target(%dma_start3A_548 : memref<10240x144xf32, #tpu.memory_space<vmem_shared>>) offsets(%arg17 : memref<64xi32, #tpu.memory_space<vmem>>) semaphore(%arg33 : memref<!tpu.dma_semaphore, #tpu.memory_space<semaphore_mem>>) {add = true}
      %mul3A_549 = arith.constant 2 : i32
      %mul3A_550 = arith.muli %mul3A_549, %scan3A_397 : i32
      %add3A_551 = arith.constant 1 : i32
      %add3A_552 = arith.addi %mul3A_550, %add3A_551 : i32
      %add3A_553 = arith.constant 1 : i32
      %add3A_554 = arith.addi %add3A_552, %add3A_553 : i32
      %lt3A_555 = arith.constant 168 : i32
      %lt3A_556 = arith.cmpi slt, %add3A_554, %lt3A_555 : i32
      %convert_element_type3A_557 = arith.extui %lt3A_556 : i1 to i32
      %cond3A_558 = arith.constant 0 : i32
      %cond3A_559 = arith.cmpi ne, %convert_element_type3A_557, %cond3A_558 : i32
      scf.if %cond3A_559 {
        %dma_wait3A_708 = arith.constant 0 : i32
        %dma_wait3A_709 = tpu.memref_slice %arg2[%dma_wait3A_708] : memref<172032xi32, #tpu.memory_space<hbm>> -> memref<64xi32, #tpu.memory_space<hbm>>
        %dma_wait3A_710 = arith.constant 0 : i32
        %dma_wait3A_711 = tpu.memref_slice %arg2[%dma_wait3A_710] : memref<172032xi32, #tpu.memory_space<hbm>> -> memref<64xi32, #tpu.memory_space<hbm>>
        tpu.wait_dma2 semaphore(%arg29 : memref<!tpu.dma_semaphore, #tpu.memory_space<semaphore_mem>>) src(%dma_wait3A_711 : memref<64xi32, #tpu.memory_space<hbm>>) dst(%arg9 : memref<64xi32, #tpu.memory_space<vmem>>)
        %dma_wait3A_712 = arith.constant 0 : i32
        %dma_wait3A_713 = tpu.memref_slice %arg3[%dma_wait3A_712] : memref<172032xi32, #tpu.memory_space<hbm>> -> memref<64xi32, #tpu.memory_space<hbm>>
        %dma_wait3A_714 = arith.constant 0 : i32
        %dma_wait3A_715 = tpu.memref_slice %arg3[%dma_wait3A_714] : memref<172032xi32, #tpu.memory_space<hbm>> -> memref<64xi32, #tpu.memory_space<hbm>>
        tpu.wait_dma2 semaphore(%arg29 : memref<!tpu.dma_semaphore, #tpu.memory_space<semaphore_mem>>) src(%dma_wait3A_715 : memref<64xi32, #tpu.memory_space<hbm>>) dst(%arg11 : memref<64xi32, #tpu.memory_space<vmem>>)
        %ge3A = arith.constant 1 : i32
        %ge3A_716 = arith.cmpi sge, %add3A_552, %ge3A : i32
        %convert_element_type3A_717 = arith.extui %ge3A_716 : i1 to i32
        %cond3A_718 = arith.constant 0 : i32
        %cond3A_719 = arith.cmpi ne, %convert_element_type3A_717, %cond3A_718 : i32
        scf.if %cond3A_719 {
          %dma_wait3A_805 = arith.constant 0 : i32
          %dma_wait3A_806 = arith.constant 0 : i32
          %dma_wait3A_807 = tpu.memref_slice %arg35[%dma_wait3A_805, %dma_wait3A_806] : memref<10240x144xf32, #tpu.memory_space<vmem_shared>> -> memref<10240x144xf32, #tpu.memory_space<vmem_shared>>
          tpu.wait_indirect_dma semaphore(%arg33 : memref<!tpu.dma_semaphore, #tpu.memory_space<semaphore_mem>>) src(%arg21 : memref<64x144xf32, #tpu.memory_space<vmem>>) dst(%dma_wait3A_807 : memref<10240x144xf32, #tpu.memory_space<vmem_shared>>)
        } else {
        }
        %get3A_720 = arith.constant 0 : index
        %get3A_721 = tpu.vector_load %arg11[%get3A_720] {strides = array<i32>} : memref<64xi32, #tpu.memory_space<vmem>>, vector<16xi32>,
        %get3A_722 = arith.constant 0 : index
        %get3A_723 = tpu.vector_load %arg9[%get3A_722] {strides = array<i32>} : memref<64xi32, #tpu.memory_space<vmem>>, vector<16xi32>,
        %mul3A_724 = arith.constant 10000 : i32
        %mul3A_725 = arith.muli %arg0, %mul3A_724 : i32
        %add3A_726 = vector.broadcast %mul3A_725 : i32 to vector<16xi32>
        %add3A_727 = arith.addi %get3A_723, %add3A_726 : vector<16xi32>
        %swap3A_728 = arith.constant 0 : index
        %swap3A_729 = tpu.vector_load %arg13[%swap3A_728] {strides = array<i32>} : memref<64xi32, #tpu.memory_space<vmem>>, vector<16xi32>,
        tpu.vector_store %arg13[%swap3A_728], %add3A_727 {strides = array<i32>} : memref<64xi32, #tpu.memory_space<vmem>>, vector<16xi32>,
        %mul3A_730 = arith.constant 10000 : i32
        %mul3A_731 = arith.muli %arg0, %mul3A_730 : i32
        %add3A_732 = vector.broadcast %mul3A_731 : i32 to vector<16xi32>
        %add3A_733 = arith.addi %get3A_721, %add3A_732 : vector<16xi32>
        %swap3A_734 = arith.constant 0 : index
        %swap3A_735 = tpu.vector_load %arg15[%swap3A_734] {strides = array<i32>} : memref<64xi32, #tpu.memory_space<vmem>>, vector<16xi32>,
        tpu.vector_store %arg15[%swap3A_734], %add3A_733 {strides = array<i32>} : memref<64xi32, #tpu.memory_space<vmem>>, vector<16xi32>,
        %swap3A_736 = arith.constant 0 : index
        %swap3A_737 = tpu.vector_load %arg17[%swap3A_736] {strides = array<i32>} : memref<64xi32, #tpu.memory_space<vmem>>, vector<16xi32>,
        tpu.vector_store %arg17[%swap3A_736], %get3A_721 {strides = array<i32>} : memref<64xi32, #tpu.memory_space<vmem>>, vector<16xi32>,
        %get3A_738 = arith.constant 16 : index
        %get3A_739 = tpu.vector_load %arg11[%get3A_738] {strides = array<i32>} : memref<64xi32, #tpu.memory_space<vmem>>, vector<16xi32>,
        %get3A_740 = arith.constant 16 : index
        %get3A_741 = tpu.vector_load %arg9[%get3A_740] {strides = array<i32>} : memref<64xi32, #tpu.memory_space<vmem>>, vector<16xi32>,
        %mul3A_742 = arith.constant 10000 : i32
        %mul3A_743 = arith.muli %arg0, %mul3A_742 : i32
        %add3A_744 = vector.broadcast %mul3A_743 : i32 to vector<16xi32>
        %add3A_745 = arith.addi %get3A_741, %add3A_744 : vector<16xi32>
        %swap3A_746 = arith.constant 16 : index
        %swap3A_747 = tpu.vector_load %arg13[%swap3A_746] {strides = array<i32>} : memref<64xi32, #tpu.memory_space<vmem>>, vector<16xi32>,
        tpu.vector_store %arg13[%swap3A_746], %add3A_745 {strides = array<i32>} : memref<64xi32, #tpu.memory_space<vmem>>, vector<16xi32>,
        %mul3A_748 = arith.constant 10000 : i32
        %mul3A_749 = arith.muli %arg0, %mul3A_748 : i32
        %add3A_750 = vector.broadcast %mul3A_749 : i32 to vector<16xi32>
        %add3A_751 = arith.addi %get3A_739, %add3A_750 : vector<16xi32>
        %swap3A_752 = arith.constant 16 : index
        %swap3A_753 = tpu.vector_load %arg15[%swap3A_752] {strides = array<i32>} : memref<64xi32, #tpu.memory_space<vmem>>, vector<16xi32>,
        tpu.vector_store %arg15[%swap3A_752], %add3A_751 {strides = array<i32>} : memref<64xi32, #tpu.memory_space<vmem>>, vector<16xi32>,
        %swap3A_754 = arith.constant 16 : index
        %swap3A_755 = tpu.vector_load %arg17[%swap3A_754] {strides = array<i32>} : memref<64xi32, #tpu.memory_space<vmem>>, vector<16xi32>,
        tpu.vector_store %arg17[%swap3A_754], %get3A_739 {strides = array<i32>} : memref<64xi32, #tpu.memory_space<vmem>>, vector<16xi32>,
        %get3A_756 = arith.constant 32 : index
        %get3A_757 = tpu.vector_load %arg11[%get3A_756] {strides = array<i32>} : memref<64xi32, #tpu.memory_space<vmem>>, vector<16xi32>,
        %get3A_758 = arith.constant 32 : index
        %get3A_759 = tpu.vector_load %arg9[%get3A_758] {strides = array<i32>} : memref<64xi32, #tpu.memory_space<vmem>>, vector<16xi32>,
        %mul3A_760 = arith.constant 10000 : i32
        %mul3A_761 = arith.muli %arg0, %mul3A_760 : i32
        %add3A_762 = vector.broadcast %mul3A_761 : i32 to vector<16xi32>
        %add3A_763 = arith.addi %get3A_759, %add3A_762 : vector<16xi32>
        %swap3A_764 = arith.constant 32 : index
        %swap3A_765 = tpu.vector_load %arg13[%swap3A_764] {strides = array<i32>} : memref<64xi32, #tpu.memory_space<vmem>>, vector<16xi32>,
        tpu.vector_store %arg13[%swap3A_764], %add3A_763 {strides = array<i32>} : memref<64xi32, #tpu.memory_space<vmem>>, vector<16xi32>,
        %mul3A_766 = arith.constant 10000 : i32
        %mul3A_767 = arith.muli %arg0, %mul3A_766 : i32
        %add3A_768 = vector.broadcast %mul3A_767 : i32 to vector<16xi32>
        %add3A_769 = arith.addi %get3A_757, %add3A_768 : vector<16xi32>
        %swap3A_770 = arith.constant 32 : index
        %swap3A_771 = tpu.vector_load %arg15[%swap3A_770] {strides = array<i32>} : memref<64xi32, #tpu.memory_space<vmem>>, vector<16xi32>,
        tpu.vector_store %arg15[%swap3A_770], %add3A_769 {strides = array<i32>} : memref<64xi32, #tpu.memory_space<vmem>>, vector<16xi32>,
        %swap3A_772 = arith.constant 32 : index
        %swap3A_773 = tpu.vector_load %arg17[%swap3A_772] {strides = array<i32>} : memref<64xi32, #tpu.memory_space<vmem>>, vector<16xi32>,
        tpu.vector_store %arg17[%swap3A_772], %get3A_757 {strides = array<i32>} : memref<64xi32, #tpu.memory_space<vmem>>, vector<16xi32>,
        %get3A_774 = arith.constant 48 : index
        %get3A_775 = tpu.vector_load %arg11[%get3A_774] {strides = array<i32>} : memref<64xi32, #tpu.memory_space<vmem>>, vector<16xi32>,
        %get3A_776 = arith.constant 48 : index
        %get3A_777 = tpu.vector_load %arg9[%get3A_776] {strides = array<i32>} : memref<64xi32, #tpu.memory_space<vmem>>, vector<16xi32>,
        %mul3A_778 = arith.constant 10000 : i32
        %mul3A_779 = arith.muli %arg0, %mul3A_778 : i32
        %add3A_780 = vector.broadcast %mul3A_779 : i32 to vector<16xi32>
        %add3A_781 = arith.addi %get3A_777, %add3A_780 : vector<16xi32>
        %swap3A_782 = arith.constant 48 : index
        %swap3A_783 = tpu.vector_load %arg13[%swap3A_782] {strides = array<i32>} : memref<64xi32, #tpu.memory_space<vmem>>, vector<16xi32>,
        tpu.vector_store %arg13[%swap3A_782], %add3A_781 {strides = array<i32>} : memref<64xi32, #tpu.memory_space<vmem>>, vector<16xi32>,
        %mul3A_784 = arith.constant 10000 : i32
        %mul3A_785 = arith.muli %arg0, %mul3A_784 : i32
        %add3A_786 = vector.broadcast %mul3A_785 : i32 to vector<16xi32>
        %add3A_787 = arith.addi %get3A_775, %add3A_786 : vector<16xi32>
        %swap3A_788 = arith.constant 48 : index
        %swap3A_789 = tpu.vector_load %arg15[%swap3A_788] {strides = array<i32>} : memref<64xi32, #tpu.memory_space<vmem>>, vector<16xi32>,
        tpu.vector_store %arg15[%swap3A_788], %add3A_787 {strides = array<i32>} : memref<64xi32, #tpu.memory_space<vmem>>, vector<16xi32>,
        %swap3A_790 = arith.constant 48 : index
        %swap3A_791 = tpu.vector_load %arg17[%swap3A_790] {strides = array<i32>} : memref<64xi32, #tpu.memory_space<vmem>>, vector<16xi32>,
        tpu.vector_store %arg17[%swap3A_790], %get3A_775 {strides = array<i32>} : memref<64xi32, #tpu.memory_space<vmem>>, vector<16xi32>,
        %dma_start3A_792 = arith.constant 0 : i32
        %dma_start3A_793 = arith.constant 0 : i32
        %dma_start3A_794 = tpu.memref_slice %arg4[%dma_start3A_792, %dma_start3A_793] : memref<20000x144xf32, #tpu.memory_space<hbm>> -> memref<20000x144xf32, #tpu.memory_space<hbm>>
        tpu.enqueue_indirect_dma source(%dma_start3A_794 : memref<20000x144xf32, #tpu.memory_space<hbm>>) target(%arg21 : memref<64x144xf32, #tpu.memory_space<vmem>>) offsets(%arg13 : memref<64xi32, #tpu.memory_space<vmem>>) semaphore(%arg31 : memref<!tpu.dma_semaphore, #tpu.memory_space<semaphore_mem>>)
        %dma_start3A_795 = arith.constant 0 : i32
        %dma_start3A_796 = arith.constant 0 : i32
        %dma_start3A_797 = tpu.memref_slice %arg5[%dma_start3A_795, %dma_start3A_796] : memref<20000x16xf32, #tpu.memory_space<hbm>> -> memref<20000x16xf32, #tpu.memory_space<hbm>>
        tpu.enqueue_indirect_dma source(%dma_start3A_797 : memref<20000x16xf32, #tpu.memory_space<hbm>>) target(%arg23 : memref<64x16xf32, #tpu.memory_space<vmem>>) offsets(%arg15 : memref<64xi32, #tpu.memory_space<vmem>>) semaphore(%arg31 : memref<!tpu.dma_semaphore, #tpu.memory_space<semaphore_mem>>)
        %add3A_798 = arith.constant 2 : i32
        %add3A_799 = arith.addi %add3A_552, %add3A_798 : i32
        %lt3A_800 = arith.constant 168 : i32
        %lt3A_801 = arith.cmpi slt, %add3A_799, %lt3A_800 : i32
        %convert_element_type3A_802 = arith.extui %lt3A_801 : i1 to i32
        %cond3A_803 = arith.constant 0 : i32
        %cond3A_804 = arith.cmpi ne, %convert_element_type3A_802, %cond3A_803 : i32
        scf.if %cond3A_804 {
          %add3A_805 = arith.constant 2 : i32
          %add3A_806 = arith.addi %add3A_552, %add3A_805 : i32
          %mul3A_807 = arith.constant 64 : i32
          %mul3A_808 = arith.muli %add3A_806, %mul3A_807 : i32
          %add3A_809 = arith.addi %mul3A_0, %mul3A_808 : i32
          %dma_start3A_810 = tpu.memref_slice %arg2[%add3A_809] : memref<172032xi32, #tpu.memory_space<hbm>> -> memref<64xi32, #tpu.memory_space<hbm>>
          %dma_start3A_811 = tpu.memref_slice %arg2[%add3A_809] : memref<172032xi32, #tpu.memory_space<hbm>> -> memref<64xi32, #tpu.memory_space<hbm>>
          tpu.enqueue_dma source(%dma_start3A_811 : memref<64xi32, #tpu.memory_space<hbm>>) target(%arg10 : memref<64xi32, #tpu.memory_space<vmem>>) target_semaphore(%arg30 : memref<!tpu.dma_semaphore, #tpu.memory_space<semaphore_mem>>)
          %dma_start3A_812 = tpu.memref_slice %arg3[%add3A_809] : memref<172032xi32, #tpu.memory_space<hbm>> -> memref<64xi32, #tpu.memory_space<hbm>>
          %dma_start3A_813 = tpu.memref_slice %arg3[%add3A_809] : memref<172032xi32, #tpu.memory_space<hbm>> -> memref<64xi32, #tpu.memory_space<hbm>>
          tpu.enqueue_dma source(%dma_start3A_813 : memref<64xi32, #tpu.memory_space<hbm>>) target(%arg12 : memref<64xi32, #tpu.memory_space<vmem>>) target_semaphore(%arg30 : memref<!tpu.dma_semaphore, #tpu.memory_space<semaphore_mem>>)
        } else {
        }
      } else {
      }
      %dma_wait3A_560 = arith.constant 0 : i32
      %dma_wait3A_561 = arith.constant 0 : i32
      %dma_wait3A_562 = tpu.memref_slice %arg4[%dma_wait3A_560, %dma_wait3A_561] : memref<20000x144xf32, #tpu.memory_space<hbm>> -> memref<20000x144xf32, #tpu.memory_space<hbm>>
      tpu.wait_indirect_dma semaphore(%arg32 : memref<!tpu.dma_semaphore, #tpu.memory_space<semaphore_mem>>) src(%dma_wait3A_562 : memref<20000x144xf32, #tpu.memory_space<hbm>>) dst(%arg22 : memref<64x144xf32, #tpu.memory_space<vmem>>)
      %dma_wait3A_563 = arith.constant 0 : i32
      %dma_wait3A_564 = arith.constant 0 : i32
      %dma_wait3A_565 = tpu.memref_slice %arg5[%dma_wait3A_563, %dma_wait3A_564] : memref<20000x16xf32, #tpu.memory_space<hbm>> -> memref<20000x16xf32, #tpu.memory_space<hbm>>
      tpu.wait_indirect_dma semaphore(%arg32 : memref<!tpu.dma_semaphore, #tpu.memory_space<semaphore_mem>>) src(%dma_wait3A_565 : memref<20000x16xf32, #tpu.memory_space<hbm>>) dst(%arg24 : memref<64x16xf32, #tpu.memory_space<vmem>>)
      %mul3A_566 = arith.constant 64 : i32
      %mul3A_567 = arith.muli %add3A_552, %mul3A_566 : i32
      %add3A_568 = arith.addi %mul3A_0, %mul3A_567 : i32
      %add3A_569 = arith.constant 0 : i32
      %add3A_570 = vector.broadcast %add3A_569 : i32 to vector<16xi32>
      %add3A_571 = arith.addi %add3A_570, %iota3A : vector<16xi32>
      %gather3A_572 = tpu.vector_load_idx %arg22[%add3A_571, %broadcast_in_dim3A_5] : memref<64x144xf32, #tpu.memory_space<vmem>>[vector<16xi32>, vector<16xi32>], vector<16xf32>,
      %gather3A_573 = tpu.vector_load_idx %arg24[%add3A_571, %broadcast_in_dim3A_3] : memref<64x16xf32, #tpu.memory_space<vmem>>[vector<16xi32>, vector<16xi32>], vector<16xf32>,
      %add3A_574 = arith.addf %gather3A_572, %gather3A_573 : vector<16xf32>
      %gt3A_575 = arith.constant 0.000000e+00 : f32
      %gt3A_576 = vector.broadcast %gt3A_575 : f32 to vector<16xf32>
      %gt3A_577 = arith.cmpf ogt, %add3A_574, %gt3A_576 : vector<16xf32>
      %mul3A_578 = arith.constant 2.000000e-01 : f32
      %mul3A_579 = vector.broadcast %mul3A_578 : f32 to vector<16xf32>
      %mul3A_580 = arith.mulf %mul3A_579, %add3A_574 : vector<16xf32>
      %select_n3A_581 = arith.select %gt3A_577, %add3A_574, %mul3A_580 : vector<16xi1>, vector<16xf32>
      %exp3A_582 = math.exp %select_n3A_581 : vector<16xf32>
      %add3A_583 = arith.constant 0 : i32
      %add3A_584 = arith.addi %add3A_568, %add3A_583 : i32
      %add3A_585 = vector.broadcast %add3A_584 : i32 to vector<16xi32>
      %add3A_586 = arith.addi %add3A_585, %iota3A : vector<16xi32>
      %lt3A_587 = arith.constant 170000 : i32
      %lt3A_588 = vector.broadcast %lt3A_587 : i32 to vector<16xi32>
      %lt3A_589 = arith.cmpi slt, %add3A_586, %lt3A_588 : vector<16xi32>
      %jit3A_590 = arith.constant 0.000000e+00 : f32
      %broadcast_in_dim3A_591 = vector.broadcast %jit3A_590 : f32 to vector<16xf32>
      %select_n3A_592 = arith.select %lt3A_589, %exp3A_582, %broadcast_in_dim3A_591 : vector<16xi1>, vector<16xf32>
      %swap3A_593 = arith.constant 0 : index
      %swap3A_594 = tpu.vector_load %arg20[%swap3A_593] {strides = array<i32>} : memref<80xf32, #tpu.memory_space<vmem>>, vector<16xf32>,
      tpu.vector_store %arg20[%swap3A_593], %select_n3A_592 {strides = array<i32>} : memref<80xf32, #tpu.memory_space<vmem>>, vector<16xf32>,
      %mul3A_595 = arith.constant 64 : i32
      %mul3A_596 = arith.muli %add3A_552, %mul3A_595 : i32
      %add3A_597 = arith.constant 0 : i32
      %add3A_598 = arith.addi %mul3A_596, %add3A_597 : i32
      %swap3A_599 = arith.index_cast %add3A_598 : i32 to index
      %swap3A_600 = tpu.vector_load %arg25[%swap3A_599] {strides = array<i32>} : memref<10752xf32, #tpu.memory_space<vmem>>, vector<16xf32>,
      tpu.vector_store %arg25[%swap3A_599], %select_n3A_592 {strides = array<i32>} : memref<10752xf32, #tpu.memory_space<vmem>>, vector<16xf32>,
      %add3A_601 = arith.constant 16 : i32
      %add3A_602 = vector.broadcast %add3A_601 : i32 to vector<16xi32>
      %add3A_603 = arith.addi %add3A_602, %iota3A : vector<16xi32>
      %gather3A_604 = tpu.vector_load_idx %arg22[%add3A_603, %broadcast_in_dim3A_5] : memref<64x144xf32, #tpu.memory_space<vmem>>[vector<16xi32>, vector<16xi32>], vector<16xf32>,
      %gather3A_605 = tpu.vector_load_idx %arg24[%add3A_603, %broadcast_in_dim3A_3] : memref<64x16xf32, #tpu.memory_space<vmem>>[vector<16xi32>, vector<16xi32>], vector<16xf32>,
      %add3A_606 = arith.addf %gather3A_604, %gather3A_605 : vector<16xf32>
      %gt3A_607 = arith.constant 0.000000e+00 : f32
      %gt3A_608 = vector.broadcast %gt3A_607 : f32 to vector<16xf32>
      %gt3A_609 = arith.cmpf ogt, %add3A_606, %gt3A_608 : vector<16xf32>
      %mul3A_610 = arith.constant 2.000000e-01 : f32
      %mul3A_611 = vector.broadcast %mul3A_610 : f32 to vector<16xf32>
      %mul3A_612 = arith.mulf %mul3A_611, %add3A_606 : vector<16xf32>
      %select_n3A_613 = arith.select %gt3A_609, %add3A_606, %mul3A_612 : vector<16xi1>, vector<16xf32>
      %exp3A_614 = math.exp %select_n3A_613 : vector<16xf32>
      %add3A_615 = arith.constant 16 : i32
      %add3A_616 = arith.addi %add3A_568, %add3A_615 : i32
      %add3A_617 = vector.broadcast %add3A_616 : i32 to vector<16xi32>
      %add3A_618 = arith.addi %add3A_617, %iota3A : vector<16xi32>
      %lt3A_619 = arith.constant 170000 : i32
      %lt3A_620 = vector.broadcast %lt3A_619 : i32 to vector<16xi32>
      %lt3A_621 = arith.cmpi slt, %add3A_618, %lt3A_620 : vector<16xi32>
      %jit3A_622 = arith.constant 0.000000e+00 : f32
      %broadcast_in_dim3A_623 = vector.broadcast %jit3A_622 : f32 to vector<16xf32>
      %select_n3A_624 = arith.select %lt3A_621, %exp3A_614, %broadcast_in_dim3A_623 : vector<16xi1>, vector<16xf32>
      %swap3A_625 = arith.constant 16 : index
      %swap3A_626 = tpu.vector_load %arg20[%swap3A_625] {strides = array<i32>} : memref<80xf32, #tpu.memory_space<vmem>>, vector<16xf32>,
      tpu.vector_store %arg20[%swap3A_625], %select_n3A_624 {strides = array<i32>} : memref<80xf32, #tpu.memory_space<vmem>>, vector<16xf32>,
      %mul3A_627 = arith.constant 64 : i32
      %mul3A_628 = arith.muli %add3A_552, %mul3A_627 : i32
      %add3A_629 = arith.constant 16 : i32
      %add3A_630 = arith.addi %mul3A_628, %add3A_629 : i32
      %swap3A_631 = arith.index_cast %add3A_630 : i32 to index
      %swap3A_632 = tpu.vector_load %arg25[%swap3A_631] {strides = array<i32>} : memref<10752xf32, #tpu.memory_space<vmem>>, vector<16xf32>,
      tpu.vector_store %arg25[%swap3A_631], %select_n3A_624 {strides = array<i32>} : memref<10752xf32, #tpu.memory_space<vmem>>, vector<16xf32>,
      %add3A_633 = arith.constant 32 : i32
      %add3A_634 = vector.broadcast %add3A_633 : i32 to vector<16xi32>
      %add3A_635 = arith.addi %add3A_634, %iota3A : vector<16xi32>
      %gather3A_636 = tpu.vector_load_idx %arg22[%add3A_635, %broadcast_in_dim3A_5] : memref<64x144xf32, #tpu.memory_space<vmem>>[vector<16xi32>, vector<16xi32>], vector<16xf32>,
      %gather3A_637 = tpu.vector_load_idx %arg24[%add3A_635, %broadcast_in_dim3A_3] : memref<64x16xf32, #tpu.memory_space<vmem>>[vector<16xi32>, vector<16xi32>], vector<16xf32>,
      %add3A_638 = arith.addf %gather3A_636, %gather3A_637 : vector<16xf32>
      %gt3A_639 = arith.constant 0.000000e+00 : f32
      %gt3A_640 = vector.broadcast %gt3A_639 : f32 to vector<16xf32>
      %gt3A_641 = arith.cmpf ogt, %add3A_638, %gt3A_640 : vector<16xf32>
      %mul3A_642 = arith.constant 2.000000e-01 : f32
      %mul3A_643 = vector.broadcast %mul3A_642 : f32 to vector<16xf32>
      %mul3A_644 = arith.mulf %mul3A_643, %add3A_638 : vector<16xf32>
      %select_n3A_645 = arith.select %gt3A_641, %add3A_638, %mul3A_644 : vector<16xi1>, vector<16xf32>
      %exp3A_646 = math.exp %select_n3A_645 : vector<16xf32>
      %add3A_647 = arith.constant 32 : i32
      %add3A_648 = arith.addi %add3A_568, %add3A_647 : i32
      %add3A_649 = vector.broadcast %add3A_648 : i32 to vector<16xi32>
      %add3A_650 = arith.addi %add3A_649, %iota3A : vector<16xi32>
      %lt3A_651 = arith.constant 170000 : i32
      %lt3A_652 = vector.broadcast %lt3A_651 : i32 to vector<16xi32>
      %lt3A_653 = arith.cmpi slt, %add3A_650, %lt3A_652 : vector<16xi32>
      %jit3A_654 = arith.constant 0.000000e+00 : f32
      %broadcast_in_dim3A_655 = vector.broadcast %jit3A_654 : f32 to vector<16xf32>
      %select_n3A_656 = arith.select %lt3A_653, %exp3A_646, %broadcast_in_dim3A_655 : vector<16xi1>, vector<16xf32>
      %swap3A_657 = arith.constant 32 : index
      %swap3A_658 = tpu.vector_load %arg20[%swap3A_657] {strides = array<i32>} : memref<80xf32, #tpu.memory_space<vmem>>, vector<16xf32>,
      tpu.vector_store %arg20[%swap3A_657], %select_n3A_656 {strides = array<i32>} : memref<80xf32, #tpu.memory_space<vmem>>, vector<16xf32>,
      %mul3A_659 = arith.constant 64 : i32
      %mul3A_660 = arith.muli %add3A_552, %mul3A_659 : i32
      %add3A_661 = arith.constant 32 : i32
      %add3A_662 = arith.addi %mul3A_660, %add3A_661 : i32
      %swap3A_663 = arith.index_cast %add3A_662 : i32 to index
      %swap3A_664 = tpu.vector_load %arg25[%swap3A_663] {strides = array<i32>} : memref<10752xf32, #tpu.memory_space<vmem>>, vector<16xf32>,
      tpu.vector_store %arg25[%swap3A_663], %select_n3A_656 {strides = array<i32>} : memref<10752xf32, #tpu.memory_space<vmem>>, vector<16xf32>,
      %add3A_665 = arith.constant 48 : i32
      %add3A_666 = vector.broadcast %add3A_665 : i32 to vector<16xi32>
      %add3A_667 = arith.addi %add3A_666, %iota3A : vector<16xi32>
      %gather3A_668 = tpu.vector_load_idx %arg22[%add3A_667, %broadcast_in_dim3A_5] : memref<64x144xf32, #tpu.memory_space<vmem>>[vector<16xi32>, vector<16xi32>], vector<16xf32>,
      %gather3A_669 = tpu.vector_load_idx %arg24[%add3A_667, %broadcast_in_dim3A_3] : memref<64x16xf32, #tpu.memory_space<vmem>>[vector<16xi32>, vector<16xi32>], vector<16xf32>,
      %add3A_670 = arith.addf %gather3A_668, %gather3A_669 : vector<16xf32>
      %gt3A_671 = arith.constant 0.000000e+00 : f32
      %gt3A_672 = vector.broadcast %gt3A_671 : f32 to vector<16xf32>
      %gt3A_673 = arith.cmpf ogt, %add3A_670, %gt3A_672 : vector<16xf32>
      %mul3A_674 = arith.constant 2.000000e-01 : f32
      %mul3A_675 = vector.broadcast %mul3A_674 : f32 to vector<16xf32>
      %mul3A_676 = arith.mulf %mul3A_675, %add3A_670 : vector<16xf32>
      %select_n3A_677 = arith.select %gt3A_673, %add3A_670, %mul3A_676 : vector<16xi1>, vector<16xf32>
      %exp3A_678 = math.exp %select_n3A_677 : vector<16xf32>
      %add3A_679 = arith.constant 48 : i32
      %add3A_680 = arith.addi %add3A_568, %add3A_679 : i32
      %add3A_681 = vector.broadcast %add3A_680 : i32 to vector<16xi32>
      %add3A_682 = arith.addi %add3A_681, %iota3A : vector<16xi32>
      %lt3A_683 = arith.constant 170000 : i32
      %lt3A_684 = vector.broadcast %lt3A_683 : i32 to vector<16xi32>
      %lt3A_685 = arith.cmpi slt, %add3A_682, %lt3A_684 : vector<16xi32>
      %jit3A_686 = arith.constant 0.000000e+00 : f32
      %broadcast_in_dim3A_687 = vector.broadcast %jit3A_686 : f32 to vector<16xf32>
      %select_n3A_688 = arith.select %lt3A_685, %exp3A_678, %broadcast_in_dim3A_687 : vector<16xi1>, vector<16xf32>
      %swap3A_689 = arith.constant 48 : index
      %swap3A_690 = tpu.vector_load %arg20[%swap3A_689] {strides = array<i32>} : memref<80xf32, #tpu.memory_space<vmem>>, vector<16xf32>,
      tpu.vector_store %arg20[%swap3A_689], %select_n3A_688 {strides = array<i32>} : memref<80xf32, #tpu.memory_space<vmem>>, vector<16xf32>,
      %mul3A_691 = arith.constant 64 : i32
      %mul3A_692 = arith.muli %add3A_552, %mul3A_691 : i32
      %add3A_693 = arith.constant 48 : i32
      %add3A_694 = arith.addi %mul3A_692, %add3A_693 : i32
      %swap3A_695 = arith.index_cast %add3A_694 : i32 to index
      %swap3A_696 = tpu.vector_load %arg25[%swap3A_695] {strides = array<i32>} : memref<10752xf32, #tpu.memory_space<vmem>>, vector<16xf32>,
      tpu.vector_store %arg25[%swap3A_695], %select_n3A_688 {strides = array<i32>} : memref<10752xf32, #tpu.memory_space<vmem>>, vector<16xf32>,
      %scan3A_697 = arith.constant 0 : i32
      %scan3A_698 = arith.constant 0 : i32
      %scan3A_699 = arith.constant 64 : i32
      %scan3A_700 = arith.addi %scan3A_698, %scan3A_699 : i32
      %scan3A_701 = arith.constant 1 : i32
      %scan3A_702 = scf.for %scan3A_708 = %scan3A_698 to %scan3A_700 step %scan3A_701 iter_args(%scan3A_709 = %scan3A_697) -> (i32)  : i32 {
        %get3A_710 = arith.index_cast %scan3A_708 : i32 to index
        %get3A_711 = tpu.vector_load %arg20[%get3A_710] {strides = array<i32>} : memref<80xf32, #tpu.memory_space<vmem>>, vector<16xf32>,
        %slice3A = vector.extract_strided_slice %get3A_711 {offsets = [0], sizes = [1], strides = [1]} : vector<16xf32> to vector<1xf32>
        %squeeze3A = vector.extract %slice3A[0] : f32 from vector<1xf32>
        %get3A_712 = arith.index_cast %scan3A_708 : i32 to index
        %get3A_713 = arith.constant 0 : index
        %get3A_714 = tpu.vector_load %arg22[%get3A_712, %get3A_713] {strides = array<i32>} : memref<64x144xf32, #tpu.memory_space<vmem>>, vector<16xf32>,
        %mul3A_715 = vector.broadcast %squeeze3A : f32 to vector<16xf32>
        %mul3A_716 = arith.mulf %get3A_714, %mul3A_715 : vector<16xf32>
        %swap3A_717 = arith.index_cast %scan3A_708 : i32 to index
        %swap3A_718 = arith.constant 0 : index
        %swap3A_719 = tpu.vector_load %arg22[%swap3A_717, %swap3A_718] {strides = array<i32>} : memref<64x144xf32, #tpu.memory_space<vmem>>, vector<16xf32>,
        tpu.vector_store %arg22[%swap3A_717, %swap3A_718], %mul3A_716 {strides = array<i32>} : memref<64x144xf32, #tpu.memory_space<vmem>>, vector<16xf32>,
        %get3A_720 = arith.index_cast %scan3A_708 : i32 to index
        %get3A_721 = arith.constant 16 : index
        %get3A_722 = tpu.vector_load %arg22[%get3A_720, %get3A_721] {strides = array<i32>} : memref<64x144xf32, #tpu.memory_space<vmem>>, vector<16xf32>,
        %mul3A_723 = vector.broadcast %squeeze3A : f32 to vector<16xf32>
        %mul3A_724 = arith.mulf %get3A_722, %mul3A_723 : vector<16xf32>
        %swap3A_725 = arith.index_cast %scan3A_708 : i32 to index
        %swap3A_726 = arith.constant 16 : index
        %swap3A_727 = tpu.vector_load %arg22[%swap3A_725, %swap3A_726] {strides = array<i32>} : memref<64x144xf32, #tpu.memory_space<vmem>>, vector<16xf32>,
        tpu.vector_store %arg22[%swap3A_725, %swap3A_726], %mul3A_724 {strides = array<i32>} : memref<64x144xf32, #tpu.memory_space<vmem>>, vector<16xf32>,
        %get3A_728 = arith.index_cast %scan3A_708 : i32 to index
        %get3A_729 = arith.constant 32 : index
        %get3A_730 = tpu.vector_load %arg22[%get3A_728, %get3A_729] {strides = array<i32>} : memref<64x144xf32, #tpu.memory_space<vmem>>, vector<16xf32>,
        %mul3A_731 = vector.broadcast %squeeze3A : f32 to vector<16xf32>
        %mul3A_732 = arith.mulf %get3A_730, %mul3A_731 : vector<16xf32>
        %swap3A_733 = arith.index_cast %scan3A_708 : i32 to index
        %swap3A_734 = arith.constant 32 : index
        %swap3A_735 = tpu.vector_load %arg22[%swap3A_733, %swap3A_734] {strides = array<i32>} : memref<64x144xf32, #tpu.memory_space<vmem>>, vector<16xf32>,
        tpu.vector_store %arg22[%swap3A_733, %swap3A_734], %mul3A_732 {strides = array<i32>} : memref<64x144xf32, #tpu.memory_space<vmem>>, vector<16xf32>,
        %get3A_736 = arith.index_cast %scan3A_708 : i32 to index
        %get3A_737 = arith.constant 48 : index
        %get3A_738 = tpu.vector_load %arg22[%get3A_736, %get3A_737] {strides = array<i32>} : memref<64x144xf32, #tpu.memory_space<vmem>>, vector<16xf32>,
        %mul3A_739 = vector.broadcast %squeeze3A : f32 to vector<16xf32>
        %mul3A_740 = arith.mulf %get3A_738, %mul3A_739 : vector<16xf32>
        %swap3A_741 = arith.index_cast %scan3A_708 : i32 to index
        %swap3A_742 = arith.constant 48 : index
        %swap3A_743 = tpu.vector_load %arg22[%swap3A_741, %swap3A_742] {strides = array<i32>} : memref<64x144xf32, #tpu.memory_space<vmem>>, vector<16xf32>,
        tpu.vector_store %arg22[%swap3A_741, %swap3A_742], %mul3A_740 {strides = array<i32>} : memref<64x144xf32, #tpu.memory_space<vmem>>, vector<16xf32>,
        %get3A_744 = arith.index_cast %scan3A_708 : i32 to index
        %get3A_745 = arith.constant 64 : index
        %get3A_746 = tpu.vector_load %arg22[%get3A_744, %get3A_745] {strides = array<i32>} : memref<64x144xf32, #tpu.memory_space<vmem>>, vector<16xf32>,
        %mul3A_747 = vector.broadcast %squeeze3A : f32 to vector<16xf32>
        %mul3A_748 = arith.mulf %get3A_746, %mul3A_747 : vector<16xf32>
        %swap3A_749 = arith.index_cast %scan3A_708 : i32 to index
        %swap3A_750 = arith.constant 64 : index
        %swap3A_751 = tpu.vector_load %arg22[%swap3A_749, %swap3A_750] {strides = array<i32>} : memref<64x144xf32, #tpu.memory_space<vmem>>, vector<16xf32>,
        tpu.vector_store %arg22[%swap3A_749, %swap3A_750], %mul3A_748 {strides = array<i32>} : memref<64x144xf32, #tpu.memory_space<vmem>>, vector<16xf32>,
        %get3A_752 = arith.index_cast %scan3A_708 : i32 to index
        %get3A_753 = arith.constant 80 : index
        %get3A_754 = tpu.vector_load %arg22[%get3A_752, %get3A_753] {strides = array<i32>} : memref<64x144xf32, #tpu.memory_space<vmem>>, vector<16xf32>,
        %mul3A_755 = vector.broadcast %squeeze3A : f32 to vector<16xf32>
        %mul3A_756 = arith.mulf %get3A_754, %mul3A_755 : vector<16xf32>
        %swap3A_757 = arith.index_cast %scan3A_708 : i32 to index
        %swap3A_758 = arith.constant 80 : index
        %swap3A_759 = tpu.vector_load %arg22[%swap3A_757, %swap3A_758] {strides = array<i32>} : memref<64x144xf32, #tpu.memory_space<vmem>>, vector<16xf32>,
        tpu.vector_store %arg22[%swap3A_757, %swap3A_758], %mul3A_756 {strides = array<i32>} : memref<64x144xf32, #tpu.memory_space<vmem>>, vector<16xf32>,
        %get3A_760 = arith.index_cast %scan3A_708 : i32 to index
        %get3A_761 = arith.constant 96 : index
        %get3A_762 = tpu.vector_load %arg22[%get3A_760, %get3A_761] {strides = array<i32>} : memref<64x144xf32, #tpu.memory_space<vmem>>, vector<16xf32>,
        %mul3A_763 = vector.broadcast %squeeze3A : f32 to vector<16xf32>
        %mul3A_764 = arith.mulf %get3A_762, %mul3A_763 : vector<16xf32>
        %swap3A_765 = arith.index_cast %scan3A_708 : i32 to index
        %swap3A_766 = arith.constant 96 : index
        %swap3A_767 = tpu.vector_load %arg22[%swap3A_765, %swap3A_766] {strides = array<i32>} : memref<64x144xf32, #tpu.memory_space<vmem>>, vector<16xf32>,
        tpu.vector_store %arg22[%swap3A_765, %swap3A_766], %mul3A_764 {strides = array<i32>} : memref<64x144xf32, #tpu.memory_space<vmem>>, vector<16xf32>,
        %get3A_768 = arith.index_cast %scan3A_708 : i32 to index
        %get3A_769 = arith.constant 112 : index
        %get3A_770 = tpu.vector_load %arg22[%get3A_768, %get3A_769] {strides = array<i32>} : memref<64x144xf32, #tpu.memory_space<vmem>>, vector<16xf32>,
        %mul3A_771 = vector.broadcast %squeeze3A : f32 to vector<16xf32>
        %mul3A_772 = arith.mulf %get3A_770, %mul3A_771 : vector<16xf32>
        %swap3A_773 = arith.index_cast %scan3A_708 : i32 to index
        %swap3A_774 = arith.constant 112 : index
        %swap3A_775 = tpu.vector_load %arg22[%swap3A_773, %swap3A_774] {strides = array<i32>} : memref<64x144xf32, #tpu.memory_space<vmem>>, vector<16xf32>,
        tpu.vector_store %arg22[%swap3A_773, %swap3A_774], %mul3A_772 {strides = array<i32>} : memref<64x144xf32, #tpu.memory_space<vmem>>, vector<16xf32>,
        %mul3A_776 = vector.broadcast %squeeze3A : f32 to vector<16xf32>
        %mul3A_777 = arith.mulf %select_n3A, %mul3A_776 : vector<16xf32>
        %swap3A_778 = arith.index_cast %scan3A_708 : i32 to index
        %swap3A_779 = arith.constant 128 : index
        %swap3A_780 = tpu.vector_load %arg22[%swap3A_778, %swap3A_779] {strides = array<i32>} : memref<64x144xf32, #tpu.memory_space<vmem>>, vector<16xf32>,
        tpu.vector_store %arg22[%swap3A_778, %swap3A_779], %mul3A_777 {strides = array<i32>} : memref<64x144xf32, #tpu.memory_space<vmem>>, vector<16xf32>,
        %scan3A_781 = arith.constant 0 : i32
        scf.yield %scan3A_781 : i32
      }
      %scan3A_703 = arith.constant 64 : i32
      %dma_start3A_704 = arith.constant 0 : i32
      %dma_start3A_705 = arith.constant 0 : i32
      %dma_start3A_706 = tpu.memref_slice %arg35[%dma_start3A_704, %dma_start3A_705] : memref<10240x144xf32, #tpu.memory_space<vmem_shared>> -> memref<10240x144xf32, #tpu.memory_space<vmem_shared>>
      tpu.enqueue_indirect_dma source(%arg22 : memref<64x144xf32, #tpu.memory_space<vmem>>) target(%dma_start3A_706 : memref<10240x144xf32, #tpu.memory_space<vmem_shared>>) offsets(%arg18 : memref<64xi32, #tpu.memory_space<vmem>>) semaphore(%arg34 : memref<!tpu.dma_semaphore, #tpu.memory_space<semaphore_mem>>) {add = true}
      %scan3A_707 = arith.constant 0 : i32
      scf.yield %scan3A_707 : i32
    }
    %scan3A_276 = arith.constant 84 : i32
    %dma_wait3A_277 = arith.constant 0 : i32
    %dma_wait3A_278 = arith.constant 0 : i32
    %dma_wait3A_279 = tpu.memref_slice %arg35[%dma_wait3A_277, %dma_wait3A_278] : memref<10240x144xf32, #tpu.memory_space<vmem_shared>> -> memref<10240x144xf32, #tpu.memory_space<vmem_shared>>
    tpu.wait_indirect_dma semaphore(%arg33 : memref<!tpu.dma_semaphore, #tpu.memory_space<semaphore_mem>>) src(%arg21 : memref<64x144xf32, #tpu.memory_space<vmem>>) dst(%dma_wait3A_279 : memref<10240x144xf32, #tpu.memory_space<vmem_shared>>)
    %dma_wait3A_280 = arith.constant 0 : i32
    %dma_wait3A_281 = arith.constant 0 : i32
    %dma_wait3A_282 = tpu.memref_slice %arg35[%dma_wait3A_280, %dma_wait3A_281] : memref<10240x144xf32, #tpu.memory_space<vmem_shared>> -> memref<10240x144xf32, #tpu.memory_space<vmem_shared>>
    tpu.wait_indirect_dma semaphore(%arg34 : memref<!tpu.dma_semaphore, #tpu.memory_space<semaphore_mem>>) src(%arg22 : memref<64x144xf32, #tpu.memory_space<vmem>>) dst(%dma_wait3A_282 : memref<10240x144xf32, #tpu.memory_space<vmem_shared>>)
    %barrier3A_283 = arith.constant 0 : index
    tpu.barrier barrier_id(%barrier3A_283)
    %mul3A_284 = arith.constant 640 : i32
    %mul3A_285 = arith.muli %arg1, %mul3A_284 : i32
    %mul3A_286 = arith.constant 640 : i32
    %mul3A_287 = arith.muli %arg1, %mul3A_286 : i32
    "tpu.region"() ({
      %run_scoped3A = tpu.sem_alloc : memref<!tpu.dma_semaphore, #tpu.memory_space<semaphore_mem>>
      %dma_start3A_397 = arith.constant 0 : i32
      %dma_start3A_398 = tpu.memref_slice %arg6[%arg0, %mul3A_287, %dma_start3A_397] : memref<2x10240x144xf32, #tpu.memory_space<hbm>> -> memref<1x640x144xf32, #tpu.memory_space<hbm>>
      %dma_start3A_399 = tpu.memref_squeeze %dma_start3A_398 : memref<1x640x144xf32, #tpu.memory_space<hbm>> -> memref<640x144xf32, #tpu.memory_space<hbm>>
      %dma_start3A_400 = arith.constant 0 : i32
      %dma_start3A_401 = tpu.memref_slice %arg35[%mul3A_285, %dma_start3A_400] : memref<10240x144xf32, #tpu.memory_space<vmem_shared>> -> memref<640x144xf32, #tpu.memory_space<vmem_shared>>
      tpu.enqueue_dma source(%dma_start3A_401 : memref<640x144xf32, #tpu.memory_space<vmem_shared>>) target(%dma_start3A_399 : memref<640x144xf32, #tpu.memory_space<hbm>>) target_semaphore(%run_scoped3A : memref<!tpu.dma_semaphore, #tpu.memory_space<semaphore_mem>>)
      %dma_wait3A_402 = arith.constant 0 : i32
      %dma_wait3A_403 = tpu.memref_slice %arg6[%arg0, %mul3A_287, %dma_wait3A_402] : memref<2x10240x144xf32, #tpu.memory_space<hbm>> -> memref<1x640x144xf32, #tpu.memory_space<hbm>>
      %dma_wait3A_404 = tpu.memref_squeeze %dma_wait3A_403 : memref<1x640x144xf32, #tpu.memory_space<hbm>> -> memref<640x144xf32, #tpu.memory_space<hbm>>
      %dma_wait3A_405 = arith.constant 0 : i32
      %dma_wait3A_406 = tpu.memref_slice %arg35[%mul3A_285, %dma_wait3A_405] : memref<10240x144xf32, #tpu.memory_space<vmem_shared>> -> memref<640x144xf32, #tpu.memory_space<vmem_shared>>
      tpu.wait_dma2 semaphore(%run_scoped3A : memref<!tpu.dma_semaphore, #tpu.memory_space<semaphore_mem>>) src(%dma_wait3A_406 : memref<640x144xf32, #tpu.memory_space<vmem_shared>>) dst(%dma_wait3A_404 : memref<640x144xf32, #tpu.memory_space<hbm>>)
      tpu.yield
    }) : () -> ()
    %scan3A_288 = arith.constant 0 : i32
    %scan3A_289 = arith.constant 0 : i32
    %scan3A_290 = arith.constant 40 : i32
    %scan3A_291 = arith.addi %scan3A_289, %scan3A_290 : i32
    %scan3A_292 = arith.constant 1 : i32
    %scan3A_293 = scf.for %scan3A_397 = %scan3A_289 to %scan3A_291 step %scan3A_292 iter_args(%scan3A_398 = %scan3A_288) -> (i32)  : i32 {
      %mul3A_399 = arith.constant 640 : i32
      %mul3A_400 = arith.muli %arg1, %mul3A_399 : i32
      %mul3A_401 = arith.constant 16 : i32
      %mul3A_402 = arith.muli %scan3A_397, %mul3A_401 : i32
      %add3A_403 = arith.addi %mul3A_400, %mul3A_402 : i32
      "tpu.region"() ({
        %run_scoped3A = tpu.sem_alloc : memref<!tpu.dma_semaphore, #tpu.memory_space<semaphore_mem>>
        %dma_start3A_408 = arith.constant 0 : i32
        %dma_start3A_409 = tpu.memref_slice %arg35[%add3A_403, %dma_start3A_408] : memref<10240x144xf32, #tpu.memory_space<vmem_shared>> -> memref<16x144xf32, #tpu.memory_space<vmem_shared>>
        %dma_start3A_410 = arith.constant 0 : i32
        %dma_start3A_411 = tpu.memref_slice %arg35[%add3A_403, %dma_start3A_410] : memref<10240x144xf32, #tpu.memory_space<vmem_shared>> -> memref<16x144xf32, #tpu.memory_space<vmem_shared>>
        tpu.enqueue_dma source(%dma_start3A_411 : memref<16x144xf32, #tpu.memory_space<vmem_shared>>) target(%arg28 : memref<16x144xf32, #tpu.memory_space<vmem>>) target_semaphore(%run_scoped3A : memref<!tpu.dma_semaphore, #tpu.memory_space<semaphore_mem>>)
        %dma_wait3A_412 = arith.constant 0 : i32
        %dma_wait3A_413 = tpu.memref_slice %arg35[%add3A_403, %dma_wait3A_412] : memref<10240x144xf32, #tpu.memory_space<vmem_shared>> -> memref<16x144xf32, #tpu.memory_space<vmem_shared>>
        %dma_wait3A_414 = arith.constant 0 : i32
        %dma_wait3A_415 = tpu.memref_slice %arg35[%add3A_403, %dma_wait3A_414] : memref<10240x144xf32, #tpu.memory_space<vmem_shared>> -> memref<16x144xf32, #tpu.memory_space<vmem_shared>>
        tpu.wait_dma2 semaphore(%run_scoped3A : memref<!tpu.dma_semaphore, #tpu.memory_space<semaphore_mem>>) src(%dma_wait3A_415 : memref<16x144xf32, #tpu.memory_space<vmem_shared>>) dst(%arg28 : memref<16x144xf32, #tpu.memory_space<vmem>>)
        tpu.yield
      }) : () -> ()
      %gather3A = tpu.vector_load_idx %arg28[%iota3A, %broadcast_in_dim3A_5] : memref<16x144xf32, #tpu.memory_space<vmem>>[vector<16xi32>, vector<16xi32>], vector<16xf32>,
      %swap3A_404 = arith.index_cast %scan3A_397 : i32 to index
      %swap3A_405 = arith.constant 0 : index
      %swap3A_406 = tpu.vector_load %arg23[%swap3A_404, %swap3A_405] {strides = array<i32>} : memref<64x16xf32, #tpu.memory_space<vmem>>, vector<16xf32>,
      tpu.vector_store %arg23[%swap3A_404, %swap3A_405], %gather3A {strides = array<i32>} : memref<64x16xf32, #tpu.memory_space<vmem>>, vector<16xf32>,
      %scan3A_407 = arith.constant 0 : i32
      scf.yield %scan3A_407 : i32
    }
    %scan3A_294 = arith.constant 40 : i32
    %mul3A_295 = arith.constant 640 : i32
    %mul3A_296 = arith.muli %arg0, %mul3A_295 : i32
    %mul3A_297 = arith.constant 40 : i32
    %mul3A_298 = arith.muli %arg1, %mul3A_297 : i32
    %add3A_299 = arith.addi %mul3A_296, %mul3A_298 : i32
    "tpu.region"() ({
      %run_scoped3A = tpu.sem_alloc : memref<!tpu.dma_semaphore, #tpu.memory_space<semaphore_mem>>
      %dma_start3A_397 = arith.constant 0 : i32
      %dma_start3A_398 = arith.constant 0 : i32
      %dma_start3A_399 = tpu.memref_slice %arg23[%dma_start3A_397, %dma_start3A_398] : memref<64x16xf32, #tpu.memory_space<vmem>> -> memref<40x16xf32, #tpu.memory_space<vmem>>
      %dma_start3A_400 = arith.constant 0 : i32
      %dma_start3A_401 = tpu.memref_slice %arg8[%add3A_299, %dma_start3A_400] : memref<1280x16xf32, #tpu.memory_space<hbm>> -> memref<40x16xf32, #tpu.memory_space<hbm>>
      %dma_start3A_402 = arith.constant 0 : i32
      %dma_start3A_403 = tpu.memref_slice %arg8[%add3A_299, %dma_start3A_402] : memref<1280x16xf32, #tpu.memory_space<hbm>> -> memref<40x16xf32, #tpu.memory_space<hbm>>
      %dma_start3A_404 = arith.constant 0 : i32
      %dma_start3A_405 = arith.constant 0 : i32
      %dma_start3A_406 = tpu.memref_slice %arg23[%dma_start3A_404, %dma_start3A_405] : memref<64x16xf32, #tpu.memory_space<vmem>> -> memref<40x16xf32, #tpu.memory_space<vmem>>
      tpu.enqueue_dma source(%dma_start3A_406 : memref<40x16xf32, #tpu.memory_space<vmem>>) target(%dma_start3A_403 : memref<40x16xf32, #tpu.memory_space<hbm>>) target_semaphore(%run_scoped3A : memref<!tpu.dma_semaphore, #tpu.memory_space<semaphore_mem>>)
      %dma_wait3A_407 = arith.constant 0 : i32
      %dma_wait3A_408 = arith.constant 0 : i32
      %dma_wait3A_409 = tpu.memref_slice %arg23[%dma_wait3A_407, %dma_wait3A_408] : memref<64x16xf32, #tpu.memory_space<vmem>> -> memref<40x16xf32, #tpu.memory_space<vmem>>
      %dma_wait3A_410 = arith.constant 0 : i32
      %dma_wait3A_411 = tpu.memref_slice %arg8[%add3A_299, %dma_wait3A_410] : memref<1280x16xf32, #tpu.memory_space<hbm>> -> memref<40x16xf32, #tpu.memory_space<hbm>>
      %dma_wait3A_412 = arith.constant 0 : i32
      %dma_wait3A_413 = tpu.memref_slice %arg8[%add3A_299, %dma_wait3A_412] : memref<1280x16xf32, #tpu.memory_space<hbm>> -> memref<40x16xf32, #tpu.memory_space<hbm>>
      %dma_wait3A_414 = arith.constant 0 : i32
      %dma_wait3A_415 = arith.constant 0 : i32
      %dma_wait3A_416 = tpu.memref_slice %arg23[%dma_wait3A_414, %dma_wait3A_415] : memref<64x16xf32, #tpu.memory_space<vmem>> -> memref<40x16xf32, #tpu.memory_space<vmem>>
      tpu.wait_dma2 semaphore(%run_scoped3A : memref<!tpu.dma_semaphore, #tpu.memory_space<semaphore_mem>>) src(%dma_wait3A_416 : memref<40x16xf32, #tpu.memory_space<vmem>>) dst(%dma_wait3A_413 : memref<40x16xf32, #tpu.memory_space<hbm>>)
      tpu.yield
    }) : () -> ()
    %barrier3A_300 = arith.constant 0 : index
    tpu.barrier barrier_id(%barrier3A_300)
    %add3A_301 = arith.constant 0 : i32
    %add3A_302 = arith.addi %mul3A_0, %add3A_301 : i32
    %dma_start3A_303 = tpu.memref_slice %arg3[%add3A_302] : memref<172032xi32, #tpu.memory_space<hbm>> -> memref<64xi32, #tpu.memory_space<hbm>>
    %dma_start3A_304 = tpu.memref_slice %arg3[%add3A_302] : memref<172032xi32, #tpu.memory_space<hbm>> -> memref<64xi32, #tpu.memory_space<hbm>>
    tpu.enqueue_dma source(%dma_start3A_304 : memref<64xi32, #tpu.memory_space<hbm>>) target(%arg11 : memref<64xi32, #tpu.memory_space<vmem>>) target_semaphore(%arg29 : memref<!tpu.dma_semaphore, #tpu.memory_space<semaphore_mem>>)
    %dma_wait3A_305 = arith.constant 0 : i32
    %dma_wait3A_306 = tpu.memref_slice %arg3[%dma_wait3A_305] : memref<172032xi32, #tpu.memory_space<hbm>> -> memref<64xi32, #tpu.memory_space<hbm>>
    %dma_wait3A_307 = arith.constant 0 : i32
    %dma_wait3A_308 = tpu.memref_slice %arg3[%dma_wait3A_307] : memref<172032xi32, #tpu.memory_space<hbm>> -> memref<64xi32, #tpu.memory_space<hbm>>
    tpu.wait_dma2 semaphore(%arg29 : memref<!tpu.dma_semaphore, #tpu.memory_space<semaphore_mem>>) src(%dma_wait3A_308 : memref<64xi32, #tpu.memory_space<hbm>>) dst(%arg11 : memref<64xi32, #tpu.memory_space<vmem>>)
    %get3A_309 = arith.constant 0 : index
    %get3A_310 = tpu.vector_load %arg11[%get3A_309] {strides = array<i32>} : memref<64xi32, #tpu.memory_space<vmem>>, vector<16xi32>,
    %shift_right_arithmetic3A = arith.constant 4 : i32
    %shift_right_arithmetic3A_311 = vector.broadcast %shift_right_arithmetic3A : i32 to vector<16xi32>
    %shift_right_arithmetic3A_312 = arith.shrsi %get3A_310, %shift_right_arithmetic3A_311 : vector<16xi32>
    %mul3A_313 = arith.constant 640 : i32
    %mul3A_314 = arith.muli %arg0, %mul3A_313 : i32
    %add3A_315 = vector.broadcast %mul3A_314 : i32 to vector<16xi32>
    %add3A_316 = arith.addi %shift_right_arithmetic3A_312, %add3A_315 : vector<16xi32>
    %swap3A_317 = arith.constant 0 : index
    %swap3A_318 = tpu.vector_load %arg15[%swap3A_317] {strides = array<i32>} : memref<64xi32, #tpu.memory_space<vmem>>, vector<16xi32>,
    tpu.vector_store %arg15[%swap3A_317], %add3A_316 {strides = array<i32>} : memref<64xi32, #tpu.memory_space<vmem>>, vector<16xi32>,
    %and3A = arith.constant 15 : i32
    %and3A_319 = vector.broadcast %and3A : i32 to vector<16xi32>
    %and3A_320 = arith.andi %get3A_310, %and3A_319 : vector<16xi32>
    %swap3A_321 = arith.constant 0 : index
    %swap3A_322 = tpu.vector_load %arg17[%swap3A_321] {strides = array<i32>} : memref<64xi32, #tpu.memory_space<vmem>>, vector<16xi32>,
    tpu.vector_store %arg17[%swap3A_321], %and3A_320 {strides = array<i32>} : memref<64xi32, #tpu.memory_space<vmem>>, vector<16xi32>,
    %get3A_323 = arith.constant 16 : index
    %get3A_324 = tpu.vector_load %arg11[%get3A_323] {strides = array<i32>} : memref<64xi32, #tpu.memory_space<vmem>>, vector<16xi32>,
    %shift_right_arithmetic3A_325 = arith.constant 4 : i32
    %shift_right_arithmetic3A_326 = vector.broadcast %shift_right_arithmetic3A_325 : i32 to vector<16xi32>
    %shift_right_arithmetic3A_327 = arith.shrsi %get3A_324, %shift_right_arithmetic3A_326 : vector<16xi32>
    %mul3A_328 = arith.constant 640 : i32
    %mul3A_329 = arith.muli %arg0, %mul3A_328 : i32
    %add3A_330 = vector.broadcast %mul3A_329 : i32 to vector<16xi32>
    %add3A_331 = arith.addi %shift_right_arithmetic3A_327, %add3A_330 : vector<16xi32>
    %swap3A_332 = arith.constant 16 : index
    %swap3A_333 = tpu.vector_load %arg15[%swap3A_332] {strides = array<i32>} : memref<64xi32, #tpu.memory_space<vmem>>, vector<16xi32>,
    tpu.vector_store %arg15[%swap3A_332], %add3A_331 {strides = array<i32>} : memref<64xi32, #tpu.memory_space<vmem>>, vector<16xi32>,
    %and3A_334 = arith.constant 15 : i32
    %and3A_335 = vector.broadcast %and3A_334 : i32 to vector<16xi32>
    %and3A_336 = arith.andi %get3A_324, %and3A_335 : vector<16xi32>
    %swap3A_337 = arith.constant 16 : index
    %swap3A_338 = tpu.vector_load %arg17[%swap3A_337] {strides = array<i32>} : memref<64xi32, #tpu.memory_space<vmem>>, vector<16xi32>,
    tpu.vector_store %arg17[%swap3A_337], %and3A_336 {strides = array<i32>} : memref<64xi32, #tpu.memory_space<vmem>>, vector<16xi32>,
    %get3A_339 = arith.constant 32 : index
    %get3A_340 = tpu.vector_load %arg11[%get3A_339] {strides = array<i32>} : memref<64xi32, #tpu.memory_space<vmem>>, vector<16xi32>,
    %shift_right_arithmetic3A_341 = arith.constant 4 : i32
    %shift_right_arithmetic3A_342 = vector.broadcast %shift_right_arithmetic3A_341 : i32 to vector<16xi32>
    %shift_right_arithmetic3A_343 = arith.shrsi %get3A_340, %shift_right_arithmetic3A_342 : vector<16xi32>
    %mul3A_344 = arith.constant 640 : i32
    %mul3A_345 = arith.muli %arg0, %mul3A_344 : i32
    %add3A_346 = vector.broadcast %mul3A_345 : i32 to vector<16xi32>
    %add3A_347 = arith.addi %shift_right_arithmetic3A_343, %add3A_346 : vector<16xi32>
    %swap3A_348 = arith.constant 32 : index
    %swap3A_349 = tpu.vector_load %arg15[%swap3A_348] {strides = array<i32>} : memref<64xi32, #tpu.memory_space<vmem>>, vector<16xi32>,
    tpu.vector_store %arg15[%swap3A_348], %add3A_347 {strides = array<i32>} : memref<64xi32, #tpu.memory_space<vmem>>, vector<16xi32>,
    %and3A_350 = arith.constant 15 : i32
    %and3A_351 = vector.broadcast %and3A_350 : i32 to vector<16xi32>
    %and3A_352 = arith.andi %get3A_340, %and3A_351 : vector<16xi32>
    %swap3A_353 = arith.constant 32 : index
    %swap3A_354 = tpu.vector_load %arg17[%swap3A_353] {strides = array<i32>} : memref<64xi32, #tpu.memory_space<vmem>>, vector<16xi32>,
    tpu.vector_store %arg17[%swap3A_353], %and3A_352 {strides = array<i32>} : memref<64xi32, #tpu.memory_space<vmem>>, vector<16xi32>,
    %get3A_355 = arith.constant 48 : index
    %get3A_356 = tpu.vector_load %arg11[%get3A_355] {strides = array<i32>} : memref<64xi32, #tpu.memory_space<vmem>>, vector<16xi32>,
    %shift_right_arithmetic3A_357 = arith.constant 4 : i32
    %shift_right_arithmetic3A_358 = vector.broadcast %shift_right_arithmetic3A_357 : i32 to vector<16xi32>
    %shift_right_arithmetic3A_359 = arith.shrsi %get3A_356, %shift_right_arithmetic3A_358 : vector<16xi32>
    %mul3A_360 = arith.constant 640 : i32
    %mul3A_361 = arith.muli %arg0, %mul3A_360 : i32
    %add3A_362 = vector.broadcast %mul3A_361 : i32 to vector<16xi32>
    %add3A_363 = arith.addi %shift_right_arithmetic3A_359, %add3A_362 : vector<16xi32>
    %swap3A_364 = arith.constant 48 : index
    %swap3A_365 = tpu.vector_load %arg15[%swap3A_364] {strides = array<i32>} : memref<64xi32, #tpu.memory_space<vmem>>, vector<16xi32>,
    tpu.vector_store %arg15[%swap3A_364], %add3A_363 {strides = array<i32>} : memref<64xi32, #tpu.memory_space<vmem>>, vector<16xi32>,
    %and3A_366 = arith.constant 15 : i32
    %and3A_367 = vector.broadcast %and3A_366 : i32 to vector<16xi32>
    %and3A_368 = arith.andi %get3A_356, %and3A_367 : vector<16xi32>
    %swap3A_369 = arith.constant 48 : index
    %swap3A_370 = tpu.vector_load %arg17[%swap3A_369] {strides = array<i32>} : memref<64xi32, #tpu.memory_space<vmem>>, vector<16xi32>,
    tpu.vector_store %arg17[%swap3A_369], %and3A_368 {strides = array<i32>} : memref<64xi32, #tpu.memory_space<vmem>>, vector<16xi32>,
    %dma_start3A_371 = arith.constant 0 : i32
    %dma_start3A_372 = arith.constant 0 : i32
    %dma_start3A_373 = tpu.memref_slice %arg8[%dma_start3A_371, %dma_start3A_372] : memref<1280x16xf32, #tpu.memory_space<hbm>> -> memref<1280x16xf32, #tpu.memory_space<hbm>>
    tpu.enqueue_indirect_dma source(%dma_start3A_373 : memref<1280x16xf32, #tpu.memory_space<hbm>>) target(%arg23 : memref<64x16xf32, #tpu.memory_space<vmem>>) offsets(%arg15 : memref<64xi32, #tpu.memory_space<vmem>>) semaphore(%arg31 : memref<!tpu.dma_semaphore, #tpu.memory_space<semaphore_mem>>)
    %add3A_374 = arith.constant 64 : i32
    %add3A_375 = arith.addi %mul3A_0, %add3A_374 : i32
    %dma_start3A_376 = tpu.memref_slice %arg3[%add3A_375] : memref<172032xi32, #tpu.memory_space<hbm>> -> memref<64xi32, #tpu.memory_space<hbm>>
    %dma_start3A_377 = tpu.memref_slice %arg3[%add3A_375] : memref<172032xi32, #tpu.memory_space<hbm>> -> memref<64xi32, #tpu.memory_space<hbm>>
    tpu.enqueue_dma source(%dma_start3A_377 : memref<64xi32, #tpu.memory_space<hbm>>) target(%arg12 : memref<64xi32, #tpu.memory_space<vmem>>) target_semaphore(%arg30 : memref<!tpu.dma_semaphore, #tpu.memory_space<semaphore_mem>>)
    %scan3A_378 = arith.constant 0 : i32
    %scan3A_379 = arith.constant 0 : i32
    %scan3A_380 = arith.constant 84 : i32
    %scan3A_381 = arith.addi %scan3A_379, %scan3A_380 : i32
    %scan3A_382 = arith.constant 1 : i32
    %scan3A_383 = scf.for %scan3A_397 = %scan3A_379 to %scan3A_381 step %scan3A_382 iter_args(%scan3A_398 = %scan3A_378) -> (i32)  : i32 {
      %mul3A_399 = arith.constant 2 : i32
      %mul3A_400 = arith.muli %mul3A_399, %scan3A_397 : i32
      %add3A_401 = arith.constant 1 : i32
      %add3A_402 = arith.addi %mul3A_400, %add3A_401 : i32
      %lt3A = arith.constant 168 : i32
      %lt3A_403 = arith.cmpi slt, %add3A_402, %lt3A : i32
      %convert_element_type3A = arith.extui %lt3A_403 : i1 to i32
      %cond3A = arith.constant 0 : i32
      %cond3A_404 = arith.cmpi ne, %convert_element_type3A, %cond3A : i32
      scf.if %cond3A_404 {
        %dma_wait3A_588 = arith.constant 0 : i32
        %dma_wait3A_589 = tpu.memref_slice %arg3[%dma_wait3A_588] : memref<172032xi32, #tpu.memory_space<hbm>> -> memref<64xi32, #tpu.memory_space<hbm>>
        %dma_wait3A_590 = arith.constant 0 : i32
        %dma_wait3A_591 = tpu.memref_slice %arg3[%dma_wait3A_590] : memref<172032xi32, #tpu.memory_space<hbm>> -> memref<64xi32, #tpu.memory_space<hbm>>
        tpu.wait_dma2 semaphore(%arg30 : memref<!tpu.dma_semaphore, #tpu.memory_space<semaphore_mem>>) src(%dma_wait3A_591 : memref<64xi32, #tpu.memory_space<hbm>>) dst(%arg12 : memref<64xi32, #tpu.memory_space<vmem>>)
        %get3A_592 = arith.constant 0 : index
        %get3A_593 = tpu.vector_load %arg12[%get3A_592] {strides = array<i32>} : memref<64xi32, #tpu.memory_space<vmem>>, vector<16xi32>,
        %shift_right_arithmetic3A_594 = arith.constant 4 : i32
        %shift_right_arithmetic3A_595 = vector.broadcast %shift_right_arithmetic3A_594 : i32 to vector<16xi32>
        %shift_right_arithmetic3A_596 = arith.shrsi %get3A_593, %shift_right_arithmetic3A_595 : vector<16xi32>
        %mul3A_597 = arith.constant 640 : i32
        %mul3A_598 = arith.muli %arg0, %mul3A_597 : i32
        %add3A_599 = vector.broadcast %mul3A_598 : i32 to vector<16xi32>
        %add3A_600 = arith.addi %shift_right_arithmetic3A_596, %add3A_599 : vector<16xi32>
        %swap3A_601 = arith.constant 0 : index
        %swap3A_602 = tpu.vector_load %arg16[%swap3A_601] {strides = array<i32>} : memref<64xi32, #tpu.memory_space<vmem>>, vector<16xi32>,
        tpu.vector_store %arg16[%swap3A_601], %add3A_600 {strides = array<i32>} : memref<64xi32, #tpu.memory_space<vmem>>, vector<16xi32>,
        %and3A_603 = arith.constant 15 : i32
        %and3A_604 = vector.broadcast %and3A_603 : i32 to vector<16xi32>
        %and3A_605 = arith.andi %get3A_593, %and3A_604 : vector<16xi32>
        %swap3A_606 = arith.constant 0 : index
        %swap3A_607 = tpu.vector_load %arg18[%swap3A_606] {strides = array<i32>} : memref<64xi32, #tpu.memory_space<vmem>>, vector<16xi32>,
        tpu.vector_store %arg18[%swap3A_606], %and3A_605 {strides = array<i32>} : memref<64xi32, #tpu.memory_space<vmem>>, vector<16xi32>,
        %get3A_608 = arith.constant 16 : index
        %get3A_609 = tpu.vector_load %arg12[%get3A_608] {strides = array<i32>} : memref<64xi32, #tpu.memory_space<vmem>>, vector<16xi32>,
        %shift_right_arithmetic3A_610 = arith.constant 4 : i32
        %shift_right_arithmetic3A_611 = vector.broadcast %shift_right_arithmetic3A_610 : i32 to vector<16xi32>
        %shift_right_arithmetic3A_612 = arith.shrsi %get3A_609, %shift_right_arithmetic3A_611 : vector<16xi32>
        %mul3A_613 = arith.constant 640 : i32
        %mul3A_614 = arith.muli %arg0, %mul3A_613 : i32
        %add3A_615 = vector.broadcast %mul3A_614 : i32 to vector<16xi32>
        %add3A_616 = arith.addi %shift_right_arithmetic3A_612, %add3A_615 : vector<16xi32>
        %swap3A_617 = arith.constant 16 : index
        %swap3A_618 = tpu.vector_load %arg16[%swap3A_617] {strides = array<i32>} : memref<64xi32, #tpu.memory_space<vmem>>, vector<16xi32>,
        tpu.vector_store %arg16[%swap3A_617], %add3A_616 {strides = array<i32>} : memref<64xi32, #tpu.memory_space<vmem>>, vector<16xi32>,
        %and3A_619 = arith.constant 15 : i32
        %and3A_620 = vector.broadcast %and3A_619 : i32 to vector<16xi32>
        %and3A_621 = arith.andi %get3A_609, %and3A_620 : vector<16xi32>
        %swap3A_622 = arith.constant 16 : index
        %swap3A_623 = tpu.vector_load %arg18[%swap3A_622] {strides = array<i32>} : memref<64xi32, #tpu.memory_space<vmem>>, vector<16xi32>,
        tpu.vector_store %arg18[%swap3A_622], %and3A_621 {strides = array<i32>} : memref<64xi32, #tpu.memory_space<vmem>>, vector<16xi32>,
        %get3A_624 = arith.constant 32 : index
        %get3A_625 = tpu.vector_load %arg12[%get3A_624] {strides = array<i32>} : memref<64xi32, #tpu.memory_space<vmem>>, vector<16xi32>,
        %shift_right_arithmetic3A_626 = arith.constant 4 : i32
        %shift_right_arithmetic3A_627 = vector.broadcast %shift_right_arithmetic3A_626 : i32 to vector<16xi32>
        %shift_right_arithmetic3A_628 = arith.shrsi %get3A_625, %shift_right_arithmetic3A_627 : vector<16xi32>
        %mul3A_629 = arith.constant 640 : i32
        %mul3A_630 = arith.muli %arg0, %mul3A_629 : i32
        %add3A_631 = vector.broadcast %mul3A_630 : i32 to vector<16xi32>
        %add3A_632 = arith.addi %shift_right_arithmetic3A_628, %add3A_631 : vector<16xi32>
        %swap3A_633 = arith.constant 32 : index
        %swap3A_634 = tpu.vector_load %arg16[%swap3A_633] {strides = array<i32>} : memref<64xi32, #tpu.memory_space<vmem>>, vector<16xi32>,
        tpu.vector_store %arg16[%swap3A_633], %add3A_632 {strides = array<i32>} : memref<64xi32, #tpu.memory_space<vmem>>, vector<16xi32>,
        %and3A_635 = arith.constant 15 : i32
        %and3A_636 = vector.broadcast %and3A_635 : i32 to vector<16xi32>
        %and3A_637 = arith.andi %get3A_625, %and3A_636 : vector<16xi32>
        %swap3A_638 = arith.constant 32 : index
        %swap3A_639 = tpu.vector_load %arg18[%swap3A_638] {strides = array<i32>} : memref<64xi32, #tpu.memory_space<vmem>>, vector<16xi32>,
        tpu.vector_store %arg18[%swap3A_638], %and3A_637 {strides = array<i32>} : memref<64xi32, #tpu.memory_space<vmem>>, vector<16xi32>,
        %get3A_640 = arith.constant 48 : index
        %get3A_641 = tpu.vector_load %arg12[%get3A_640] {strides = array<i32>} : memref<64xi32, #tpu.memory_space<vmem>>, vector<16xi32>,
        %shift_right_arithmetic3A_642 = arith.constant 4 : i32
        %shift_right_arithmetic3A_643 = vector.broadcast %shift_right_arithmetic3A_642 : i32 to vector<16xi32>
        %shift_right_arithmetic3A_644 = arith.shrsi %get3A_641, %shift_right_arithmetic3A_643 : vector<16xi32>
        %mul3A_645 = arith.constant 640 : i32
        %mul3A_646 = arith.muli %arg0, %mul3A_645 : i32
        %add3A_647 = vector.broadcast %mul3A_646 : i32 to vector<16xi32>
        %add3A_648 = arith.addi %shift_right_arithmetic3A_644, %add3A_647 : vector<16xi32>
        %swap3A_649 = arith.constant 48 : index
        %swap3A_650 = tpu.vector_load %arg16[%swap3A_649] {strides = array<i32>} : memref<64xi32, #tpu.memory_space<vmem>>, vector<16xi32>,
        tpu.vector_store %arg16[%swap3A_649], %add3A_648 {strides = array<i32>} : memref<64xi32, #tpu.memory_space<vmem>>, vector<16xi32>,
        %and3A_651 = arith.constant 15 : i32
        %and3A_652 = vector.broadcast %and3A_651 : i32 to vector<16xi32>
        %and3A_653 = arith.andi %get3A_641, %and3A_652 : vector<16xi32>
        %swap3A_654 = arith.constant 48 : index
        %swap3A_655 = tpu.vector_load %arg18[%swap3A_654] {strides = array<i32>} : memref<64xi32, #tpu.memory_space<vmem>>, vector<16xi32>,
        tpu.vector_store %arg18[%swap3A_654], %and3A_653 {strides = array<i32>} : memref<64xi32, #tpu.memory_space<vmem>>, vector<16xi32>,
        %dma_start3A_656 = arith.constant 0 : i32
        %dma_start3A_657 = arith.constant 0 : i32
        %dma_start3A_658 = tpu.memref_slice %arg8[%dma_start3A_656, %dma_start3A_657] : memref<1280x16xf32, #tpu.memory_space<hbm>> -> memref<1280x16xf32, #tpu.memory_space<hbm>>
        tpu.enqueue_indirect_dma source(%dma_start3A_658 : memref<1280x16xf32, #tpu.memory_space<hbm>>) target(%arg24 : memref<64x16xf32, #tpu.memory_space<vmem>>) offsets(%arg16 : memref<64xi32, #tpu.memory_space<vmem>>) semaphore(%arg32 : memref<!tpu.dma_semaphore, #tpu.memory_space<semaphore_mem>>)
        %add3A_659 = arith.constant 2 : i32
        %add3A_660 = arith.addi %mul3A_400, %add3A_659 : i32
        %lt3A_661 = arith.constant 168 : i32
        %lt3A_662 = arith.cmpi slt, %add3A_660, %lt3A_661 : i32
        %convert_element_type3A_663 = arith.extui %lt3A_662 : i1 to i32
        %cond3A_664 = arith.constant 0 : i32
        %cond3A_665 = arith.cmpi ne, %convert_element_type3A_663, %cond3A_664 : i32
        scf.if %cond3A_665 {
          %add3A_666 = arith.constant 2 : i32
          %add3A_667 = arith.addi %mul3A_400, %add3A_666 : i32
          %mul3A_668 = arith.constant 64 : i32
          %mul3A_669 = arith.muli %add3A_667, %mul3A_668 : i32
          %add3A_670 = arith.addi %mul3A_0, %mul3A_669 : i32
          %dma_start3A_671 = tpu.memref_slice %arg3[%add3A_670] : memref<172032xi32, #tpu.memory_space<hbm>> -> memref<64xi32, #tpu.memory_space<hbm>>
          %dma_start3A_672 = tpu.memref_slice %arg3[%add3A_670] : memref<172032xi32, #tpu.memory_space<hbm>> -> memref<64xi32, #tpu.memory_space<hbm>>
          tpu.enqueue_dma source(%dma_start3A_672 : memref<64xi32, #tpu.memory_space<hbm>>) target(%arg11 : memref<64xi32, #tpu.memory_space<vmem>>) target_semaphore(%arg29 : memref<!tpu.dma_semaphore, #tpu.memory_space<semaphore_mem>>)
        } else {
        }
      } else {
      }
      %dma_wait3A_405 = arith.constant 0 : i32
      %dma_wait3A_406 = arith.constant 0 : i32
      %dma_wait3A_407 = tpu.memref_slice %arg8[%dma_wait3A_405, %dma_wait3A_406] : memref<1280x16xf32, #tpu.memory_space<hbm>> -> memref<1280x16xf32, #tpu.memory_space<hbm>>
      tpu.wait_indirect_dma semaphore(%arg31 : memref<!tpu.dma_semaphore, #tpu.memory_space<semaphore_mem>>) src(%dma_wait3A_407 : memref<1280x16xf32, #tpu.memory_space<hbm>>) dst(%arg23 : memref<64x16xf32, #tpu.memory_space<vmem>>)
      %ge3A = arith.constant 2 : i32
      %ge3A_408 = arith.cmpi sge, %mul3A_400, %ge3A : i32
      %convert_element_type3A_409 = arith.extui %ge3A_408 : i1 to i32
      %cond3A_410 = arith.constant 0 : i32
      %cond3A_411 = arith.cmpi ne, %convert_element_type3A_409, %cond3A_410 : i32
      scf.if %cond3A_411 {
        %sub3A = arith.constant 2 : i32
        %sub3A_588 = arith.subi %mul3A_400, %sub3A : i32
        %mul3A_589 = arith.constant 64 : i32
        %mul3A_590 = arith.muli %sub3A_588, %mul3A_589 : i32
        %add3A_591 = arith.addi %mul3A_0, %mul3A_590 : i32
        %dma_wait3A_592 = tpu.memref_slice %arg7[%arg0, %add3A_591] : memref<2x172032xf32, #tpu.memory_space<hbm>> -> memref<1x64xf32, #tpu.memory_space<hbm>>
        %dma_wait3A_593 = tpu.memref_squeeze %dma_wait3A_592 : memref<1x64xf32, #tpu.memory_space<hbm>> -> memref<64xf32, #tpu.memory_space<hbm>>
        %dma_wait3A_594 = tpu.memref_slice %arg7[%arg0, %add3A_591] : memref<2x172032xf32, #tpu.memory_space<hbm>> -> memref<1x64xf32, #tpu.memory_space<hbm>>
        %dma_wait3A_595 = tpu.memref_squeeze %dma_wait3A_594 : memref<1x64xf32, #tpu.memory_space<hbm>> -> memref<64xf32, #tpu.memory_space<hbm>>
        tpu.wait_dma2 semaphore(%arg33 : memref<!tpu.dma_semaphore, #tpu.memory_space<semaphore_mem>>) src(%arg26 : memref<64xf32, #tpu.memory_space<vmem>>) dst(%dma_wait3A_595 : memref<64xf32, #tpu.memory_space<hbm>>)
      } else {
      }
      %mul3A_412 = arith.constant 64 : i32
      %mul3A_413 = arith.muli %mul3A_400, %mul3A_412 : i32
      %add3A_414 = arith.addi %mul3A_0, %mul3A_413 : i32
      %add3A_415 = arith.constant 0 : i32
      %add3A_416 = vector.broadcast %add3A_415 : i32 to vector<16xi32>
      %add3A_417 = arith.addi %add3A_416, %iota3A : vector<16xi32>
      %get3A_418 = arith.constant 0 : index
      %get3A_419 = tpu.vector_load %arg17[%get3A_418] {strides = array<i32>} : memref<64xi32, #tpu.memory_space<vmem>>, vector<16xi32>,
      %gather3A = tpu.vector_load_idx %arg23[%add3A_417, %get3A_419] : memref<64x16xf32, #tpu.memory_space<vmem>>[vector<16xi32>, vector<16xi32>], vector<16xf32>,
      %mul3A_420 = arith.constant 64 : i32
      %mul3A_421 = arith.muli %mul3A_400, %mul3A_420 : i32
      %add3A_422 = arith.constant 0 : i32
      %add3A_423 = arith.addi %mul3A_421, %add3A_422 : i32
      %get3A_424 = arith.index_cast %add3A_423 : i32 to index
      %get3A_425 = tpu.vector_load %arg25[%get3A_424] {strides = array<i32>} : memref<10752xf32, #tpu.memory_space<vmem>>, vector<16xf32>,
      %add3A_426 = arith.constant 1.000000e-16 : f32
      %add3A_427 = vector.broadcast %add3A_426 : f32 to vector<16xf32>
      %add3A_428 = arith.addf %gather3A, %add3A_427 : vector<16xf32>
      %div3A = arith.divf %get3A_425, %add3A_428 : vector<16xf32>
      %swap3A_429 = arith.constant 0 : index
      %swap3A_430 = tpu.vector_load %arg26[%swap3A_429] {strides = array<i32>} : memref<64xf32, #tpu.memory_space<vmem>>, vector<16xf32>,
      tpu.vector_store %arg26[%swap3A_429], %div3A {strides = array<i32>} : memref<64xf32, #tpu.memory_space<vmem>>, vector<16xf32>,
      %add3A_431 = arith.constant 16 : i32
      %add3A_432 = vector.broadcast %add3A_431 : i32 to vector<16xi32>
      %add3A_433 = arith.addi %add3A_432, %iota3A : vector<16xi32>
      %get3A_434 = arith.constant 16 : index
      %get3A_435 = tpu.vector_load %arg17[%get3A_434] {strides = array<i32>} : memref<64xi32, #tpu.memory_space<vmem>>, vector<16xi32>,
      %gather3A_436 = tpu.vector_load_idx %arg23[%add3A_433, %get3A_435] : memref<64x16xf32, #tpu.memory_space<vmem>>[vector<16xi32>, vector<16xi32>], vector<16xf32>,
      %mul3A_437 = arith.constant 64 : i32
      %mul3A_438 = arith.muli %mul3A_400, %mul3A_437 : i32
      %add3A_439 = arith.constant 16 : i32
      %add3A_440 = arith.addi %mul3A_438, %add3A_439 : i32
      %get3A_441 = arith.index_cast %add3A_440 : i32 to index
      %get3A_442 = tpu.vector_load %arg25[%get3A_441] {strides = array<i32>} : memref<10752xf32, #tpu.memory_space<vmem>>, vector<16xf32>,
      %add3A_443 = arith.constant 1.000000e-16 : f32
      %add3A_444 = vector.broadcast %add3A_443 : f32 to vector<16xf32>
      %add3A_445 = arith.addf %gather3A_436, %add3A_444 : vector<16xf32>
      %div3A_446 = arith.divf %get3A_442, %add3A_445 : vector<16xf32>
      %swap3A_447 = arith.constant 16 : index
      %swap3A_448 = tpu.vector_load %arg26[%swap3A_447] {strides = array<i32>} : memref<64xf32, #tpu.memory_space<vmem>>, vector<16xf32>,
      tpu.vector_store %arg26[%swap3A_447], %div3A_446 {strides = array<i32>} : memref<64xf32, #tpu.memory_space<vmem>>, vector<16xf32>,
      %add3A_449 = arith.constant 32 : i32
      %add3A_450 = vector.broadcast %add3A_449 : i32 to vector<16xi32>
      %add3A_451 = arith.addi %add3A_450, %iota3A : vector<16xi32>
      %get3A_452 = arith.constant 32 : index
      %get3A_453 = tpu.vector_load %arg17[%get3A_452] {strides = array<i32>} : memref<64xi32, #tpu.memory_space<vmem>>, vector<16xi32>,
      %gather3A_454 = tpu.vector_load_idx %arg23[%add3A_451, %get3A_453] : memref<64x16xf32, #tpu.memory_space<vmem>>[vector<16xi32>, vector<16xi32>], vector<16xf32>,
      %mul3A_455 = arith.constant 64 : i32
      %mul3A_456 = arith.muli %mul3A_400, %mul3A_455 : i32
      %add3A_457 = arith.constant 32 : i32
      %add3A_458 = arith.addi %mul3A_456, %add3A_457 : i32
      %get3A_459 = arith.index_cast %add3A_458 : i32 to index
      %get3A_460 = tpu.vector_load %arg25[%get3A_459] {strides = array<i32>} : memref<10752xf32, #tpu.memory_space<vmem>>, vector<16xf32>,
      %add3A_461 = arith.constant 1.000000e-16 : f32
      %add3A_462 = vector.broadcast %add3A_461 : f32 to vector<16xf32>
      %add3A_463 = arith.addf %gather3A_454, %add3A_462 : vector<16xf32>
      %div3A_464 = arith.divf %get3A_460, %add3A_463 : vector<16xf32>
      %swap3A_465 = arith.constant 32 : index
      %swap3A_466 = tpu.vector_load %arg26[%swap3A_465] {strides = array<i32>} : memref<64xf32, #tpu.memory_space<vmem>>, vector<16xf32>,
      tpu.vector_store %arg26[%swap3A_465], %div3A_464 {strides = array<i32>} : memref<64xf32, #tpu.memory_space<vmem>>, vector<16xf32>,
      %add3A_467 = arith.constant 48 : i32
      %add3A_468 = vector.broadcast %add3A_467 : i32 to vector<16xi32>
      %add3A_469 = arith.addi %add3A_468, %iota3A : vector<16xi32>
      %get3A_470 = arith.constant 48 : index
      %get3A_471 = tpu.vector_load %arg17[%get3A_470] {strides = array<i32>} : memref<64xi32, #tpu.memory_space<vmem>>, vector<16xi32>,
      %gather3A_472 = tpu.vector_load_idx %arg23[%add3A_469, %get3A_471] : memref<64x16xf32, #tpu.memory_space<vmem>>[vector<16xi32>, vector<16xi32>], vector<16xf32>,
      %mul3A_473 = arith.constant 64 : i32
      %mul3A_474 = arith.muli %mul3A_400, %mul3A_473 : i32
      %add3A_475 = arith.constant 48 : i32
      %add3A_476 = arith.addi %mul3A_474, %add3A_475 : i32
      %get3A_477 = arith.index_cast %add3A_476 : i32 to index
      %get3A_478 = tpu.vector_load %arg25[%get3A_477] {strides = array<i32>} : memref<10752xf32, #tpu.memory_space<vmem>>, vector<16xf32>,
      %add3A_479 = arith.constant 1.000000e-16 : f32
      %add3A_480 = vector.broadcast %add3A_479 : f32 to vector<16xf32>
      %add3A_481 = arith.addf %gather3A_472, %add3A_480 : vector<16xf32>
      %div3A_482 = arith.divf %get3A_478, %add3A_481 : vector<16xf32>
      %swap3A_483 = arith.constant 48 : index
      %swap3A_484 = tpu.vector_load %arg26[%swap3A_483] {strides = array<i32>} : memref<64xf32, #tpu.memory_space<vmem>>, vector<16xf32>,
      tpu.vector_store %arg26[%swap3A_483], %div3A_482 {strides = array<i32>} : memref<64xf32, #tpu.memory_space<vmem>>, vector<16xf32>,
      %dma_start3A_485 = tpu.memref_slice %arg7[%arg0, %add3A_414] : memref<2x172032xf32, #tpu.memory_space<hbm>> -> memref<1x64xf32, #tpu.memory_space<hbm>>
      %dma_start3A_486 = tpu.memref_squeeze %dma_start3A_485 : memref<1x64xf32, #tpu.memory_space<hbm>> -> memref<64xf32, #tpu.memory_space<hbm>>
      %dma_start3A_487 = tpu.memref_slice %arg7[%arg0, %add3A_414] : memref<2x172032xf32, #tpu.memory_space<hbm>> -> memref<1x64xf32, #tpu.memory_space<hbm>>
      %dma_start3A_488 = tpu.memref_squeeze %dma_start3A_487 : memref<1x64xf32, #tpu.memory_space<hbm>> -> memref<64xf32, #tpu.memory_space<hbm>>
      tpu.enqueue_dma source(%arg26 : memref<64xf32, #tpu.memory_space<vmem>>) target(%dma_start3A_488 : memref<64xf32, #tpu.memory_space<hbm>>) target_semaphore(%arg33 : memref<!tpu.dma_semaphore, #tpu.memory_space<semaphore_mem>>)
      %mul3A_489 = arith.constant 2 : i32
      %mul3A_490 = arith.muli %mul3A_489, %scan3A_397 : i32
      %add3A_491 = arith.constant 1 : i32
      %add3A_492 = arith.addi %mul3A_490, %add3A_491 : i32
      %add3A_493 = arith.constant 1 : i32
      %add3A_494 = arith.addi %add3A_492, %add3A_493 : i32
      %lt3A_495 = arith.constant 168 : i32
      %lt3A_496 = arith.cmpi slt, %add3A_494, %lt3A_495 : i32
      %convert_element_type3A_497 = arith.extui %lt3A_496 : i1 to i32
      %cond3A_498 = arith.constant 0 : i32
      %cond3A_499 = arith.cmpi ne, %convert_element_type3A_497, %cond3A_498 : i32
      scf.if %cond3A_499 {
        %dma_wait3A_588 = arith.constant 0 : i32
        %dma_wait3A_589 = tpu.memref_slice %arg3[%dma_wait3A_588] : memref<172032xi32, #tpu.memory_space<hbm>> -> memref<64xi32, #tpu.memory_space<hbm>>
        %dma_wait3A_590 = arith.constant 0 : i32
        %dma_wait3A_591 = tpu.memref_slice %arg3[%dma_wait3A_590] : memref<172032xi32, #tpu.memory_space<hbm>> -> memref<64xi32, #tpu.memory_space<hbm>>
        tpu.wait_dma2 semaphore(%arg29 : memref<!tpu.dma_semaphore, #tpu.memory_space<semaphore_mem>>) src(%dma_wait3A_591 : memref<64xi32, #tpu.memory_space<hbm>>) dst(%arg11 : memref<64xi32, #tpu.memory_space<vmem>>)
        %get3A_592 = arith.constant 0 : index
        %get3A_593 = tpu.vector_load %arg11[%get3A_592] {strides = array<i32>} : memref<64xi32, #tpu.memory_space<vmem>>, vector<16xi32>,
        %shift_right_arithmetic3A_594 = arith.constant 4 : i32
        %shift_right_arithmetic3A_595 = vector.broadcast %shift_right_arithmetic3A_594 : i32 to vector<16xi32>
        %shift_right_arithmetic3A_596 = arith.shrsi %get3A_593, %shift_right_arithmetic3A_595 : vector<16xi32>
        %mul3A_597 = arith.constant 640 : i32
        %mul3A_598 = arith.muli %arg0, %mul3A_597 : i32
        %add3A_599 = vector.broadcast %mul3A_598 : i32 to vector<16xi32>
        %add3A_600 = arith.addi %shift_right_arithmetic3A_596, %add3A_599 : vector<16xi32>
        %swap3A_601 = arith.constant 0 : index
        %swap3A_602 = tpu.vector_load %arg15[%swap3A_601] {strides = array<i32>} : memref<64xi32, #tpu.memory_space<vmem>>, vector<16xi32>,
        tpu.vector_store %arg15[%swap3A_601], %add3A_600 {strides = array<i32>} : memref<64xi32, #tpu.memory_space<vmem>>, vector<16xi32>,
        %and3A_603 = arith.constant 15 : i32
        %and3A_604 = vector.broadcast %and3A_603 : i32 to vector<16xi32>
        %and3A_605 = arith.andi %get3A_593, %and3A_604 : vector<16xi32>
        %swap3A_606 = arith.constant 0 : index
        %swap3A_607 = tpu.vector_load %arg17[%swap3A_606] {strides = array<i32>} : memref<64xi32, #tpu.memory_space<vmem>>, vector<16xi32>,
        tpu.vector_store %arg17[%swap3A_606], %and3A_605 {strides = array<i32>} : memref<64xi32, #tpu.memory_space<vmem>>, vector<16xi32>,
        %get3A_608 = arith.constant 16 : index
        %get3A_609 = tpu.vector_load %arg11[%get3A_608] {strides = array<i32>} : memref<64xi32, #tpu.memory_space<vmem>>, vector<16xi32>,
        %shift_right_arithmetic3A_610 = arith.constant 4 : i32
        %shift_right_arithmetic3A_611 = vector.broadcast %shift_right_arithmetic3A_610 : i32 to vector<16xi32>
        %shift_right_arithmetic3A_612 = arith.shrsi %get3A_609, %shift_right_arithmetic3A_611 : vector<16xi32>
        %mul3A_613 = arith.constant 640 : i32
        %mul3A_614 = arith.muli %arg0, %mul3A_613 : i32
        %add3A_615 = vector.broadcast %mul3A_614 : i32 to vector<16xi32>
        %add3A_616 = arith.addi %shift_right_arithmetic3A_612, %add3A_615 : vector<16xi32>
        %swap3A_617 = arith.constant 16 : index
        %swap3A_618 = tpu.vector_load %arg15[%swap3A_617] {strides = array<i32>} : memref<64xi32, #tpu.memory_space<vmem>>, vector<16xi32>,
        tpu.vector_store %arg15[%swap3A_617], %add3A_616 {strides = array<i32>} : memref<64xi32, #tpu.memory_space<vmem>>, vector<16xi32>,
        %and3A_619 = arith.constant 15 : i32
        %and3A_620 = vector.broadcast %and3A_619 : i32 to vector<16xi32>
        %and3A_621 = arith.andi %get3A_609, %and3A_620 : vector<16xi32>
        %swap3A_622 = arith.constant 16 : index
        %swap3A_623 = tpu.vector_load %arg17[%swap3A_622] {strides = array<i32>} : memref<64xi32, #tpu.memory_space<vmem>>, vector<16xi32>,
        tpu.vector_store %arg17[%swap3A_622], %and3A_621 {strides = array<i32>} : memref<64xi32, #tpu.memory_space<vmem>>, vector<16xi32>,
        %get3A_624 = arith.constant 32 : index
        %get3A_625 = tpu.vector_load %arg11[%get3A_624] {strides = array<i32>} : memref<64xi32, #tpu.memory_space<vmem>>, vector<16xi32>,
        %shift_right_arithmetic3A_626 = arith.constant 4 : i32
        %shift_right_arithmetic3A_627 = vector.broadcast %shift_right_arithmetic3A_626 : i32 to vector<16xi32>
        %shift_right_arithmetic3A_628 = arith.shrsi %get3A_625, %shift_right_arithmetic3A_627 : vector<16xi32>
        %mul3A_629 = arith.constant 640 : i32
        %mul3A_630 = arith.muli %arg0, %mul3A_629 : i32
        %add3A_631 = vector.broadcast %mul3A_630 : i32 to vector<16xi32>
        %add3A_632 = arith.addi %shift_right_arithmetic3A_628, %add3A_631 : vector<16xi32>
        %swap3A_633 = arith.constant 32 : index
        %swap3A_634 = tpu.vector_load %arg15[%swap3A_633] {strides = array<i32>} : memref<64xi32, #tpu.memory_space<vmem>>, vector<16xi32>,
        tpu.vector_store %arg15[%swap3A_633], %add3A_632 {strides = array<i32>} : memref<64xi32, #tpu.memory_space<vmem>>, vector<16xi32>,
        %and3A_635 = arith.constant 15 : i32
        %and3A_636 = vector.broadcast %and3A_635 : i32 to vector<16xi32>
        %and3A_637 = arith.andi %get3A_625, %and3A_636 : vector<16xi32>
        %swap3A_638 = arith.constant 32 : index
        %swap3A_639 = tpu.vector_load %arg17[%swap3A_638] {strides = array<i32>} : memref<64xi32, #tpu.memory_space<vmem>>, vector<16xi32>,
        tpu.vector_store %arg17[%swap3A_638], %and3A_637 {strides = array<i32>} : memref<64xi32, #tpu.memory_space<vmem>>, vector<16xi32>,
        %get3A_640 = arith.constant 48 : index
        %get3A_641 = tpu.vector_load %arg11[%get3A_640] {strides = array<i32>} : memref<64xi32, #tpu.memory_space<vmem>>, vector<16xi32>,
        %shift_right_arithmetic3A_642 = arith.constant 4 : i32
        %shift_right_arithmetic3A_643 = vector.broadcast %shift_right_arithmetic3A_642 : i32 to vector<16xi32>
        %shift_right_arithmetic3A_644 = arith.shrsi %get3A_641, %shift_right_arithmetic3A_643 : vector<16xi32>
        %mul3A_645 = arith.constant 640 : i32
        %mul3A_646 = arith.muli %arg0, %mul3A_645 : i32
        %add3A_647 = vector.broadcast %mul3A_646 : i32 to vector<16xi32>
        %add3A_648 = arith.addi %shift_right_arithmetic3A_644, %add3A_647 : vector<16xi32>
        %swap3A_649 = arith.constant 48 : index
        %swap3A_650 = tpu.vector_load %arg15[%swap3A_649] {strides = array<i32>} : memref<64xi32, #tpu.memory_space<vmem>>, vector<16xi32>,
        tpu.vector_store %arg15[%swap3A_649], %add3A_648 {strides = array<i32>} : memref<64xi32, #tpu.memory_space<vmem>>, vector<16xi32>,
        %and3A_651 = arith.constant 15 : i32
        %and3A_652 = vector.broadcast %and3A_651 : i32 to vector<16xi32>
        %and3A_653 = arith.andi %get3A_641, %and3A_652 : vector<16xi32>
        %swap3A_654 = arith.constant 48 : index
        %swap3A_655 = tpu.vector_load %arg17[%swap3A_654] {strides = array<i32>} : memref<64xi32, #tpu.memory_space<vmem>>, vector<16xi32>,
        tpu.vector_store %arg17[%swap3A_654], %and3A_653 {strides = array<i32>} : memref<64xi32, #tpu.memory_space<vmem>>, vector<16xi32>,
        %dma_start3A_656 = arith.constant 0 : i32
        %dma_start3A_657 = arith.constant 0 : i32
        %dma_start3A_658 = tpu.memref_slice %arg8[%dma_start3A_656, %dma_start3A_657] : memref<1280x16xf32, #tpu.memory_space<hbm>> -> memref<1280x16xf32, #tpu.memory_space<hbm>>
        tpu.enqueue_indirect_dma source(%dma_start3A_658 : memref<1280x16xf32, #tpu.memory_space<hbm>>) target(%arg23 : memref<64x16xf32, #tpu.memory_space<vmem>>) offsets(%arg15 : memref<64xi32, #tpu.memory_space<vmem>>) semaphore(%arg31 : memref<!tpu.dma_semaphore, #tpu.memory_space<semaphore_mem>>)
        %add3A_659 = arith.constant 2 : i32
        %add3A_660 = arith.addi %add3A_492, %add3A_659 : i32
        %lt3A_661 = arith.constant 168 : i32
        %lt3A_662 = arith.cmpi slt, %add3A_660, %lt3A_661 : i32
        %convert_element_type3A_663 = arith.extui %lt3A_662 : i1 to i32
        %cond3A_664 = arith.constant 0 : i32
        %cond3A_665 = arith.cmpi ne, %convert_element_type3A_663, %cond3A_664 : i32
        scf.if %cond3A_665 {
          %add3A_666 = arith.constant 2 : i32
          %add3A_667 = arith.addi %add3A_492, %add3A_666 : i32
          %mul3A_668 = arith.constant 64 : i32
          %mul3A_669 = arith.muli %add3A_667, %mul3A_668 : i32
          %add3A_670 = arith.addi %mul3A_0, %mul3A_669 : i32
          %dma_start3A_671 = tpu.memref_slice %arg3[%add3A_670] : memref<172032xi32, #tpu.memory_space<hbm>> -> memref<64xi32, #tpu.memory_space<hbm>>
          %dma_start3A_672 = tpu.memref_slice %arg3[%add3A_670] : memref<172032xi32, #tpu.memory_space<hbm>> -> memref<64xi32, #tpu.memory_space<hbm>>
          tpu.enqueue_dma source(%dma_start3A_672 : memref<64xi32, #tpu.memory_space<hbm>>) target(%arg12 : memref<64xi32, #tpu.memory_space<vmem>>) target_semaphore(%arg30 : memref<!tpu.dma_semaphore, #tpu.memory_space<semaphore_mem>>)
        } else {
        }
      } else {
      }
      %dma_wait3A_500 = arith.constant 0 : i32
      %dma_wait3A_501 = arith.constant 0 : i32
      %dma_wait3A_502 = tpu.memref_slice %arg8[%dma_wait3A_500, %dma_wait3A_501] : memref<1280x16xf32, #tpu.memory_space<hbm>> -> memref<1280x16xf32, #tpu.memory_space<hbm>>
      tpu.wait_indirect_dma semaphore(%arg32 : memref<!tpu.dma_semaphore, #tpu.memory_space<semaphore_mem>>) src(%dma_wait3A_502 : memref<1280x16xf32, #tpu.memory_space<hbm>>) dst(%arg24 : memref<64x16xf32, #tpu.memory_space<vmem>>)
      %ge3A_503 = arith.constant 2 : i32
      %ge3A_504 = arith.cmpi sge, %add3A_492, %ge3A_503 : i32
      %convert_element_type3A_505 = arith.extui %ge3A_504 : i1 to i32
      %cond3A_506 = arith.constant 0 : i32
      %cond3A_507 = arith.cmpi ne, %convert_element_type3A_505, %cond3A_506 : i32
      scf.if %cond3A_507 {
        %sub3A = arith.constant 2 : i32
        %sub3A_588 = arith.subi %add3A_492, %sub3A : i32
        %mul3A_589 = arith.constant 64 : i32
        %mul3A_590 = arith.muli %sub3A_588, %mul3A_589 : i32
        %add3A_591 = arith.addi %mul3A_0, %mul3A_590 : i32
        %dma_wait3A_592 = tpu.memref_slice %arg7[%arg0, %add3A_591] : memref<2x172032xf32, #tpu.memory_space<hbm>> -> memref<1x64xf32, #tpu.memory_space<hbm>>
        %dma_wait3A_593 = tpu.memref_squeeze %dma_wait3A_592 : memref<1x64xf32, #tpu.memory_space<hbm>> -> memref<64xf32, #tpu.memory_space<hbm>>
        %dma_wait3A_594 = tpu.memref_slice %arg7[%arg0, %add3A_591] : memref<2x172032xf32, #tpu.memory_space<hbm>> -> memref<1x64xf32, #tpu.memory_space<hbm>>
        %dma_wait3A_595 = tpu.memref_squeeze %dma_wait3A_594 : memref<1x64xf32, #tpu.memory_space<hbm>> -> memref<64xf32, #tpu.memory_space<hbm>>
        tpu.wait_dma2 semaphore(%arg34 : memref<!tpu.dma_semaphore, #tpu.memory_space<semaphore_mem>>) src(%arg27 : memref<64xf32, #tpu.memory_space<vmem>>) dst(%dma_wait3A_595 : memref<64xf32, #tpu.memory_space<hbm>>)
      } else {
      }
      %mul3A_508 = arith.constant 64 : i32
      %mul3A_509 = arith.muli %add3A_492, %mul3A_508 : i32
      %add3A_510 = arith.addi %mul3A_0, %mul3A_509 : i32
      %add3A_511 = arith.constant 0 : i32
      %add3A_512 = vector.broadcast %add3A_511 : i32 to vector<16xi32>
      %add3A_513 = arith.addi %add3A_512, %iota3A : vector<16xi32>
      %get3A_514 = arith.constant 0 : index
      %get3A_515 = tpu.vector_load %arg18[%get3A_514] {strides = array<i32>} : memref<64xi32, #tpu.memory_space<vmem>>, vector<16xi32>,
      %gather3A_516 = tpu.vector_load_idx %arg24[%add3A_513, %get3A_515] : memref<64x16xf32, #tpu.memory_space<vmem>>[vector<16xi32>, vector<16xi32>], vector<16xf32>,
      %mul3A_517 = arith.constant 64 : i32
      %mul3A_518 = arith.muli %add3A_492, %mul3A_517 : i32
      %add3A_519 = arith.constant 0 : i32
      %add3A_520 = arith.addi %mul3A_518, %add3A_519 : i32
      %get3A_521 = arith.index_cast %add3A_520 : i32 to index
      %get3A_522 = tpu.vector_load %arg25[%get3A_521] {strides = array<i32>} : memref<10752xf32, #tpu.memory_space<vmem>>, vector<16xf32>,
      %add3A_523 = arith.constant 1.000000e-16 : f32
      %add3A_524 = vector.broadcast %add3A_523 : f32 to vector<16xf32>
      %add3A_525 = arith.addf %gather3A_516, %add3A_524 : vector<16xf32>
      %div3A_526 = arith.divf %get3A_522, %add3A_525 : vector<16xf32>
      %swap3A_527 = arith.constant 0 : index
      %swap3A_528 = tpu.vector_load %arg27[%swap3A_527] {strides = array<i32>} : memref<64xf32, #tpu.memory_space<vmem>>, vector<16xf32>,
      tpu.vector_store %arg27[%swap3A_527], %div3A_526 {strides = array<i32>} : memref<64xf32, #tpu.memory_space<vmem>>, vector<16xf32>,
      %add3A_529 = arith.constant 16 : i32
      %add3A_530 = vector.broadcast %add3A_529 : i32 to vector<16xi32>
      %add3A_531 = arith.addi %add3A_530, %iota3A : vector<16xi32>
      %get3A_532 = arith.constant 16 : index
      %get3A_533 = tpu.vector_load %arg18[%get3A_532] {strides = array<i32>} : memref<64xi32, #tpu.memory_space<vmem>>, vector<16xi32>,
      %gather3A_534 = tpu.vector_load_idx %arg24[%add3A_531, %get3A_533] : memref<64x16xf32, #tpu.memory_space<vmem>>[vector<16xi32>, vector<16xi32>], vector<16xf32>,
      %mul3A_535 = arith.constant 64 : i32
      %mul3A_536 = arith.muli %add3A_492, %mul3A_535 : i32
      %add3A_537 = arith.constant 16 : i32
      %add3A_538 = arith.addi %mul3A_536, %add3A_537 : i32
      %get3A_539 = arith.index_cast %add3A_538 : i32 to index
      %get3A_540 = tpu.vector_load %arg25[%get3A_539] {strides = array<i32>} : memref<10752xf32, #tpu.memory_space<vmem>>, vector<16xf32>,
      %add3A_541 = arith.constant 1.000000e-16 : f32
      %add3A_542 = vector.broadcast %add3A_541 : f32 to vector<16xf32>
      %add3A_543 = arith.addf %gather3A_534, %add3A_542 : vector<16xf32>
      %div3A_544 = arith.divf %get3A_540, %add3A_543 : vector<16xf32>
      %swap3A_545 = arith.constant 16 : index
      %swap3A_546 = tpu.vector_load %arg27[%swap3A_545] {strides = array<i32>} : memref<64xf32, #tpu.memory_space<vmem>>, vector<16xf32>,
      tpu.vector_store %arg27[%swap3A_545], %div3A_544 {strides = array<i32>} : memref<64xf32, #tpu.memory_space<vmem>>, vector<16xf32>,
      %add3A_547 = arith.constant 32 : i32
      %add3A_548 = vector.broadcast %add3A_547 : i32 to vector<16xi32>
      %add3A_549 = arith.addi %add3A_548, %iota3A : vector<16xi32>
      %get3A_550 = arith.constant 32 : index
      %get3A_551 = tpu.vector_load %arg18[%get3A_550] {strides = array<i32>} : memref<64xi32, #tpu.memory_space<vmem>>, vector<16xi32>,
      %gather3A_552 = tpu.vector_load_idx %arg24[%add3A_549, %get3A_551] : memref<64x16xf32, #tpu.memory_space<vmem>>[vector<16xi32>, vector<16xi32>], vector<16xf32>,
      %mul3A_553 = arith.constant 64 : i32
      %mul3A_554 = arith.muli %add3A_492, %mul3A_553 : i32
      %add3A_555 = arith.constant 32 : i32
      %add3A_556 = arith.addi %mul3A_554, %add3A_555 : i32
      %get3A_557 = arith.index_cast %add3A_556 : i32 to index
      %get3A_558 = tpu.vector_load %arg25[%get3A_557] {strides = array<i32>} : memref<10752xf32, #tpu.memory_space<vmem>>, vector<16xf32>,
      %add3A_559 = arith.constant 1.000000e-16 : f32
      %add3A_560 = vector.broadcast %add3A_559 : f32 to vector<16xf32>
      %add3A_561 = arith.addf %gather3A_552, %add3A_560 : vector<16xf32>
      %div3A_562 = arith.divf %get3A_558, %add3A_561 : vector<16xf32>
      %swap3A_563 = arith.constant 32 : index
      %swap3A_564 = tpu.vector_load %arg27[%swap3A_563] {strides = array<i32>} : memref<64xf32, #tpu.memory_space<vmem>>, vector<16xf32>,
      tpu.vector_store %arg27[%swap3A_563], %div3A_562 {strides = array<i32>} : memref<64xf32, #tpu.memory_space<vmem>>, vector<16xf32>,
      %add3A_565 = arith.constant 48 : i32
      %add3A_566 = vector.broadcast %add3A_565 : i32 to vector<16xi32>
      %add3A_567 = arith.addi %add3A_566, %iota3A : vector<16xi32>
      %get3A_568 = arith.constant 48 : index
      %get3A_569 = tpu.vector_load %arg18[%get3A_568] {strides = array<i32>} : memref<64xi32, #tpu.memory_space<vmem>>, vector<16xi32>,
      %gather3A_570 = tpu.vector_load_idx %arg24[%add3A_567, %get3A_569] : memref<64x16xf32, #tpu.memory_space<vmem>>[vector<16xi32>, vector<16xi32>], vector<16xf32>,
      %mul3A_571 = arith.constant 64 : i32
      %mul3A_572 = arith.muli %add3A_492, %mul3A_571 : i32
      %add3A_573 = arith.constant 48 : i32
      %add3A_574 = arith.addi %mul3A_572, %add3A_573 : i32
      %get3A_575 = arith.index_cast %add3A_574 : i32 to index
      %get3A_576 = tpu.vector_load %arg25[%get3A_575] {strides = array<i32>} : memref<10752xf32, #tpu.memory_space<vmem>>, vector<16xf32>,
      %add3A_577 = arith.constant 1.000000e-16 : f32
      %add3A_578 = vector.broadcast %add3A_577 : f32 to vector<16xf32>
      %add3A_579 = arith.addf %gather3A_570, %add3A_578 : vector<16xf32>
      %div3A_580 = arith.divf %get3A_576, %add3A_579 : vector<16xf32>
      %swap3A_581 = arith.constant 48 : index
      %swap3A_582 = tpu.vector_load %arg27[%swap3A_581] {strides = array<i32>} : memref<64xf32, #tpu.memory_space<vmem>>, vector<16xf32>,
      tpu.vector_store %arg27[%swap3A_581], %div3A_580 {strides = array<i32>} : memref<64xf32, #tpu.memory_space<vmem>>, vector<16xf32>,
      %dma_start3A_583 = tpu.memref_slice %arg7[%arg0, %add3A_510] : memref<2x172032xf32, #tpu.memory_space<hbm>> -> memref<1x64xf32, #tpu.memory_space<hbm>>
      %dma_start3A_584 = tpu.memref_squeeze %dma_start3A_583 : memref<1x64xf32, #tpu.memory_space<hbm>> -> memref<64xf32, #tpu.memory_space<hbm>>
      %dma_start3A_585 = tpu.memref_slice %arg7[%arg0, %add3A_510] : memref<2x172032xf32, #tpu.memory_space<hbm>> -> memref<1x64xf32, #tpu.memory_space<hbm>>
      %dma_start3A_586 = tpu.memref_squeeze %dma_start3A_585 : memref<1x64xf32, #tpu.memory_space<hbm>> -> memref<64xf32, #tpu.memory_space<hbm>>
      tpu.enqueue_dma source(%arg27 : memref<64xf32, #tpu.memory_space<vmem>>) target(%dma_start3A_586 : memref<64xf32, #tpu.memory_space<hbm>>) target_semaphore(%arg34 : memref<!tpu.dma_semaphore, #tpu.memory_space<semaphore_mem>>)
      %scan3A_587 = arith.constant 0 : i32
      scf.yield %scan3A_587 : i32
    }
    %scan3A_384 = arith.constant 84 : i32
    %add3A_385 = arith.constant 10624 : i32
    %add3A_386 = arith.addi %mul3A_0, %add3A_385 : i32
    %dma_wait3A_387 = tpu.memref_slice %arg7[%arg0, %add3A_386] : memref<2x172032xf32, #tpu.memory_space<hbm>> -> memref<1x64xf32, #tpu.memory_space<hbm>>
    %dma_wait3A_388 = tpu.memref_squeeze %dma_wait3A_387 : memref<1x64xf32, #tpu.memory_space<hbm>> -> memref<64xf32, #tpu.memory_space<hbm>>
    %dma_wait3A_389 = tpu.memref_slice %arg7[%arg0, %add3A_386] : memref<2x172032xf32, #tpu.memory_space<hbm>> -> memref<1x64xf32, #tpu.memory_space<hbm>>
    %dma_wait3A_390 = tpu.memref_squeeze %dma_wait3A_389 : memref<1x64xf32, #tpu.memory_space<hbm>> -> memref<64xf32, #tpu.memory_space<hbm>>
    tpu.wait_dma2 semaphore(%arg33 : memref<!tpu.dma_semaphore, #tpu.memory_space<semaphore_mem>>) src(%arg26 : memref<64xf32, #tpu.memory_space<vmem>>) dst(%dma_wait3A_390 : memref<64xf32, #tpu.memory_space<hbm>>)
    %add3A_391 = arith.constant 10688 : i32
    %add3A_392 = arith.addi %mul3A_0, %add3A_391 : i32
    %dma_wait3A_393 = tpu.memref_slice %arg7[%arg0, %add3A_392] : memref<2x172032xf32, #tpu.memory_space<hbm>> -> memref<1x64xf32, #tpu.memory_space<hbm>>
    %dma_wait3A_394 = tpu.memref_squeeze %dma_wait3A_393 : memref<1x64xf32, #tpu.memory_space<hbm>> -> memref<64xf32, #tpu.memory_space<hbm>>
    %dma_wait3A_395 = tpu.memref_slice %arg7[%arg0, %add3A_392] : memref<2x172032xf32, #tpu.memory_space<hbm>> -> memref<1x64xf32, #tpu.memory_space<hbm>>
    %dma_wait3A_396 = tpu.memref_squeeze %dma_wait3A_395 : memref<1x64xf32, #tpu.memory_space<hbm>> -> memref<64xf32, #tpu.memory_space<hbm>>
    tpu.wait_dma2 semaphore(%arg34 : memref<!tpu.dma_semaphore, #tpu.memory_space<semaphore_mem>>) src(%arg27 : memref<64xf32, #tpu.memory_space<vmem>>) dst(%dma_wait3A_396 : memref<64xf32, #tpu.memory_space<hbm>>)
    return
  }
}

module attributes {stable_mosaic.version = 14 : i64} {
  func.func @_feat_kernel(%arg0: i32, %arg1: i32, %arg2: memref<1000x256xf32, #tpu.memory_space<vmem>>, %arg3: memref<256x128xf32, #tpu.memory_space<vmem>>, %arg4: memref<2x128xf32, #tpu.memory_space<vmem>>, %arg5: memref<2x128xf32, #tpu.memory_space<vmem>>, %arg6: memref<1000x144xf32, #tpu.memory_space<vmem>>, %arg7: memref<1000x16xf32, #tpu.memory_space<vmem>>) attributes {dimension_semantics = [#tpu.dimension_semantics<arbitrary>, #tpu.dimension_semantics<arbitrary>], iteration_bounds = array<i64: 2, 10>, scalar_prefetch = 0 : i64, scratch_operands = 0 : i64, tpu.core_type = #tpu.core_type<tc>, window_params = [{transform_indices = @transform_0, window_bounds = array<i64: 1000, 256>}, {transform_indices = @transform_1, window_bounds = array<i64: 256, 128>}, {pipeline_mode = #tpu.pipeline_mode<synchronous>, transform_indices = @transform_2, window_bounds = array<i64: 2, 128>}, {pipeline_mode = #tpu.pipeline_mode<synchronous>, transform_indices = @transform_3, window_bounds = array<i64: 2, 128>}, {transform_indices = @transform_4, window_bounds = array<i64: 1000, 144>}, {transform_indices = @transform_5, window_bounds = array<i64: 1000, 16>}]} {
    %get3A = arith.constant 0 : index
    %get3A_0 = arith.constant 0 : index
    %get3A_1 = vector.load %arg2[%get3A, %get3A_0] : memref<1000x256xf32, #tpu.memory_space<vmem>>, vector<1000x256xf32>
    %get3A_2 = arith.constant 0 : index
    %get3A_3 = arith.constant 0 : index
    %get3A_4 = vector.load %arg3[%get3A_2, %get3A_3] : memref<256x128xf32, #tpu.memory_space<vmem>>, vector<256x128xf32>
    %dot_general3A = arith.constant dense<0.000000e+00> : vector<1000x128xf32>
    %dot_general3A_5 = tpu.matmul %get3A_1, %get3A_4, %dot_general3A {dimension_numbers = #tpu.dot_dimension_numbers<[1], [0], [0], [1], [0, 0, 1, 1], [], []>, transpose_lhs_hint = false} : vector<1000x256xf32>, vector<256x128xf32>, vector<1000x128xf32> -> vector<1000x128xf32>
    %get3A_6 = arith.index_cast %arg0 : i32 to index
    %get3A_7 = arith.constant 0 : index
    %get3A_8 = vector.load %arg4[%get3A_6, %get3A_7] : memref<2x128xf32, #tpu.memory_space<vmem>>, vector<1x128xf32>
    %dot_general3A_9 = arith.constant dense<0.000000e+00> : vector<1000x1xf32>
    %dot_general3A_10 = tpu.matmul %dot_general3A_5, %get3A_8, %dot_general3A_9 {dimension_numbers = #tpu.dot_dimension_numbers<[1], [1], [0], [0], [0, 0, 1, 0], [], []>, transpose_lhs_hint = false} : vector<1000x128xf32>, vector<1x128xf32>, vector<1000x1xf32> -> vector<1000x1xf32>
    %get3A_11 = arith.index_cast %arg0 : i32 to index
    %get3A_12 = arith.constant 0 : index
    %get3A_13 = vector.load %arg5[%get3A_11, %get3A_12] : memref<2x128xf32, #tpu.memory_space<vmem>>, vector<1x128xf32>
    %dot_general3A_14 = arith.constant dense<0.000000e+00> : vector<1000x1xf32>
    %dot_general3A_15 = tpu.matmul %dot_general3A_5, %get3A_13, %dot_general3A_14 {dimension_numbers = #tpu.dot_dimension_numbers<[1], [1], [0], [0], [0, 0, 1, 0], [], []>, transpose_lhs_hint = false} : vector<1000x128xf32>, vector<1x128xf32>, vector<1000x1xf32> -> vector<1000x1xf32>
    %broadcast_in_dim3A = arith.constant 0.000000e+00 : f32
    %broadcast_in_dim3A_16 = vector.broadcast %broadcast_in_dim3A : f32 to vector<1000x15xf32>
    %concatenate3A = tpu.concatenate %dot_general3A_5, %dot_general3A_10, %broadcast_in_dim3A_16 in 1 : vector<1000x128xf32>, vector<1000x1xf32>, vector<1000x15xf32> -> vector<1000x144xf32>
    %swap3A = arith.constant 0 : index
    %swap3A_17 = arith.constant 0 : index
    %swap3A_18 = vector.load %arg6[%swap3A, %swap3A_17] : memref<1000x144xf32, #tpu.memory_space<vmem>>, vector<1000x144xf32>
    tpu.vector_store %arg6[%swap3A, %swap3A_17], %concatenate3A {strides = array<i32>} : memref<1000x144xf32, #tpu.memory_space<vmem>>, vector<1000x144xf32>,
    %concatenate3A_19 = tpu.concatenate %dot_general3A_15, %broadcast_in_dim3A_16 in 1 : vector<1000x1xf32>, vector<1000x15xf32> -> vector<1000x16xf32>
    %swap3A_20 = arith.constant 0 : index
    %swap3A_21 = arith.constant 0 : index
    %swap3A_22 = vector.load %arg7[%swap3A_20, %swap3A_21] : memref<1000x16xf32, #tpu.memory_space<vmem>>, vector<1000x16xf32>
    tpu.vector_store %arg7[%swap3A_20, %swap3A_21], %concatenate3A_19 {strides = array<i32>} : memref<1000x16xf32, #tpu.memory_space<vmem>>, vector<1000x16xf32>,
    return
  }
  func.func @transform_0(%arg0: i32, %arg1: i32) -> (i32, i32) {
    %c0_i32 = arith.constant 0 : i32
    %c0_i32_0 = arith.constant 0 : i32
    return %arg1, %c0_i32 : i32, i32
  }
  func.func @transform_1(%arg0: i32, %arg1: i32) -> (i32, i32) {
    %c0_i32 = arith.constant 0 : i32
    %c0_i32_0 = arith.constant 0 : i32
    return %c0_i32, %arg0 : i32, i32
  }
  func.func @transform_2(%arg0: i32, %arg1: i32) -> (i32, i32) {
    %c0_i32 = arith.constant 0 : i32
    %c0_i32_0 = arith.constant 0 : i32
    %c0_i32_1 = arith.constant 0 : i32
    return %c0_i32, %c0_i32_0 : i32, i32
  }
  func.func @transform_3(%arg0: i32, %arg1: i32) -> (i32, i32) {
    %c0_i32 = arith.constant 0 : i32
    %c0_i32_0 = arith.constant 0 : i32
    %c0_i32_1 = arith.constant 0 : i32
    return %c0_i32, %c0_i32_0 : i32, i32
  }
  func.func @transform_4(%arg0: i32, %arg1: i32) -> (i32, i32) {
    %mul3A = arith.constant 10 : i32
    %mul3A_0 = arith.muli %arg0, %mul3A : i32
    %add3A = arith.addi %mul3A_0, %arg1 : i32
    %c0_i32 = arith.constant 0 : i32
    %c0_i32_1 = arith.constant 0 : i32
    return %add3A, %c0_i32 : i32, i32
  }
  func.func @transform_5(%arg0: i32, %arg1: i32) -> (i32, i32) {
    %mul3A = arith.constant 10 : i32
    %mul3A_0 = arith.muli %arg0, %mul3A : i32
    %add3A = arith.addi %mul3A_0, %arg1 : i32
    %c0_i32 = arith.constant 0 : i32
    %c0_i32_1 = arith.constant 0 : i32
    return %add3A, %c0_i32 : i32, i32
  }
}

module attributes {stable_mosaic.version = 14 : i64} {
  func.func @_mlp_kernel(%arg0: i32, %arg1: memref<2x1024x144xf32, #tpu.memory_space<vmem>>, %arg2: memref<1x256xf32, #tpu.memory_space<vmem>>, %arg3: memref<256x128xf32, #tpu.memory_space<vmem>>, %arg4: memref<1x128xf32, #tpu.memory_space<vmem>>, %arg5: memref<128x64xf32, #tpu.memory_space<vmem>>, %arg6: memref<1x64xf32, #tpu.memory_space<vmem>>, %arg7: memref<64x3xf32, #tpu.memory_space<vmem>>, %arg8: memref<1x3xf32, #tpu.memory_space<vmem>>, %arg9: memref<1024x3xf32, #tpu.memory_space<vmem>>) attributes {dimension_semantics = [#tpu.dimension_semantics<arbitrary>], iteration_bounds = array<i64: 10>, scalar_prefetch = 0 : i64, scratch_operands = 0 : i64, tpu.core_type = #tpu.core_type<tc>, window_params = [{transform_indices = @transform_0, window_bounds = array<i64: 2, 1024, 144>}, {pipeline_mode = #tpu.pipeline_mode<synchronous>, transform_indices = @transform_1, window_bounds = array<i64: 1, 256>}, {pipeline_mode = #tpu.pipeline_mode<synchronous>, transform_indices = @transform_2, window_bounds = array<i64: 256, 128>}, {pipeline_mode = #tpu.pipeline_mode<synchronous>, transform_indices = @transform_3, window_bounds = array<i64: 1, 128>}, {pipeline_mode = #tpu.pipeline_mode<synchronous>, transform_indices = @transform_4, window_bounds = array<i64: 128, 64>}, {pipeline_mode = #tpu.pipeline_mode<synchronous>, transform_indices = @transform_5, window_bounds = array<i64: 1, 64>}, {pipeline_mode = #tpu.pipeline_mode<synchronous>, transform_indices = @transform_6, window_bounds = array<i64: 64, 3>}, {pipeline_mode = #tpu.pipeline_mode<synchronous>, transform_indices = @transform_7, window_bounds = array<i64: 1, 3>}, {transform_indices = @transform_8, window_bounds = array<i64: 1024, 3>}]} {
    %get3A = arith.constant 0 : index
    %get3A_0 = arith.constant 0 : index
    %get3A_1 = arith.constant 0 : index
    %get3A_2 = vector.load %arg1[%get3A, %get3A_0, %get3A_1] : memref<2x1024x144xf32, #tpu.memory_space<vmem>>, vector<2x1024x144xf32>
    %slice3A = vector.extract_strided_slice %get3A_2 {offsets = [0, 0, 128], sizes = [2, 1024, 1], strides = [1, 1, 1]} : vector<2x1024x144xf32> to vector<2x1024x1xf32>
    %squeeze3A = vector.shape_cast %slice3A : vector<2x1024x1xf32> to vector<2x1024xf32>
    %gt3A = arith.constant 0.000000e+00 : f32
    %gt3A_3 = vector.broadcast %gt3A : f32 to vector<2x1024xf32>
    %gt3A_4 = arith.cmpf ogt, %squeeze3A, %gt3A_3 : vector<2x1024xf32>
    %jit3A = arith.constant 1.000000e+00 : f32
    %broadcast_in_dim3A = vector.broadcast %jit3A : f32 to vector<2x1024xf32>
    %select_n3A = arith.select %gt3A_4, %squeeze3A, %broadcast_in_dim3A : vector<2x1024xi1>, vector<2x1024xf32>
    %slice3A_5 = vector.extract_strided_slice %get3A_2 {offsets = [0, 0, 0], sizes = [1, 1024, 128], strides = [1, 1, 1]} : vector<2x1024x144xf32> to vector<1x1024x128xf32>
    %squeeze3A_6 = vector.shape_cast %slice3A_5 : vector<1x1024x128xf32> to vector<1024x128xf32>
    %slice3A_7 = vector.extract_strided_slice %select_n3A {offsets = [0, 0], sizes = [1, 1024], strides = [1, 1]} : vector<2x1024xf32> to vector<1x1024xf32>
    %squeeze3A_8 = vector.shape_cast %slice3A_7 : vector<1x1024xf32> to vector<1024xf32>
    %broadcast_in_dim3A_9 = vector.shape_cast %squeeze3A_8 : vector<1024xf32> to vector<1024x1xf32>
    %div3A = vector.broadcast %broadcast_in_dim3A_9 : vector<1024x1xf32> to vector<1024x128xf32>
    %div3A_10 = arith.divf %squeeze3A_6, %div3A : vector<1024x128xf32>
    %slice3A_11 = vector.extract_strided_slice %get3A_2 {offsets = [1, 0, 0], sizes = [1, 1024, 128], strides = [1, 1, 1]} : vector<2x1024x144xf32> to vector<1x1024x128xf32>
    %squeeze3A_12 = vector.shape_cast %slice3A_11 : vector<1x1024x128xf32> to vector<1024x128xf32>
    %slice3A_13 = vector.extract_strided_slice %select_n3A {offsets = [1, 0], sizes = [1, 1024], strides = [1, 1]} : vector<2x1024xf32> to vector<1x1024xf32>
    %squeeze3A_14 = vector.shape_cast %slice3A_13 : vector<1x1024xf32> to vector<1024xf32>
    %broadcast_in_dim3A_15 = vector.shape_cast %squeeze3A_14 : vector<1024xf32> to vector<1024x1xf32>
    %div3A_16 = vector.broadcast %broadcast_in_dim3A_15 : vector<1024x1xf32> to vector<1024x128xf32>
    %div3A_17 = arith.divf %squeeze3A_12, %div3A_16 : vector<1024x128xf32>
    %concatenate3A = tpu.concatenate %div3A_10, %div3A_17 in 1 : vector<1024x128xf32>, vector<1024x128xf32> -> vector<1024x256xf32>
    %get3A_18 = arith.constant 0 : index
    %get3A_19 = arith.constant 0 : index
    %get3A_20 = vector.load %arg2[%get3A_18, %get3A_19] : memref<1x256xf32, #tpu.memory_space<vmem>>, vector<1x256xf32>
    %add3A = vector.broadcast %get3A_20 : vector<1x256xf32> to vector<1024x256xf32>
    %add3A_21 = arith.addf %concatenate3A, %add3A : vector<1024x256xf32>
    %max3A = arith.constant 0.000000e+00 : f32
    %max3A_22 = vector.broadcast %max3A : f32 to vector<1024x256xf32>
    %max3A_23 = arith.maximumf %add3A_21, %max3A_22 : vector<1024x256xf32>
    %get3A_24 = arith.constant 0 : index
    %get3A_25 = arith.constant 0 : index
    %get3A_26 = vector.load %arg3[%get3A_24, %get3A_25] : memref<256x128xf32, #tpu.memory_space<vmem>>, vector<256x128xf32>
    %dot_general3A = arith.constant dense<0.000000e+00> : vector<1024x128xf32>
    %dot_general3A_27 = tpu.matmul %max3A_23, %get3A_26, %dot_general3A {dimension_numbers = #tpu.dot_dimension_numbers<[1], [0], [0], [1], [0, 0, 1, 1], [], []>, transpose_lhs_hint = false} : vector<1024x256xf32>, vector<256x128xf32>, vector<1024x128xf32> -> vector<1024x128xf32>
    %get3A_28 = arith.constant 0 : index
    %get3A_29 = arith.constant 0 : index
    %get3A_30 = vector.load %arg4[%get3A_28, %get3A_29] : memref<1x128xf32, #tpu.memory_space<vmem>>, vector<1x128xf32>
    %add3A_31 = vector.broadcast %get3A_30 : vector<1x128xf32> to vector<1024x128xf32>
    %add3A_32 = arith.addf %dot_general3A_27, %add3A_31 : vector<1024x128xf32>
    %max3A_33 = arith.constant 0.000000e+00 : f32
    %max3A_34 = vector.broadcast %max3A_33 : f32 to vector<1024x128xf32>
    %max3A_35 = arith.maximumf %add3A_32, %max3A_34 : vector<1024x128xf32>
    %get3A_36 = arith.constant 0 : index
    %get3A_37 = arith.constant 0 : index
    %get3A_38 = vector.load %arg5[%get3A_36, %get3A_37] : memref<128x64xf32, #tpu.memory_space<vmem>>, vector<128x64xf32>
    %dot_general3A_39 = arith.constant dense<0.000000e+00> : vector<1024x64xf32>
    %dot_general3A_40 = tpu.matmul %max3A_35, %get3A_38, %dot_general3A_39 {dimension_numbers = #tpu.dot_dimension_numbers<[1], [0], [0], [1], [0, 0, 1, 1], [], []>, transpose_lhs_hint = false} : vector<1024x128xf32>, vector<128x64xf32>, vector<1024x64xf32> -> vector<1024x64xf32>
    %get3A_41 = arith.constant 0 : index
    %get3A_42 = arith.constant 0 : index
    %get3A_43 = vector.load %arg6[%get3A_41, %get3A_42] : memref<1x64xf32, #tpu.memory_space<vmem>>, vector<1x64xf32>
    %add3A_44 = vector.broadcast %get3A_43 : vector<1x64xf32> to vector<1024x64xf32>
    %add3A_45 = arith.addf %dot_general3A_40, %add3A_44 : vector<1024x64xf32>
    %max3A_46 = arith.constant 0.000000e+00 : f32
    %max3A_47 = vector.broadcast %max3A_46 : f32 to vector<1024x64xf32>
    %max3A_48 = arith.maximumf %add3A_45, %max3A_47 : vector<1024x64xf32>
    %get3A_49 = arith.constant 0 : index
    %get3A_50 = arith.constant 0 : index
    %get3A_51 = vector.load %arg7[%get3A_49, %get3A_50] : memref<64x3xf32, #tpu.memory_space<vmem>>, vector<64x3xf32>
    %dot_general3A_52 = arith.constant dense<0.000000e+00> : vector<1024x3xf32>
    %dot_general3A_53 = tpu.matmul %max3A_48, %get3A_51, %dot_general3A_52 {dimension_numbers = #tpu.dot_dimension_numbers<[1], [0], [0], [1], [0, 0, 1, 1], [], []>, transpose_lhs_hint = false} : vector<1024x64xf32>, vector<64x3xf32>, vector<1024x3xf32> -> vector<1024x3xf32>
    %get3A_54 = arith.constant 0 : index
    %get3A_55 = arith.constant 0 : index
    %get3A_56 = vector.load %arg8[%get3A_54, %get3A_55] : memref<1x3xf32, #tpu.memory_space<vmem>>, vector<1x3xf32>
    %add3A_57 = vector.broadcast %get3A_56 : vector<1x3xf32> to vector<1024x3xf32>
    %add3A_58 = arith.addf %dot_general3A_53, %add3A_57 : vector<1024x3xf32>
    %swap3A = arith.constant 0 : index
    %swap3A_59 = arith.constant 0 : index
    %swap3A_60 = vector.load %arg9[%swap3A, %swap3A_59] : memref<1024x3xf32, #tpu.memory_space<vmem>>, vector<1024x3xf32>
    tpu.vector_store %arg9[%swap3A, %swap3A_59], %add3A_58 {strides = array<i32>} : memref<1024x3xf32, #tpu.memory_space<vmem>>, vector<1024x3xf32>,
    return
  }
  func.func @transform_0(%arg0: i32) -> (i32, i32, i32) {
    %c0_i32 = arith.constant 0 : i32
    %c0_i32_0 = arith.constant 0 : i32
    %c0_i32_1 = arith.constant 0 : i32
    return %c0_i32, %arg0, %c0_i32_0 : i32, i32, i32
  }
  func.func @transform_1(%arg0: i32) -> (i32, i32) {
    %c0_i32 = arith.constant 0 : i32
    %c0_i32_0 = arith.constant 0 : i32
    %c0_i32_1 = arith.constant 0 : i32
    return %c0_i32, %c0_i32_0 : i32, i32
  }
  func.func @transform_2(%arg0: i32) -> (i32, i32) {
    %c0_i32 = arith.constant 0 : i32
    %c0_i32_0 = arith.constant 0 : i32
    %c0_i32_1 = arith.constant 0 : i32
    return %c0_i32, %c0_i32_0 : i32, i32
  }
  func.func @transform_3(%arg0: i32) -> (i32, i32) {
    %c0_i32 = arith.constant 0 : i32
    %c0_i32_0 = arith.constant 0 : i32
    %c0_i32_1 = arith.constant 0 : i32
    return %c0_i32, %c0_i32_0 : i32, i32
  }
  func.func @transform_4(%arg0: i32) -> (i32, i32) {
    %c0_i32 = arith.constant 0 : i32
    %c0_i32_0 = arith.constant 0 : i32
    %c0_i32_1 = arith.constant 0 : i32
    return %c0_i32, %c0_i32_0 : i32, i32
  }
  func.func @transform_5(%arg0: i32) -> (i32, i32) {
    %c0_i32 = arith.constant 0 : i32
    %c0_i32_0 = arith.constant 0 : i32
    %c0_i32_1 = arith.constant 0 : i32
    return %c0_i32, %c0_i32_0 : i32, i32
  }
  func.func @transform_6(%arg0: i32) -> (i32, i32) {
    %c0_i32 = arith.constant 0 : i32
    %c0_i32_0 = arith.constant 0 : i32
    %c0_i32_1 = arith.constant 0 : i32
    return %c0_i32, %c0_i32_0 : i32, i32
  }
  func.func @transform_7(%arg0: i32) -> (i32, i32) {
    %c0_i32 = arith.constant 0 : i32
    %c0_i32_0 = arith.constant 0 : i32
    %c0_i32_1 = arith.constant 0 : i32
    return %c0_i32, %c0_i32_0 : i32, i32
  }
  func.func @transform_8(%arg0: i32) -> (i32, i32) {
    %c0_i32 = arith.constant 0 : i32
    %c0_i32_0 = arith.constant 0 : i32
    return %arg0, %c0_i32 : i32, i32
  }
}

</mosaic_0001>

<sc_bundles>
// kernel: kernel.5.cloned.1.call-start
scs
__scs_entry_jumppad:
0x0: {  	(pc) =	sbr.rel $0x88, $3  }
0x1: {  	(tag) =	ssettag $0x0;
	lr =	simm.s32 $0x1  }
0x2: {  	[smem:$0x3F95] =	sst lr;
	_ =	strace $0xD0000000  }
0x3: {  	_ = 	snop  }
0x4: {  	_ = 	snop  }
0x5: {  	_ = 	snop  }
0x6: {  	_ = 	snop  }
0x7: {  	_ = 	snop  }
__scs_overlays_trampoline_lowered:
0x8: {  	[smem:$0x3FA4] =	sst s0  }
0x9: {  	[smem:$0x3FA5] =	sst s1  }
0xa: {  	[smem:$0x3FA6] =	sst s2  }
0xb: {  	[smem:$0x3FA7] =	sst s3  }
0xc: {  	[smem:$0x3FA8] =	sst s4  }
0xd: {  	[smem:$0x3FA9] =	sst s5  }
0xe: {  	[smem:$0x3FAA] =	sst s6  }
0xf: {  	[smem:$0x3FAB] =	sst s7  }
0x10: {  	[smem:$0x3FAC] =	sst s8  }
0x11: {  	[smem:$0x3FAD] =	sst s9;
	s0 =	simm.s32 @!p0 $0x0  }
0x12: {  	s1 =	sld [smem:$0x3F93];
	s0 =	simm.s32 @p0 $0x1  }
0x13: {  	[smem:$0x3FAE] =	sst s0;
	s0 =	simm.s32 @!p1 $0x0  }
0x14: {  	s2 =	sld [smem:$0x3F92];
	s0 =	simm.s32 @p1 $0x1  }
0x15: {  	[smem:$0x3FAF] =	sst s0;
	s0 =	simm.s32 @!p2 $0x0  }
0x16: {  	s3 =	sld [smem:$0x3FDB];
	s0 =	simm.s32 @p2 $0x1  }
0x17: {  	s4 =	simm.s32 $0x1BF5;
	[smem:$0x3FB1] =	sst s0  }
0x18: {  	s0 =	sld [smem:$0x3F94];
	_ =	swait.ge [sflag:s4], $0x0  }
0x19: {  	s7 =	sld [smem:$0x3F95]  }
0x1a: {  	s8 =	sadd.s32 $0xFFFFE003, lr  }
0x1b: {  	s9 =	sadd.s32 $0xFFFFFEF7, lr;
	s5 =	simm.s32 $0xFFFFFFFF;
	p2 =	slt.u32 s8, $0xFFFFF086  }
0x1c: {  	p1 =	slt.u32 s9, $0xF7A;
	s5 =	simm.s32 @!p2 $0x0  }
0x1d: {  	s5 =	simm.s32 @p1 $0x1;
	p0 =	seq.s32 s7, s2  }
0x1e: {  	s7 =	smul.u32 @!p0 $0xF7A, s2;
	p2 =	seq.s32 @!p0 s5, $0x0  }
0x1f: {  	s9 =	smul.u32 $0xF7A, s1;
	s8 =	simm.s32 @!p0 $0x1BF5;
	p2 =	por !p2, p0  }
0x20: {  	[sflag:s8] =	ssyncset.s32 @!p0 $0xFFFFF086;
	s6 =	sadd.s32 @!p0 s3, s7;
	s7 =	simm.s32 @!p0 $0x108  }
0x21: {  	s3 =	sadd.s32 s3, s9;
	s6 =	sadd.s32 @!p0 $0x88, s6;
	s7 =	simm.s32 @p2 $0x1082  }
0x22: {  	[simem:s7], [sflag:s8] =	dma.local @!p0 [hbm:s6], $0xF7A  }
0x23: {  	s9 =	sor.u32 $0xD0000000, s2;
	s6 =	simm.s32 $0x108;
	_ =	swait.ge @!p0 [sflag:s8], $0x0  }
0x24: {  	s3 =	sadd.s32 $0x88, s3;
	s6 =	simm.s32 @!p1 $0x1082;
	[sflag:s4] =	ssyncset.s32 $0xFFFFF086  }
0x25: {  	[simem:s6], [sflag:s4] =	dma.local [hbm:s3], $0xF7A  }
0x26: {  	[smem:$0x3F95] =	sst s1;
	(tag) =	ssettag s2;
	_ =	strace s9  }
0x27: {  	s1 =	sld [smem:$0x3FA5]  }
0x28: {  	s2 =	sld [smem:$0x3FA6]  }
0x29: {  	s4 =	sld [smem:$0x3FA8]  }
0x2a: {  	p0 =	seq.s32 s5, $0x0;
	s5 =	sld [smem:$0x3FA9]  }
0x2b: {  	s6 =	sld [smem:$0x3FAA]  }
0x2c: {  	s7 =	sld [smem:$0x3FAB]  }
0x2d: {  	s3 =	simm.s32 $0x108;
	s8 =	sld [smem:$0x3FAC]  }
0x2e: {  	s3 =	simm.s32 @!p0 $0x1082;
	s9 =	sld [smem:$0x3FAD]  }
0x2f: {  	lr =	sadd.s32 s0, s3;
	s0 =	sld [smem:$0x3FA4]  }
0x30: {  	s3 =	sld [smem:$0x3FA7]  }
0x31: {  	[smem:$0x3FB0] =	sst s10  }
0x32: {  	s10 =	sld [smem:$0x3FAE];
	_ =	sdelay $0x3  }
0x33: {  	p0 =	seq.s32 s10, $0x1;
	s10 =	sld [smem:$0x3FB0];
	_ =	sdelay $0x3  }
0x34: {  	[smem:$0x3FB0] =	sst s10  }
0x35: {  	s10 =	sld [smem:$0x3FAF];
	_ =	sdelay $0x3  }
0x36: {  	p1 =	seq.s32 s10, $0x1;
	s10 =	sld [smem:$0x3FB0];
	_ =	sdelay $0x3  }
0x37: {  	[smem:$0x3FB0] =	sst s10  }
0x38: {  	s10 =	sld [smem:$0x3FB1]  }
0x39: {  	_ = 	snop;
	(pc) =	sbr.ind lr, $3  }
0x3a: {  	_ = 	snop  }
0x3b: {  	_ = 	snop  }
0x3c: {  	p2 =	seq.s32 s10, $0x1;
	s10 =	sld [smem:$0x3FB0]  }
0x3d: {  	_ =	shalt  }
0x3e: {  	_ =	shalt  }
0x3f: {  	_ =	shalt  }
0x40: {  	_ =	shalt  }
0x41: {  	_ =	shalt  }
0x42: {  	_ =	shalt  }
0x43: {  	_ =	shalt  }
0x44: {  	_ =	shalt  }
0x45: {  	_ =	shalt  }
0x46: {  	_ =	shalt  }
0x47: {  	_ =	shalt  }
0x48: {  	_ =	shalt  }
0x49: {  	_ =	shalt  }
0x4a: {  	_ =	shalt  }
0x4b: {  	_ =	shalt  }
0x4c: {  	_ =	shalt  }
0x4d: {  	_ =	shalt  }
0x4e: {  	_ =	shalt  }
0x4f: {  	_ =	shalt  }
0x50: {  	_ =	shalt  }
0x51: {  	_ =	shalt  }
0x52: {  	_ =	shalt  }
0x53: {  	_ =	shalt  }
0x54: {  	_ =	shalt  }
0x55: {  	_ =	shalt  }
0x56: {  	_ =	shalt  }
0x57: {  	_ =	shalt  }
0x58: {  	_ =	shalt  }
0x59: {  	_ =	shalt  }
0x5a: {  	_ =	shalt  }
0x5b: {  	_ =	shalt  }
0x5c: {  	_ =	shalt  }
0x5d: {  	_ =	shalt  }
0x5e: {  	_ =	shalt  }
0x5f: {  	_ =	shalt  }
0x60: {  	_ =	shalt  }
0x61: {  	_ =	shalt  }
0x62: {  	_ =	shalt  }
0x63: {  	_ =	shalt  }
0x64: {  	_ =	shalt  }
0x65: {  	_ =	shalt  }
0x66: {  	_ =	shalt  }
0x67: {  	_ =	shalt  }
0x68: {  	_ =	shalt  }
0x69: {  	_ =	shalt  }
0x6a: {  	_ =	shalt  }
0x6b: {  	_ =	shalt  }
0x6c: {  	_ =	shalt  }
0x6d: {  	_ =	shalt  }
0x6e: {  	_ =	shalt  }
0x6f: {  	_ =	shalt  }
0x70: {  	_ =	shalt  }
0x71: {  	_ =	shalt  }
0x72: {  	_ =	shalt  }
0x73: {  	_ =	shalt  }
0x74: {  	_ =	shalt  }
0x75: {  	_ =	shalt  }
0x76: {  	_ =	shalt  }
0x77: {  	_ =	shalt  }
0x78: {  	_ =	shalt  }
0x79: {  	_ =	shalt  }
0x7a: {  	_ =	shalt  }
0x7b: {  	_ =	shalt  }
0x7c: {  	_ =	shalt  }
0x7d: {  	_ =	shalt  }
0x7e: {  	_ =	shalt  }
0x7f: {  	_ =	shalt  }
0x80: {  	_ =	shalt  }
0x81: {  	_ =	shalt  }
0x82: {  	_ =	shalt  }
0x83: {  	_ =	shalt  }
0x84: {  	_ =	shalt  }
0x85: {  	_ =	shalt  }
0x86: {  	_ =	shalt  }
0x87: {  	_ =	shalt  }
.Lfunc_end0:
.L_simem_size_0:
called_computation_lowered:
.L_overlay_start_0:
0x88: {  	s2 =	sld [smem:$0x3FD9]  }
0x89: {  	s3 =	sld [smem:$0x3FFE];
	_ =	sdelay $0x1  }
0x8a: {  	s1 =	srdreg.scid  }
0x8b: {  	s0 =	sand.u32 $0x1, s1  }
0x8c: {  	s14 =	sshll.u32 s0, $0xA;
	s2 =	sadd.s32 s3, s2  }
0x8d: {  	s2 =	sadd.s32 s2, s14  }
0x8e: {  	[smem:$0x3FBC] =	sst s2  }
0x8f: {  	_ = 	snop  }
0x90: {  	s2 =	sld [smem:$0x3FD0];
	_ =	sdelay $0x2  }
0x91: {  	s15 =	simm.s32 $0xA;
	s4 =	simm.s32 $0x10  }
0x92: {  	[smem:s4], [sflag:s15] =	dma.local [hbm:s2], $0x1  }
0x93: {  	_ =	swait.eq [sflag:s15], $0x1  }
0x94: {  	[sflag:s15] =	ssyncset.done $0x0  }
0x95: {  	s16 =	sld [smem:$0x10];
	[sflag:s15] =	ssyncadd.s32 $0xFFFFFFFF  }
0x96: {  	s17 =	sld [smem:$0x12];
	(tm) =	ssettm $0x1  }
0x97: {  	s18 =	sld [smem:$0x3FFB];
	_ =	sdelay $0x3  }
0x98: {  	_ =	strace s18  }
0x99: {  	s4 =	sld [smem:$0x3FFC];
	_ =	sdelay $0x3  }
0x9a: {  	_ =	strace s4  }
0x9b: {  	s4 =	sld [smem:$0x3FFD];
	_ =	sdelay $0x3  }
0x9c: {  	_ =	strace s4  }
0x9d: {  	_ =	strace $0x8FFFFFFF  }
0x9e: {  	s19 =	sld [smem:$0x3FDB];
	_ =	sdelay $0x1  }
0x9f: {  	s5 =	simm.s32 $_scs_section_size  }
0xa0: {  	s6 =	simm.s32 $_size__tile_overlayer_lowered;
	s7 =	simm.s32 $_tile_overlayer_lowered  }
0xa1: {  	s22 =	simm.s32 $0x1BFF;
	s21 =	sshll.u32 s7, $0x1;
	s4 =	sadd.s32 s5, s19  }
0xa2: {  	s8 =	simm.s32 $0x0;
	s20 =	sshll.u32 s6, $0x1;
	s6 =	sadd.s32 s21, s4  }
0xa3: {  	[timem:s8], [sflag:s22] =	dma.local [hbm:s6], s20  }
0xa4: {  	_ =	swait.ge [sflag:s22], s20  }
0xa5: {  	s5 =	ssub.s32 $0x0, s20;
	[sflag:s22] =	ssyncset.done $0x0  }
0xa6: {  	[sflag:s22] =	ssyncadd.s32 s5;
	_ =	sdelay $0x1  }
0xa7: {  	s23 =	simm.s32 $0x1B8B  }
0xa8: {  	_ =	swait.ge [sflag:s23], $0x1  }
0xa9: {  	[sflag:s23] =	ssyncset.done $0x0  }
0xaa: {  	s25 =	simm.s32 $0x1B8E;
	s24 =	sld [smem:$0x3FFE];
	[sflag:s23] =	ssyncadd.s32 $0xFFFFFFFF  }
0xab: {  	s26 =	simm.s32 $execute0_lowered;
	[smem:$0x3FD2] =	sst s25  }
0xac: {  	s6 =	sshll.u32 s26, $0x1;
	_ =	strace $0x80000046;
	[dreg:$0x1] =	wrdreg $0xFFFFFFFF  }
0xad: {  	s28 =	simm.s32 $_size_execute0_lowered;
	s4 =	sadd.s32 s4, s6;
	[dreg:$0x0] =	wrdreg $0x0  }
0xae: {  	s6 =	sshll.u32 s28, $0x1;
	[dreg:$0x2] =	wrdreg s4  }
0xaf: {  	[dreg:$0x3] =	wrdreg s6  }
0xb0: {  	[dreg:$0x4] =	wrdreg $0xC0  }
0xb1: {  	_ =	task [dreg:s8], $0x5FFFF  }
0xb2: {  	[dreg:$0x1] =	wrdreg $0xFFFFFFFF  }
0xb3: {  	[dreg:$0x0] =	wrdreg $0x60  }
0xb4: {  	[dreg:$0x2] =	wrdreg s24  }
0xb5: {  	[dreg:$0x3] =	wrdreg s17  }
0xb6: {  	[dreg:$0x4] =	wrdreg s16  }
0xb7: {  	[dreg:$0x5] =	wrdreg $0x86A00  }
0xb8: {  	[dreg:$0x6] =	wrdreg $0x9  }
0xb9: {  	_ =	task.clear_ibuf [dreg:s8], $0x7FFFF;
	_ =	strace $0x90000046  }
0xba: {  	s29 =	simm.s32 $0x9;
	_ =	strace $0x80000048  }
0xbb: {  	_ =	swait.ge [sflag:s29], $0x1  }
0xbc: {  	[sflag:s29] =	ssyncadd.s32 $0xFFFFFFFF  }
0xbd: {  	_ =	strace $0x90000048  }
0xbe: {  	_ =	sfence  }
0xbf: {  	s30 =	sld [smem:$0x0];
	_ =	sdelay $0x2  }
0xc0: {  	s31 =	sshll.u32 s1, $0xD;
	s1 =	sshrl.u32 s1, $0x2  }
0xc1: {  	s3 =	sand.u32 $0x4000, s31;
	s1 =	sadd.s32 s1, s30  }
0xc2: {  	s0 =	sor.u32 s3, s0;
	s1 =	sshll.u32 s1, $0x11  }
0xc3: {  	s0 =	sor.u32 s1, s0  }
0xc4: {  	s0 =	sadd.s32 $0x8F2B, s0  }
0xc5: {  	[sflag:s0] =	ssyncadd.remote.s32 $0x1  }
0xc6: {  	_ =	sfence.sel $0xFFFF  }
0xc7: {  	[dreg:$0x0] =	wrdreg $0xFFFFFFFF;
	(pc) =	sbr.abs _section_cstart, $3  }
0xc8: {  	[dreg:$0x1] =	wrdreg $0xFFFFFFFF  }
0xc9: {  	_ =	task.clear_ibuf [dreg:s8], $0x2FFFF;
	_ =	strace $0x9FFFFFFF  }
0xca: {  	(tm) =	ssettm $0x7FFFFFFF  }
0xcb: {  	_ =	shalt  }
tec
execute0_lowered:
.L_overlay_start_1:
0x0: {  	(tag) =	ssettag $0x1  }
0x1: {  	s0 =	rddreg [dreg:$0x0]  }
0x2: {  	s1 =	rddreg [dreg:$0x1]  }
0x3: {  	s19 =	rddreg [dreg:$0x2];
	s16 =	stileid.u32  }
0x4: {  	s2 =	srdreg.scid;
	s3 =	smul.u32 $0x16800, s16  }
0x5: {  	s4 =	rddreg [dreg:$0x3];
	s10 =	smul.u32 $0x5A000, s16  }
0x6: {  	s5 =	simm.s32 $0x0;
	s2 =	sand.u32 $0x1, s2;
	s14 =	smul.u32 $0x28, s16  }
0x7: {  	[smem:$0x7FF] =	sst s5;
	s8 =	sadd.s32 $0xC000, s0;
	s6 =	smul.u32 $0x168000, s2  }
0x8: {  	_ =	strace $0x80000047;
	s11 =	ssub.s32 $0x2, s2;
	s22 =	smul.u32 $0x2A000, s2  }
0x9: {  	s10 =	sshrl.u32 s10, $0x2;
	s13 =	sshrl.u32 s11, $0x1;
	s21 =	sadd.s32 s3, s4  }
0xa: {  	s7 =	sadd.s32 s3, s6;
	s6 =	sadd.s32 $0x6C00, s0;
	s20 =	sadd.s32 s10, s4  }
0xb: {  	s13 =	ssub.s32 s11, s13;
	s10 =	smul.u32 $0x280, s2;
	s9 =	sshrl.u32 s7, $0x3  }
0xc: {  	[dreg:$0x6] =	wrdreg s21;
	s12 =	sadd.s32 s9, s0;
	s9 =	smul.u32 $0x2A00, s16  }
0xd: {  	s11 =	smul.u32 $0x2710, s2;
	s15 =	sadd.s32 $0x900, s20;
	[dreg:$0x5] =	wrdreg s20  }
0xe: {  	s17 =	sadd.s32 $0x1200, s20;
	[dreg:$0x7] =	wrdreg s15;
	s18 =	sshrl.u32 s9, $0x3  }
0xf: {  	s7 =	sadd.s32 $0x1800, s0;
	[dreg:$0x8] =	wrdreg s17;
	s23 =	sadd.s32 s6, s18  }
0x10: {  	s24 =	sadd.s32 s7, s18;
	s3 =	sor.u32 $0x8, s18;
	[dreg:$0x9] =	wrdreg s23  }
0x11: {  	s0 =	sadd.s32 $0xBE000, s0;
	[dreg:$0xa] =	wrdreg s24;
	s25 =	sadd.s32 s6, s3  }
0x12: {  	s15 =	sadd.s32 s9, s22;
	s22 =	sadd.s32 s7, s3;
	[dreg:$0xb] =	wrdreg s25  }
0x13: {  	s26 =	sor.u32 $0x40, s15;
	s23 =	sadd.s32 $0x64000, s12;
	[dreg:$0xc] =	wrdreg s22  }
0x14: {  	s2 =	sshrl.u32 s26, $0x3;
	s26 =	sadd.s32 $0x1B00, s20;
	[dreg:$0xd] =	wrdreg s23  }
0x15: {  	s14 =	sadd.s32 s14, s10;
	s3 =	sadd.s32 $0x2D00, s20;
	[dreg:$0x10] =	wrdreg s26  }
0x16: {  	s15 =	sshrl.u32 s15, $0x3;
	s12 =	sadd.s32 $0x3600, s20;
	[dreg:$0x12] =	wrdreg s3  }
0x17: {  	s24 =	sshll.u32 s14, $0x1;
	s14 =	sadd.s32 $0x4800, s20;
	[dreg:$0x13] =	wrdreg s12  }
0x18: {  	s17 =	sadd.s32 s15, s0;
	s15 =	sadd.s32 $0x5100, s20;
	[dreg:$0x15] =	wrdreg s14  }
0x19: {  	s18 =	sadd.s32 s2, s0;
	s2 =	sadd.s32 s19, s24;
	[dreg:$0x16] =	wrdreg s15  }
0x1a: {  	s16 =	smul.u32 $0x540, s16;
	s25 =	smax.u32 s13, $0x1;
	[dreg:$0xe] =	wrdreg s2  }
0x1b: {  	s13 =	sadd.s32 $0x3F00, s20;
	[dreg:$0xf] =	wrdreg s25  }
0x1c: {  	s23 =	sadd.s32 s16, s7;
	s16 =	sadd.s32 $0x5A00, s20;
	[dreg:$0x14] =	wrdreg s13  }
0x1d: {  	s19 =	sadd.s32 $0x6300, s20;
	[dreg:$0x17] =	wrdreg s16  }
0x1e: {  	s22 =	sadd.s32 $0x6C00, s20;
	[dreg:$0x18] =	wrdreg s19  }
0x1f: {  	s24 =	sadd.s32 $0x7500, s20;
	[dreg:$0x19] =	wrdreg s22  }
0x20: {  	s26 =	sadd.s32 $0x8700, s20;
	[dreg:$0x1a] =	wrdreg s24  }
0x21: {  	s3 =	sadd.s32 $0x9900, s20;
	[dreg:$0x1c] =	wrdreg s26  }
0x22: {  	s12 =	sadd.s32 $0xA200, s20;
	[dreg:$0x1e] =	wrdreg s3  }
0x23: {  	s14 =	sadd.s32 $0xB400, s20;
	[dreg:$0x1f] =	wrdreg s12  }
0x24: {  	s15 =	sadd.s32 $0xBD00, s20;
	[smem:$0x7EA] =	sst s14  }
0x25: {  	s2 =	sadd.s32 $0x2400, s20;
	[smem:$0x7EB] =	sst s15  }
0x26: {  	s25 =	sadd.s32 $0x7E00, s20;
	[dreg:$0x11] =	wrdreg s2  }
0x27: {  	s13 =	sadd.s32 $0xAB00, s20;
	[dreg:$0x1b] =	wrdreg s25  }
0x28: {  	s16 =	sadd.s32 $0xC600, s20;
	[smem:$0x7E9] =	sst s13  }
0x29: {  	s19 =	sadd.s32 $0xCF00, s20;
	[smem:$0x7EC] =	sst s16  }
0x2a: {  	s22 =	sadd.s32 $0xD800, s20;
	[smem:$0x7ED] =	sst s19  }
0x2b: {  	s24 =	sadd.s32 $0xE100, s20;
	[smem:$0x7EE] =	sst s22  }
0x2c: {  	s26 =	sadd.s32 $0xF300, s20;
	[smem:$0x7EF] =	sst s24  }
0x2d: {  	s28 =	simm.s32 $0x4F20;
	s3 =	sadd.s32 $0x10500, s20;
	[smem:$0x7F1] =	sst s26  }
0x2e: {  	s29 =	simm.s32 $0x3;
	s12 =	sadd.s32 $0x10E00, s20;
	[smem:$0x7F3] =	sst s3  }
0x2f: {  	v2 =	vmov s10;
	s10 =	simm.s32 $0x6;
	s14 =	sadd.s32 $0x12000, s20;
	[smem:$0x7F4] =	sst s12  }
0x30: {  	v1 =	vmov s11;
	s11 =	simm.s32 $0x0;
	s15 =	sadd.s32 $0x12900, s20;
	[smem:$0x7F6] =	sst s14  }
0x31: {  	s30 =	sor.u32 $0x80, s9;
	s2 =	sadd.s32 $0x9000, s20;
	[smem:$0x7F7] =	sst s15  }
0x32: {  	s31 =	sor.u32 $0xC0, s9;
	s25 =	sadd.s32 $0xEA00, s20;
	[dreg:$0x1d] =	wrdreg s2  }
0x33: {  	s0 =	simm.s32 $0x7;
	s13 =	sadd.s32 $0x11700, s20;
	[smem:$0x7F0] =	sst s25  }
0x34: {  	s16 =	sadd.s32 $0x13200, s20;
	s19 =	sadd.s32 $0x13B00, s20;
	[smem:$0x7F5] =	sst s13  }
0x35: {  	s22 =	sadd.s32 $0x14400, s20;
	s24 =	sadd.s32 $0x14D00, s20;
	[smem:$0x7F8] =	sst s16  }
0x36: {  	v0 =	vlaneseq.u32;
	s26 =	sadd.s32 $0x15F00, s20;
	s14 =	simm.s32 $0x320;
	[smem:$0x7F9] =	sst s19  }
.Ltmp0:
0x37: {  	v9 =	vmul.u32 $0x90, v0;
	s15 =	simm.s32 $0x4;
	[smem:$0x7FA] =	sst s22;
	(pc) =	sbr.rel .LBB2_1-.Ltmp0, $4  }
0x38: {  	v3 =	vimm.f32 $0.0e+00;
	vm0 =	vcmask $0x300;
	v0 =	vmul.u32 $0x10, v0;
	s2 =	sadd.s32 $0xFC00, s20;
	[smem:$0x7FB] =	sst s24;
	s25 =	sadd.s32 $0x15600, s20  }
0x39: {  	v11 =	vsel vm0, $0x3F800000, v3;
	v4 =	vadd.s32 $0x80, v9;
	[smem:$0x7FD] =	sst s26;
	s13 =	simm.s32 $0x40;
	s20 =	simm.s32 $0x4B20  }
0x3a: {  	v5 =	vadd.s32 $0x980, v9;
	v6 =	vor.u32 $0x100, v0;
	v7 =	vadd.s32 $0x1280, v9;
	s22 =	simm.s32 $0x2;
	s26 =	simm.s32 $0x1C0;
	[smem:$0x7F2] =	sst s2  }
0x3b: {  	v8 =	vor.u32 $0x200, v0;
	v9 =	vadd.s32 $0x1B80, v9;
	v10 =	vor.u32 $0x300, v0;
	[smem:$0x7FC] =	sst s25;
	s2 =	simm.s32 $0x7DA0;
	s25 =	simm.s32 $0x2720  }
.LBB2_17:
0x3c: {  	s3 =	simm.s32 $0x5  }
0x3d: {  	_ =	swait.ge [sflag:s3], $0x40  }
0x3e: {  	[sflag:s3] =	ssyncset.done $0x0  }
0x3f: {  	[sflag:s3] =	ssyncadd.s32 $0xFFFFFFC0  }
0x40: {  	_ =	swait.ge [sflag:s10], $0x40  }
0x41: {  	s11 =	sld [smem:$0x7E8];
	_ =	sdelay $0x2  }
0x42: {  	s24 =	rddreg [dreg:$0xf];
	s11 =	sadd.s32 $0x1, s11  }
0x43: {  	p0 =	sne.s32 s11, s24  }
.Ltmp1:
0x44: {  	_ = 	snop;
	(pc) =	sbr.rel @!p0 .LBB2_18-.Ltmp1, $3  }
0x45: {  	_ =	sdelay $0x1  }
0x46: {  	[sflag:s10] =	ssyncset.done $0x0  }
0x47: {  	[sflag:s10] =	ssyncadd.s32 $0xFFFFFFC0  }
.LBB2_1:
0x48: {  	[smem:$0x7E8] =	sst s11;
	s3 =	simm.s32 $0x0;
	s11 =	simm.s32 $0x240  }
.LBB2_2:
0x49: {  	p0 =	sne.s32 s11, $0x21C0;
	[tilespmem:s3+$0x7E20] =	vst v3  }
0x4a: {  	[tilespmem:s3+$0x7DA0] =	vst v3  }
0x4b: {  	[tilespmem:s3+$0x7DB0] =	vst v3  }
0x4c: {  	[tilespmem:s3+$0x7DC0] =	vst v3  }
.Ltmp2:
0x4d: {  	[tilespmem:s3+$0x7DD0] =	vst v3;
	(pc) =	sbr.rel @p0 .LBB2_2-.Ltmp2, $4  }
0x4e: {  	[tilespmem:s3+$0x7DE0] =	vst v3  }
0x4f: {  	[tilespmem:s3+$0x7DF0] =	vst v3  }
0x50: {  	[tilespmem:s3+$0x7E00] =	vst v3  }
0x51: {  	[tilespmem:s3+$0x7E10] =	vst v3;
	s3 =	sshra.s32 s11, $0x2;
	s11 =	sadd.s32 $0x240, s11  }
0x52: {  	[tilespmem:s3+$0x7E20] =	vst v3  }
0x53: {  	[tilespmem:s3+$0x7DA0] =	vst v3  }
0x54: {  	[tilespmem:s3+$0x7DB0] =	vst v3  }
0x55: {  	[tilespmem:s3+$0x7DC0] =	vst v3  }
0x56: {  	[tilespmem:s3+$0x7DD0] =	vst v3  }
0x57: {  	[tilespmem:s3+$0x7DE0] =	vst v3  }
0x58: {  	[tilespmem:s3+$0x7DF0] =	vst v3  }
0x59: {  	[tilespmem:s3+$0x7E00] =	vst v3  }
0x5a: {  	[tilespmem:s3+$0x7E10] =	vst v3  }
0x5b: {  	[spmem:s21] =	stream.linear.scatter [tilespmem:s2], [sflag:$0x7], $0x900, $0x38;
	[tilespmem:$0x1EEA0] =	vst v63  }
0x5c: {  	_ =	swait.ge [sflag:s0], $0x900  }
0x5d: {  	[sflag:s0] =	ssyncset.done $0x0  }
0x5e: {  	s24 =	rddreg [dreg:$0x7];
	[sflag:s0] =	ssyncadd.s32 $0xFFFFF700  }
0x5f: {  	[spmem:s24] =	stream.linear.scatter [tilespmem:s2], [sflag:$0x7], $0x900, $0x38;
	[tilespmem:$0x1EEA0] =	vst v63  }
0x60: {  	_ =	swait.ge [sflag:s0], $0x900  }
0x61: {  	[sflag:s0] =	ssyncset.done $0x0  }
0x62: {  	s11 =	rddreg [dreg:$0x8];
	[sflag:s0] =	ssyncadd.s32 $0xFFFFF700  }
0x63: {  	[spmem:s11] =	stream.linear.scatter [tilespmem:s2], [sflag:$0x7], $0x900, $0x38;
	[tilespmem:$0x1EEA0] =	vst v63  }
0x64: {  	_ =	swait.ge [sflag:s0], $0x900  }
0x65: {  	[sflag:s0] =	ssyncset.done $0x0  }
0x66: {  	s12 =	rddreg [dreg:$0x10];
	[sflag:s0] =	ssyncadd.s32 $0xFFFFF700  }
0x67: {  	[spmem:s12] =	stream.linear.scatter [tilespmem:s2], [sflag:$0x7], $0x900, $0x38;
	[tilespmem:$0x1EEA0] =	vst v63  }
0x68: {  	_ =	swait.ge [sflag:s0], $0x900  }
0x69: {  	[sflag:s0] =	ssyncset.done $0x0  }
0x6a: {  	s16 =	rddreg [dreg:$0x11];
	[sflag:s0] =	ssyncadd.s32 $0xFFFFF700  }
0x6b: {  	[spmem:s16] =	stream.linear.scatter [tilespmem:s2], [sflag:$0x7], $0x900, $0x38;
	[tilespmem:$0x1EEA0] =	vst v63  }
0x6c: {  	_ =	swait.ge [sflag:s0], $0x900  }
0x6d: {  	[sflag:s0] =	ssyncset.done $0x0  }
0x6e: {  	s19 =	rddreg [dreg:$0x12];
	[sflag:s0] =	ssyncadd.s32 $0xFFFFF700  }
0x6f: {  	[spmem:s19] =	stream.linear.scatter [tilespmem:s2], [sflag:$0x7], $0x900, $0x38;
	[tilespmem:$0x1EEA0] =	vst v63  }
0x70: {  	_ =	swait.ge [sflag:s0], $0x900  }
0x71: {  	[sflag:s0] =	ssyncset.done $0x0  }
0x72: {  	s21 =	rddreg [dreg:$0x13];
	[sflag:s0] =	ssyncadd.s32 $0xFFFFF700  }
0x73: {  	[spmem:s21] =	stream.linear.scatter [tilespmem:s2], [sflag:$0x7], $0x900, $0x38;
	[tilespmem:$0x1EEA0] =	vst v63  }
0x74: {  	_ =	swait.ge [sflag:s0], $0x900  }
0x75: {  	[sflag:s0] =	ssyncset.done $0x0  }
0x76: {  	s24 =	rddreg [dreg:$0x14];
	[sflag:s0] =	ssyncadd.s32 $0xFFFFF700  }
0x77: {  	[spmem:s24] =	stream.linear.scatter [tilespmem:s2], [sflag:$0x7], $0x900, $0x38;
	[tilespmem:$0x1EEA0] =	vst v63  }
0x78: {  	_ =	swait.ge [sflag:s0], $0x900  }
0x79: {  	[sflag:s0] =	ssyncset.done $0x0  }
0x7a: {  	s11 =	rddreg [dreg:$0x15];
	[sflag:s0] =	ssyncadd.s32 $0xFFFFF700  }
0x7b: {  	[spmem:s11] =	stream.linear.scatter [tilespmem:s2], [sflag:$0x7], $0x900, $0x38;
	[tilespmem:$0x1EEA0] =	vst v63  }
0x7c: {  	_ =	swait.ge [sflag:s0], $0x900  }
0x7d: {  	[sflag:s0] =	ssyncset.done $0x0  }
0x7e: {  	s12 =	rddreg [dreg:$0x16];
	[sflag:s0] =	ssyncadd.s32 $0xFFFFF700  }
0x7f: {  	[spmem:s12] =	stream.linear.scatter [tilespmem:s2], [sflag:$0x7], $0x900, $0x38;
	[tilespmem:$0x1EEA0] =	vst v63  }
0x80: {  	_ =	swait.ge [sflag:s0], $0x900  }
0x81: {  	[sflag:s0] =	ssyncset.done $0x0  }
0x82: {  	s16 =	rddreg [dreg:$0x17];
	[sflag:s0] =	ssyncadd.s32 $0xFFFFF700  }
0x83: {  	[spmem:s16] =	stream.linear.scatter [tilespmem:s2], [sflag:$0x7], $0x900, $0x38;
	[tilespmem:$0x1EEA0] =	vst v63  }
0x84: {  	_ =	swait.ge [sflag:s0], $0x900  }
0x85: {  	[sflag:s0] =	ssyncset.done $0x0  }
0x86: {  	s19 =	rddreg [dreg:$0x18];
	[sflag:s0] =	ssyncadd.s32 $0xFFFFF700  }
0x87: {  	[spmem:s19] =	stream.linear.scatter [tilespmem:s2], [sflag:$0x7], $0x900, $0x38;
	[tilespmem:$0x1EEA0] =	vst v63  }
0x88: {  	_ =	swait.ge [sflag:s0], $0x900  }
0x89: {  	[sflag:s0] =	ssyncset.done $0x0  }
0x8a: {  	s21 =	rddreg [dreg:$0x19];
	[sflag:s0] =	ssyncadd.s32 $0xFFFFF700  }
0x8b: {  	[spmem:s21] =	stream.linear.scatter [tilespmem:s2], [sflag:$0x7], $0x900, $0x38;
	[tilespmem:$0x1EEA0] =	vst v63  }
0x8c: {  	_ =	swait.ge [sflag:s0], $0x900  }
0x8d: {  	[sflag:s0] =	ssyncset.done $0x0  }
0x8e: {  	s24 =	rddreg [dreg:$0x1a];
	[sflag:s0] =	ssyncadd.s32 $0xFFFFF700  }
0x8f: {  	[spmem:s24] =	stream.linear.scatter [tilespmem:s2], [sflag:$0x7], $0x900, $0x38;
	[tilespmem:$0x1EEA0] =	vst v63  }
0x90: {  	_ =	swait.ge [sflag:s0], $0x900  }
0x91: {  	[sflag:s0] =	ssyncset.done $0x0  }
0x92: {  	s11 =	rddreg [dreg:$0x1b];
	[sflag:s0] =	ssyncadd.s32 $0xFFFFF700  }
0x93: {  	[spmem:s11] =	stream.linear.scatter [tilespmem:s2], [sflag:$0x7], $0x900, $0x38;
	[tilespmem:$0x1EEA0] =	vst v63  }
0x94: {  	_ =	swait.ge [sflag:s0], $0x900  }
0x95: {  	[sflag:s0] =	ssyncset.done $0x0  }
0x96: {  	s12 =	rddreg [dreg:$0x1c];
	[sflag:s0] =	ssyncadd.s32 $0xFFFFF700  }
0x97: {  	[spmem:s12] =	stream.linear.scatter [tilespmem:s2], [sflag:$0x7], $0x900, $0x38;
	[tilespmem:$0x1EEA0] =	vst v63  }
0x98: {  	_ =	swait.ge [sflag:s0], $0x900  }
0x99: {  	[sflag:s0] =	ssyncset.done $0x0  }
0x9a: {  	s16 =	rddreg [dreg:$0x1d];
	[sflag:s0] =	ssyncadd.s32 $0xFFFFF700  }
0x9b: {  	[spmem:s16] =	stream.linear.scatter [tilespmem:s2], [sflag:$0x7], $0x900, $0x38;
	[tilespmem:$0x1EEA0] =	vst v63  }
0x9c: {  	_ =	swait.ge [sflag:s0], $0x900  }
0x9d: {  	[sflag:s0] =	ssyncset.done $0x0  }
0x9e: {  	s19 =	rddreg [dreg:$0x1e];
	[sflag:s0] =	ssyncadd.s32 $0xFFFFF700  }
0x9f: {  	[spmem:s19] =	stream.linear.scatter [tilespmem:s2], [sflag:$0x7], $0x900, $0x38;
	[tilespmem:$0x1EEA0] =	vst v63  }
0xa0: {  	_ =	swait.ge [sflag:s0], $0x900  }
0xa1: {  	[sflag:s0] =	ssyncset.done $0x0  }
0xa2: {  	s21 =	rddreg [dreg:$0x1f];
	[sflag:s0] =	ssyncadd.s32 $0xFFFFF700  }
0xa3: {  	[spmem:s21] =	stream.linear.scatter [tilespmem:s2], [sflag:$0x7], $0x900, $0x38;
	[tilespmem:$0x1EEA0] =	vst v63  }
0xa4: {  	_ =	swait.ge [sflag:s0], $0x900  }
0xa5: {  	s24 =	sld [smem:$0x7E9]  }
0xa6: {  	[sflag:s0] =	ssyncset.done $0x0  }
0xa7: {  	[sflag:s0] =	ssyncadd.s32 $0xFFFFF700  }
0xa8: {  	[spmem:s24] =	stream.linear.scatter [tilespmem:s2], [sflag:$0x7], $0x900, $0x38;
	[tilespmem:$0x1EEA0] =	vst v63  }
0xa9: {  	_ =	swait.ge [sflag:s0], $0x900  }
0xaa: {  	s11 =	sld [smem:$0x7EA]  }
0xab: {  	[sflag:s0] =	ssyncset.done $0x0  }
0xac: {  	[sflag:s0] =	ssyncadd.s32 $0xFFFFF700  }
0xad: {  	[spmem:s11] =	stream.linear.scatter [tilespmem:s2], [sflag:$0x7], $0x900, $0x38;
	[tilespmem:$0x1EEA0] =	vst v63  }
0xae: {  	_ =	swait.ge [sflag:s0], $0x900  }
0xaf: {  	s12 =	sld [smem:$0x7EB]  }
0xb0: {  	[sflag:s0] =	ssyncset.done $0x0  }
0xb1: {  	[sflag:s0] =	ssyncadd.s32 $0xFFFFF700  }
0xb2: {  	[spmem:s12] =	stream.linear.scatter [tilespmem:s2], [sflag:$0x7], $0x900, $0x38;
	[tilespmem:$0x1EEA0] =	vst v63  }
0xb3: {  	_ =	swait.ge [sflag:s0], $0x900  }
0xb4: {  	s16 =	sld [smem:$0x7EC]  }
0xb5: {  	[sflag:s0] =	ssyncset.done $0x0  }
0xb6: {  	[sflag:s0] =	ssyncadd.s32 $0xFFFFF700  }
0xb7: {  	[spmem:s16] =	stream.linear.scatter [tilespmem:s2], [sflag:$0x7], $0x900, $0x38;
	[tilespmem:$0x1EEA0] =	vst v63  }
0xb8: {  	_ =	swait.ge [sflag:s0], $0x900  }
0xb9: {  	s19 =	sld [smem:$0x7ED]  }
0xba: {  	[sflag:s0] =	ssyncset.done $0x0  }
0xbb: {  	[sflag:s0] =	ssyncadd.s32 $0xFFFFF700  }
0xbc: {  	[spmem:s19] =	stream.linear.scatter [tilespmem:s2], [sflag:$0x7], $0x900, $0x38;
	[tilespmem:$0x1EEA0] =	vst v63  }
0xbd: {  	_ =	swait.ge [sflag:s0], $0x900  }
0xbe: {  	s21 =	sld [smem:$0x7EE]  }
0xbf: {  	[sflag:s0] =	ssyncset.done $0x0  }
0xc0: {  	[sflag:s0] =	ssyncadd.s32 $0xFFFFF700  }
0xc1: {  	[spmem:s21] =	stream.linear.scatter [tilespmem:s2], [sflag:$0x7], $0x900, $0x38;
	[tilespmem:$0x1EEA0] =	vst v63  }
0xc2: {  	_ =	swait.ge [sflag:s0], $0x900  }
0xc3: {  	s24 =	sld [smem:$0x7EF]  }
0xc4: {  	[sflag:s0] =	ssyncset.done $0x0  }
0xc5: {  	[sflag:s0] =	ssyncadd.s32 $0xFFFFF700  }
0xc6: {  	[spmem:s24] =	stream.linear.scatter [tilespmem:s2], [sflag:$0x7], $0x900, $0x38;
	[tilespmem:$0x1EEA0] =	vst v63  }
0xc7: {  	_ =	swait.ge [sflag:s0], $0x900  }
0xc8: {  	s11 =	sld [smem:$0x7F0]  }
0xc9: {  	[sflag:s0] =	ssyncset.done $0x0  }
0xca: {  	[sflag:s0] =	ssyncadd.s32 $0xFFFFF700  }
0xcb: {  	[spmem:s11] =	stream.linear.scatter [tilespmem:s2], [sflag:$0x7], $0x900, $0x38;
	[tilespmem:$0x1EEA0] =	vst v63  }
0xcc: {  	_ =	swait.ge [sflag:s0], $0x900  }
0xcd: {  	s12 =	sld [smem:$0x7F1]  }
0xce: {  	[sflag:s0] =	ssyncset.done $0x0  }
0xcf: {  	[sflag:s0] =	ssyncadd.s32 $0xFFFFF700  }
0xd0: {  	[spmem:s12] =	stream.linear.scatter [tilespmem:s2], [sflag:$0x7], $0x900, $0x38;
	[tilespmem:$0x1EEA0] =	vst v63  }
0xd1: {  	_ =	swait.ge [sflag:s0], $0x900  }
0xd2: {  	s16 =	sld [smem:$0x7F2]  }
0xd3: {  	[sflag:s0] =	ssyncset.done $0x0  }
0xd4: {  	[sflag:s0] =	ssyncadd.s32 $0xFFFFF700  }
0xd5: {  	[spmem:s16] =	stream.linear.scatter [tilespmem:s2], [sflag:$0x7], $0x900, $0x38;
	[tilespmem:$0x1EEA0] =	vst v63  }
0xd6: {  	_ =	swait.ge [sflag:s0], $0x900  }
0xd7: {  	s19 =	sld [smem:$0x7F3]  }
0xd8: {  	[sflag:s0] =	ssyncset.done $0x0  }
0xd9: {  	[sflag:s0] =	ssyncadd.s32 $0xFFFFF700  }
0xda: {  	[spmem:s19] =	stream.linear.scatter [tilespmem:s2], [sflag:$0x7], $0x900, $0x38;
	[tilespmem:$0x1EEA0] =	vst v63  }
0xdb: {  	_ =	swait.ge [sflag:s0], $0x900  }
0xdc: {  	s21 =	sld [smem:$0x7F4]  }
0xdd: {  	[sflag:s0] =	ssyncset.done $0x0  }
0xde: {  	[sflag:s0] =	ssyncadd.s32 $0xFFFFF700  }
0xdf: {  	[spmem:s21] =	stream.linear.scatter [tilespmem:s2], [sflag:$0x7], $0x900, $0x38;
	[tilespmem:$0x1EEA0] =	vst v63  }
0xe0: {  	_ =	swait.ge [sflag:s0], $0x900  }
0xe1: {  	s24 =	sld [smem:$0x7F5]  }
0xe2: {  	[sflag:s0] =	ssyncset.done $0x0  }
0xe3: {  	[sflag:s0] =	ssyncadd.s32 $0xFFFFF700  }
0xe4: {  	[spmem:s24] =	stream.linear.scatter [tilespmem:s2], [sflag:$0x7], $0x900, $0x38;
	[tilespmem:$0x1EEA0] =	vst v63  }
0xe5: {  	_ =	swait.ge [sflag:s0], $0x900  }
0xe6: {  	s11 =	sld [smem:$0x7F6]  }
0xe7: {  	[sflag:s0] =	ssyncset.done $0x0  }
0xe8: {  	[sflag:s0] =	ssyncadd.s32 $0xFFFFF700  }
0xe9: {  	[spmem:s11] =	stream.linear.scatter [tilespmem:s2], [sflag:$0x7], $0x900, $0x38;
	[tilespmem:$0x1EEA0] =	vst v63  }
0xea: {  	_ =	swait.ge [sflag:s0], $0x900  }
0xeb: {  	s12 =	sld [smem:$0x7F7]  }
0xec: {  	[sflag:s0] =	ssyncset.done $0x0  }
0xed: {  	[sflag:s0] =	ssyncadd.s32 $0xFFFFF700  }
0xee: {  	[spmem:s12] =	stream.linear.scatter [tilespmem:s2], [sflag:$0x7], $0x900, $0x38;
	[tilespmem:$0x1EEA0] =	vst v63  }
0xef: {  	_ =	swait.ge [sflag:s0], $0x900  }
0xf0: {  	s16 =	sld [smem:$0x7F8]  }
0xf1: {  	[sflag:s0] =	ssyncset.done $0x0  }
0xf2: {  	[sflag:s0] =	ssyncadd.s32 $0xFFFFF700  }
0xf3: {  	[spmem:s16] =	stream.linear.scatter [tilespmem:s2], [sflag:$0x7], $0x900, $0x38;
	[tilespmem:$0x1EEA0] =	vst v63  }
0xf4: {  	_ =	swait.ge [sflag:s0], $0x900  }
0xf5: {  	s19 =	sld [smem:$0x7F9]  }
0xf6: {  	[sflag:s0] =	ssyncset.done $0x0  }
0xf7: {  	[sflag:s0] =	ssyncadd.s32 $0xFFFFF700  }
0xf8: {  	[spmem:s19] =	stream.linear.scatter [tilespmem:s2], [sflag:$0x7], $0x900, $0x38;
	[tilespmem:$0x1EEA0] =	vst v63  }
0xf9: {  	_ =	swait.ge [sflag:s0], $0x900  }
0xfa: {  	s21 =	sld [smem:$0x7FA]  }
0xfb: {  	[sflag:s0] =	ssyncset.done $0x0  }
0xfc: {  	[sflag:s0] =	ssyncadd.s32 $0xFFFFF700  }
0xfd: {  	[spmem:s21] =	stream.linear.scatter [tilespmem:s2], [sflag:$0x7], $0x900, $0x38;
	[tilespmem:$0x1EEA0] =	vst v63  }
0xfe: {  	_ =	swait.ge [sflag:s0], $0x900  }
0xff: {  	s24 =	sld [smem:$0x7FB]  }
0x100: {  	[sflag:s0] =	ssyncset.done $0x0  }
0x101: {  	[sflag:s0] =	ssyncadd.s32 $0xFFFFF700  }
0x102: {  	[spmem:s24] =	stream.linear.scatter [tilespmem:s2], [sflag:$0x7], $0x900, $0x38;
	[tilespmem:$0x1EEA0] =	vst v63  }
0x103: {  	_ =	swait.ge [sflag:s0], $0x900  }
0x104: {  	s11 =	sld [smem:$0x7FC]  }
0x105: {  	[sflag:s0] =	ssyncset.done $0x0  }
0x106: {  	[sflag:s0] =	ssyncadd.s32 $0xFFFFF700  }
0x107: {  	[spmem:s11] =	stream.linear.scatter [tilespmem:s2], [sflag:$0x7], $0x900, $0x38;
	[tilespmem:$0x1EEA0] =	vst v63  }
0x108: {  	_ =	swait.ge [sflag:s0], $0x900  }
0x109: {  	s12 =	sld [smem:$0x7FD]  }
0x10a: {  	[sflag:s0] =	ssyncset.done $0x0  }
0x10b: {  	[sflag:s0] =	ssyncadd.s32 $0xFFFFF700  }
0x10c: {  	[spmem:s12] =	stream.linear.scatter [tilespmem:s2], [sflag:$0x7], $0x900, $0x38;
	[tilespmem:$0x1EEA0] =	vst v63  }
0x10d: {  	_ =	swait.ge [sflag:s0], $0x900  }
0x10e: {  	[sflag:s0] =	ssyncset.done $0x0  }
0x10f: {  	[sflag:s0] =	ssyncadd.s32 $0xFFFFF700  }
0x110: {  	[bflag:$0x0] =	sbarrier.arrive $0xFFFF  }
0x111: {  	s24 =	simm.s32 $0x0;
	s16 =	rddreg [dreg:$0x9]  }
0x112: {  	[tilespmem:s24], [sflag:$0x1] =	stream.linear.gather [hbm4b:s16+s24], $0x40, $0x38;
	[tilespmem:$0x1EEA0] =	vst v63  }
0x113: {  	s21 =	simm.s32 $0x1;
	s11 =	simm.s32 $0x80;
	s19 =	rddreg [dreg:$0xa]  }
0x114: {  	[tilespmem:s11], [sflag:$0x1] =	stream.linear.gather [hbm4b:s19+s24], $0x40, $0x38;
	[tilespmem:$0x1EEA0] =	vst v63  }
0x115: {  	_ =	swait.ge [sflag:s21], $0x40  }
0x116: {  	[sflag:s21] =	ssyncset.done $0x0  }
0x117: {  	[sflag:s21] =	ssyncadd.s32 $0xFFFFFFC0  }
0x118: {  	_ =	swait.ge [sflag:s21], $0x40  }
0x119: {  	[sflag:s21] =	ssyncset.done $0x0  }
0x11a: {  	[sflag:s21] =	ssyncadd.s32 $0xFFFFFFC0  }
0x11b: {  	v12 =	vld [tilespmem:$0x0]  }
0x11c: {  	v13 =	vld [tilespmem:$0x80]  }
0x11d: {  	v15 =	vld [tilespmem:$0x90]  }
0x11e: {  	v55 =	vld [tilespmem:$0xA0]  }
0x11f: {  	v59 =	vld [tilespmem:$0xB0];
	_ =	sdelay $0x1  }
0x120: {  	v14 =	vld [tilespmem:$0x10];
	[tilespmem:$0x200] =	vst v13  }
0x121: {  	[tilespmem:$0x210] =	vst v15  }
0x122: {  	v16 =	vld [tilespmem:$0x20];
	[tilespmem:$0x220] =	vst v55  }
0x123: {  	v12 =	vadd.s32 v1, v12;
	[tilespmem:$0x230] =	vst v59  }
0x124: {  	v58 =	vld [tilespmem:$0x30];
	v54 =	vadd.s32 v1, v13;
	[tilespmem:$0x100] =	vst v12  }
0x125: {  	v56 =	vadd.s32 v1, v14;
	[tilespmem:$0x180] =	vst v54  }
0x126: {  	v57 =	vadd.s32 v1, v15;
	[tilespmem:$0x110] =	vst v56  }
0x127: {  	v60 =	vadd.s32 v1, v16;
	[tilespmem:$0x190] =	vst v57  }
0x128: {  	v61 =	vadd.s32 v1, v55;
	[tilespmem:$0x120] =	vst v60  }
0x129: {  	v62 =	vadd.s32 v1, v58;
	[tilespmem:$0x1A0] =	vst v61  }
0x12a: {  	v63 =	vadd.s32 v1, v59;
	[tilespmem:$0x130] =	vst v62  }
0x12b: {  	s11 =	simm.s32 $0x100;
	[tilespmem:$0x1B0] =	vst v63  }
0x12c: {  	[tilespmem:s14], [sflag:$0x3] =	stream.indirect.gather [hbm4b:s8+s13], $0x90, s11, s13, $0xb8;
	[tilespmem:$0x1EEA0] =	vst v63  }
0x12d: {  	s12 =	simm.s32 $0x180  }
0x12e: {  	[tilespmem:s20], [sflag:$0x3] =	stream.indirect.gather [hbm4b:s1+s13], $0x10, s12, s13, $0xb8;
	[tilespmem:$0x1EEA0] =	vst v63  }
0x12f: {  	s16 =	rddreg [dreg:$0xb]  }
0x130: {  	[tilespmem:s13], [sflag:$0x2] =	stream.linear.gather [hbm4b:s16+s24], $0x40, $0x38;
	[tilespmem:$0x1EEA0] =	vst v63  }
0x131: {  	s19 =	rddreg [dreg:$0xc];
	s21 =	simm.s32 $0xC0  }
0x132: {  	[tilespmem:s21], [sflag:$0x2] =	stream.linear.gather [hbm4b:s19+s24], $0x40, $0x38;
	[tilespmem:$0x1EEA0] =	vst v63  }
.LBB2_4:
0x133: {  	_ =	swait.ge [sflag:s22], $0x40  }
0x134: {  	[sflag:s22] =	ssyncset.done $0x0  }
0x135: {  	[sflag:s22] =	ssyncadd.s32 $0xFFFFFFC0  }
0x136: {  	_ =	swait.ge [sflag:s22], $0x40  }
0x137: {  	p0 =	seq.s32 s24, $0x0;
	[sflag:s22] =	ssyncset.done $0x0  }
0x138: {  	s3 =	simm.s32 @!p0 $0x6;
	[sflag:s22] =	ssyncadd.s32 $0xFFFFFFC0  }
0x139: {  	_ =	swait.ge @!p0 [sflag:s3], $0x2400  }
0x13a: {  	[sflag:s3] =	ssyncset.done @!p0 $0x0  }
0x13b: {  	[sflag:s3] =	ssyncadd.s32 @!p0 $0xFFFFDC00  }
0x13c: {  	v12 =	vld [tilespmem:$0x40]  }
0x13d: {  	v13 =	vld [tilespmem:$0xC0];
	_ =	sdelay $0x1  }
0x13e: {  	v14 =	vld [tilespmem:$0x50]  }
0x13f: {  	v15 =	vld [tilespmem:$0xD0];
	_ =	sdelay $0x1  }
0x140: {  	v16 =	vld [tilespmem:$0x60];
	v12 =	vadd.s32 v1, v12;
	[tilespmem:$0x240] =	vst v13  }
0x141: {  	[tilespmem:$0x140] =	vst v12;
	v12 =	vadd.s32 v1, v13  }
0x142: {  	[tilespmem:$0x1C0] =	vst v12;
	v12 =	vld [tilespmem:$0xE0]  }
0x143: {  	[tilespmem:$0x250] =	vst v15;
	v13 =	vadd.s32 v1, v14;
	v14 =	vld [tilespmem:$0x70]  }
0x144: {  	[tilespmem:$0x150] =	vst v13;
	v13 =	vadd.s32 v1, v15  }
0x145: {  	v15 =	vadd.s32 v1, v16;
	[tilespmem:$0x1D0] =	vst v13;
	v13 =	vld [tilespmem:$0xF0]  }
0x146: {  	[tilespmem:$0x160] =	vst v15  }
0x147: {  	v15 =	vadd.s32 v1, v12;
	[tilespmem:$0x260] =	vst v12  }
0x148: {  	v12 =	vadd.s32 v1, v14;
	[tilespmem:$0x1E0] =	vst v15  }
0x149: {  	[tilespmem:$0x170] =	vst v12  }
0x14a: {  	s11 =	sshll.u32 s24, $0x7;
	p0 =	seq.s32 s24, $0x53;
	v12 =	vadd.s32 v1, v13;
	[tilespmem:$0x270] =	vst v13  }
0x14b: {  	s19 =	simm.s32 $0x140;
	s3 =	sadd.s32 @!p0 s11, s30;
	[tilespmem:$0x1F0] =	vst v12  }
0x14c: {  	[tilespmem:s25], [sflag:$0x4] =	stream.indirect.gather [hbm4b:s8+s13], $0x90, s19, s13, $0xb8;
	[tilespmem:$0x1EEA0] =	vst v63  }
0x14d: {  	s3 =	sshrl.u32 @!p0 s3, $0x3  }
0x14e: {  	[tilespmem:s28], [sflag:$0x4] =	stream.indirect.gather [hbm4b:s1+s13], $0x10, s26, s13, $0xb8;
	[tilespmem:$0x1EEA0] =	vst v63  }
0x14f: {  	s16 =	sadd.s32 @!p0 s6, s3;
	s19 =	simm.s32 @!p0 $0x0  }
0x150: {  	[tilespmem:s19], [sflag:$0x1] =	stream.linear.gather @!p0 [hbm4b:s16+s19], $0x40, $0x38;
	[tilespmem:$0x1EEA0] =	vst v63  }
0x151: {  	s3 =	sadd.s32 @!p0 s7, s3;
	s16 =	simm.s32 @!p0 $0x80  }
0x152: {  	[tilespmem:s16], [sflag:$0x1] =	stream.linear.gather @!p0 [hbm4b:s3+s19], $0x40, $0x38;
	[tilespmem:$0x1EEA0] =	vst v63  }
0x153: {  	_ =	swait.ge [sflag:s29], $0x2400  }
0x154: {  	[sflag:s29] =	ssyncset.done $0x0  }
0x155: {  	[sflag:s29] =	ssyncadd.s32 $0xFFFFDC00  }
0x156: {  	_ =	swait.ge [sflag:s29], $0x400  }
0x157: {  	[sflag:s29] =	ssyncset.done $0x0  }
0x158: {  	[sflag:s29] =	ssyncadd.s32 $0xFFFFFC00  }
0x159: {  	v12 =	vld.idx.msk [tilespmem:v4+s14+$0x0], $0xffff  }
0x15a: {  	v13 =	vld.idx.msk [tilespmem:v0+s20+$0x0], $0xffff;
	_ =	sdelay $0x4  }
0x15b: {  	v12 =	vadd.f32 v13, v12;
	_ =	sdelay $0x1  }
0x15c: {  	v13 =	vmul.f32 $2.000000030e-01, v12  }
0x15d: {  	vm0 =	vgt.f32 v12, $0.0e+00  }
0x15e: {  	v12 =	vsel vm0, v12, v13  }
0x15f: {  	v12 =	vmul.f32 $1.442695020e+00, v12;
	_ =	sdelay $0x1  }
0x160: {  	(erf) = vpow2.f32 v12;
	_ =	sdelay $0x7  }
0x161: {  	s21 =	sadd.s32 s9, s11  }
0x162: {  	p1 =	slt.u32 s21, $0x29810;
	v12 =	vpop (erf)  }
0x163: {  	v12 =	vpsel !p1, $0x0, v12  }
0x164: {  	[tilespmem:$0x280] =	vst v12  }
0x165: {  	[tilespmem:s11+$0x5320] =	vst v12  }
0x166: {  	v12 =	vld.idx.msk [tilespmem:v5+s14+$0x0], $0xffff  }
0x167: {  	v13 =	vld.idx.msk [tilespmem:v6+s20+$0x0], $0xffff;
	_ =	sdelay $0x4  }
0x168: {  	v12 =	vadd.f32 v13, v12;
	_ =	sdelay $0x1  }
0x169: {  	v13 =	vmul.f32 $2.000000030e-01, v12  }
0x16a: {  	vm13 =	vgt.f32 v12, $0.0e+00  }
0x16b: {  	v12 =	vsel vm13, v12, v13  }
0x16c: {  	v12 =	vmul.f32 $1.442695020e+00, v12;
	_ =	sdelay $0x1  }
0x16d: {  	(erf) = vpow2.f32 v12;
	_ =	sdelay $0x7  }
0x16e: {  	s12 =	sor.u32 $0x10, s21  }
0x16f: {  	p4 =	slt.u32 s12, $0x29810;
	v12 =	vpop (erf)  }
0x170: {  	v12 =	vpsel !p4, $0x0, v12  }
0x171: {  	[tilespmem:$0x290] =	vst v12  }
0x172: {  	[tilespmem:s11+$0x5330] =	vst v12  }
0x173: {  	v12 =	vld.idx.msk [tilespmem:v7+s14+$0x0], $0xffff  }
0x174: {  	v13 =	vld.idx.msk [tilespmem:v8+s20+$0x0], $0xffff;
	_ =	sdelay $0x4  }
0x175: {  	v12 =	vadd.f32 v13, v12;
	_ =	sdelay $0x1  }
0x176: {  	v13 =	vmul.f32 $2.000000030e-01, v12  }
0x177: {  	vm14 =	vgt.f32 v12, $0.0e+00  }
0x178: {  	v12 =	vsel vm14, v12, v13  }
0x179: {  	v12 =	vmul.f32 $1.442695020e+00, v12;
	_ =	sdelay $0x1  }
0x17a: {  	(erf) = vpow2.f32 v12;
	_ =	sdelay $0x7  }
0x17b: {  	s19 =	sor.u32 $0x20, s21  }
0x17c: {  	p5 =	slt.u32 s19, $0x29810;
	v12 =	vpop (erf)  }
0x17d: {  	v12 =	vpsel !p5, $0x0, v12  }
0x17e: {  	[tilespmem:$0x2A0] =	vst v12  }
0x17f: {  	[tilespmem:s11+$0x5340] =	vst v12  }
0x180: {  	v12 =	vld.idx.msk [tilespmem:v9+s14+$0x0], $0xffff  }
0x181: {  	v13 =	vld.idx.msk [tilespmem:v10+s20+$0x0], $0xffff;
	_ =	sdelay $0x4  }
0x182: {  	v12 =	vadd.f32 v13, v12;
	_ =	sdelay $0x1  }
0x183: {  	v13 =	vmul.f32 $2.000000030e-01, v12  }
0x184: {  	vm15 =	vgt.f32 v12, $0.0e+00  }
0x185: {  	v12 =	vsel vm15, v12, v13  }
0x186: {  	v12 =	vmul.f32 $1.442695020e+00, v12;
	_ =	sdelay $0x1  }
0x187: {  	(erf) = vpow2.f32 v12;
	_ =	sdelay $0x7  }
0x188: {  	s3 =	sor.u32 $0x30, s21  }
0x189: {  	p6 =	slt.u32 s3, $0x29810;
	v12 =	vpop (erf)  }
0x18a: {  	v12 =	vpsel !p6, $0x0, v12  }
0x18b: {  	[tilespmem:$0x2B0] =	vst v12  }
0x18c: {  	s16 =	simm.s32 $0x360;
	[tilespmem:s11+$0x5350] =	vst v12  }
0x18d: {  	v17 =	vld [tilespmem:s16+$0xFFFFFFC0]  }
0x18e: {  	s21 =	simm.s32 $0x0;
	v20 =	vld [tilespmem:s16+$0x30]  }
0x18f: {  	v13 =	vld.msk [tilespmem:s21+$0x280 ss:$0x0], $0xffff  }
0x190: {  	v18 =	vld [tilespmem:s16+$0xFFFFFFE0]  }
0x191: {  	v12 =	vld [tilespmem:s16+$0xFFFFFFF0]  }
0x192: {  	v14 =	vld [tilespmem:s16+$0x20]  }
0x193: {  	v15 =	vld [tilespmem:s16+$0xFFFFFFD0]  }
0x194: {  	v16 =	vld [tilespmem:s16+$0x10]  }
0x195: {  	v21 =	vmul.f32 v13, v17;
	v19 =	vmul.f32 v11, v13;
	v17 =	vld [tilespmem:s16+$0x0]  }
0x196: {  	s19 =	sor.u32 $0x40, s11;
	s3 =	simm.s32 $0x360;
	s21 =	simm.s32 $0x4;
	v18 =	vmul.f32 v18, v13;
	v20 =	vmul.f32 v20, v13  }
.LBB2_5:
0x197: {  	p1 =	sne.s32 s21, $0xFC  }
0x198: {  	[tilespmem:s16+$0xFFFFFFC0] =	vst v21;
	v15 =	vmul.f32 v15, v13;
	v14 =	vmul.f32 v14, v13;
	s3 =	sadd.s32 $0x90, s3;
	s12 =	smov.u32 s21;
	s21 =	sadd.s32 $0x4, s21  }
0x199: {  	v21 =	vmul.f32 v12, v13;
	v12 =	vmul.f32 v16, v13;
	[tilespmem:s16+$0x40] =	vst v19  }
0x19a: {  	v13 =	vmul.f32 v17, v13;
	[tilespmem:s16+$0x30] =	vst v20  }
0x19b: {  	[tilespmem:s16+$0xFFFFFFE0] =	vst v18  }
0x19c: {  	[tilespmem:s16+$0x10] =	vst v12  }
0x19d: {  	[tilespmem:s16+$0x0] =	vst v13  }
0x19e: {  	v12 =	vld [tilespmem:s3+$0xFFFFFFF0];
	[tilespmem:s16+$0xFFFFFFF0] =	vst v21  }
0x19f: {  	v18 =	vld [tilespmem:s3+$0xFFFFFFC0];
	[tilespmem:s16+$0x20] =	vst v14  }
0x1a0: {  	s12 =	sshra.s32 s12, $0x2;
	v20 =	vld [tilespmem:s3+$0x30];
	[tilespmem:s16+$0xFFFFFFD0] =	vst v15;
	s16 =	smov.u32 s3  }
0x1a1: {  	v13 =	vld.msk [tilespmem:s12+$0x280 ss:$0x0], $0xffff  }
0x1a2: {  	v22 =	vld [tilespmem:s3+$0xFFFFFFE0]  }
0x1a3: {  	v14 =	vld [tilespmem:s3+$0x20]  }
.Ltmp3:
0x1a4: {  	v15 =	vld [tilespmem:s3+$0xFFFFFFD0];
	(pc) =	sbr.rel @p1 .LBB2_5-.Ltmp3, $4  }
0x1a5: {  	v16 =	vld [tilespmem:s3+$0x10]  }
0x1a6: {  	v17 =	vld [tilespmem:s3+$0x0]  }
0x1a7: {  	v21 =	vmul.f32 v13, v18;
	v19 =	vmul.f32 v11, v13  }
0x1a8: {  	v20 =	vmul.f32 v20, v13;
	v18 =	vmul.f32 v22, v13  }
0x1a9: {  	[tilespmem:s16+$0xFFFFFFC0] =	vst v21  }
0x1aa: {  	[tilespmem:s16+$0x40] =	vst v19  }
0x1ab: {  	v12 =	vmul.f32 v12, v13;
	[tilespmem:s16+$0x30] =	vst v20  }
0x1ac: {  	v14 =	vmul.f32 v14, v13;
	[tilespmem:s16+$0xFFFFFFE0] =	vst v18  }
0x1ad: {  	v16 =	vmul.f32 v16, v13;
	[tilespmem:s16+$0xFFFFFFF0] =	vst v12  }
0x1ae: {  	v17 =	vmul.f32 v17, v13;
	[tilespmem:s16+$0x20] =	vst v14  }
0x1af: {  	v13 =	vmul.f32 v15, v13;
	[tilespmem:s16+$0x10] =	vst v16  }
0x1b0: {  	[tilespmem:s16+$0x0] =	vst v17  }
0x1b1: {  	s3 =	simm.s32 $0x200;
	[tilespmem:s16+$0xFFFFFFD0] =	vst v13  }
0x1b2: {  	[spmem:s4] =	stream.indirect.scatter.add.f32 [tilespmem:s14], [sflag:$0x5], $0x90, s3, s13, $0xb8;
	[tilespmem:$0x1EEA0] =	vst v63  }
0x1b3: {  	s3 =	simm.s32 @!p0 $0x1  }
0x1b4: {  	_ =	swait.ge @!p0 [sflag:s3], $0x40  }
0x1b5: {  	[sflag:s3] =	ssyncset.done @!p0 $0x0  }
0x1b6: {  	[sflag:s3] =	ssyncadd.s32 @!p0 $0xFFFFFFC0  }
0x1b7: {  	_ =	swait.ge @!p0 [sflag:s3], $0x40  }
0x1b8: {  	[sflag:s3] =	ssyncset.done @!p0 $0x0  }
0x1b9: {  	[sflag:s3] =	ssyncadd.s32 @!p0 $0xFFFFFFC0;
	s3 =	simm.s32 @!p0 $0x5  }
0x1ba: {  	_ =	swait.ge @!p0 [sflag:s3], $0x2400  }
0x1bb: {  	[sflag:s3] =	ssyncset.done @!p0 $0x0  }
0x1bc: {  	[sflag:s3] =	ssyncadd.s32 @!p0 $0xFFFFDC00  }
0x1bd: {  	v12 =	vld @!p0 [tilespmem:$0x0]  }
0x1be: {  	v13 =	vld @!p0 [tilespmem:$0x80];
	_ =	sdelay $0x1  }
0x1bf: {  	v14 =	vld @!p0 [tilespmem:$0x10]  }
0x1c0: {  	v15 =	vld @!p0 [tilespmem:$0x90];
	_ =	sdelay $0x1  }
0x1c1: {  	v16 =	vld @!p0 [tilespmem:$0x20];
	v12 =	vadd.s32 @!p0 v1, v12;
	[tilespmem:$0x200] =	vst @!p0 v13  }
0x1c2: {  	[tilespmem:$0x100] =	vst @!p0 v12;
	v12 =	vadd.s32 @!p0 v1, v13  }
0x1c3: {  	[tilespmem:$0x180] =	vst @!p0 v12;
	v12 =	vld @!p0 [tilespmem:$0xA0]  }
0x1c4: {  	[tilespmem:$0x210] =	vst @!p0 v15;
	v13 =	vadd.s32 @!p0 v1, v14;
	v14 =	vld @!p0 [tilespmem:$0x30]  }
0x1c5: {  	[tilespmem:$0x110] =	vst @!p0 v13;
	v13 =	vadd.s32 @!p0 v1, v15  }
0x1c6: {  	v15 =	vadd.s32 @!p0 v1, v16;
	[tilespmem:$0x190] =	vst @!p0 v13;
	v13 =	vld @!p0 [tilespmem:$0xB0]  }
0x1c7: {  	[tilespmem:$0x120] =	vst @!p0 v15  }
0x1c8: {  	v15 =	vadd.s32 @!p0 v1, v12;
	[tilespmem:$0x220] =	vst @!p0 v12  }
0x1c9: {  	v12 =	vadd.s32 @!p0 v1, v14;
	[tilespmem:$0x1A0] =	vst @!p0 v15  }
0x1ca: {  	[tilespmem:$0x130] =	vst @!p0 v12  }
0x1cb: {  	s12 =	simm.s32 @!p0 $0x100;
	v12 =	vadd.s32 @!p0 v1, v13;
	[tilespmem:$0x230] =	vst @!p0 v13  }
0x1cc: {  	s11 =	sadd.s32 @!p0 s11, s31;
	s16 =	simm.s32 @!p0 $0x320;
	s3 =	simm.s32 @!p0 $0x40;
	[tilespmem:$0x1B0] =	vst @!p0 v12  }
0x1cd: {  	[tilespmem:s16], [sflag:$0x3] =	stream.indirect.gather @!p0 [hbm4b:s8+s3], $0x90, s12, s3, $0xb8;
	[tilespmem:$0x1EEA0] =	vst v63  }
0x1ce: {  	s11 =	sshrl.u32 @!p0 s11, $0x3;
	s12 =	simm.s32 @!p0 $0x180;
	s16 =	simm.s32 @!p0 $0x4B20  }
0x1cf: {  	[tilespmem:s16], [sflag:$0x3] =	stream.indirect.gather @!p0 [hbm4b:s1+s3], $0x10, s12, s3, $0xb8;
	[tilespmem:$0x1EEA0] =	vst v63  }
0x1d0: {  	s12 =	sadd.s32 @!p0 s6, s11;
	s16 =	simm.s32 @!p0 $0x0  }
0x1d1: {  	[tilespmem:s3], [sflag:$0x2] =	stream.linear.gather @!p0 [hbm4b:s12+s16], $0x40, $0x38;
	[tilespmem:$0x1EEA0] =	vst v63  }
0x1d2: {  	s3 =	sadd.s32 @!p0 s7, s11;
	s11 =	simm.s32 @!p0 $0xC0  }
0x1d3: {  	[tilespmem:s11], [sflag:$0x2] =	stream.linear.gather @!p0 [hbm4b:s3+s16], $0x40, $0x38;
	[tilespmem:$0x1EEA0] =	vst v63  }
0x1d4: {  	_ =	swait.ge [sflag:s15], $0x2400  }
0x1d5: {  	[sflag:s15] =	ssyncset.done $0x0  }
0x1d6: {  	[sflag:s15] =	ssyncadd.s32 $0xFFFFDC00  }
0x1d7: {  	_ =	swait.ge [sflag:s15], $0x400  }
0x1d8: {  	[sflag:s15] =	ssyncset.done $0x0  }
0x1d9: {  	[sflag:s15] =	ssyncadd.s32 $0xFFFFFC00  }
0x1da: {  	v12 =	vld.idx.msk [tilespmem:v4+s25+$0x0], $0xffff  }
0x1db: {  	v13 =	vld.idx.msk [tilespmem:v0+s28+$0x0], $0xffff;
	_ =	sdelay $0x4  }
0x1dc: {  	v12 =	vadd.f32 v13, v12;
	_ =	sdelay $0x1  }
0x1dd: {  	v13 =	vmul.f32 $2.000000030e-01, v12  }
0x1de: {  	vm0 =	vgt.f32 v12, $0.0e+00  }
0x1df: {  	v12 =	vsel vm0, v12, v13  }
0x1e0: {  	v12 =	vmul.f32 $1.442695020e+00, v12;
	_ =	sdelay $0x1  }
0x1e1: {  	(erf) = vpow2.f32 v12;
	_ =	sdelay $0x7  }
0x1e2: {  	s21 =	sadd.s32 s9, s19  }
0x1e3: {  	p3 =	slt.u32 s21, $0x29810;
	v12 =	vpop (erf)  }
0x1e4: {  	v12 =	vpsel !p3, $0x0, v12  }
0x1e5: {  	[tilespmem:$0x2D0] =	vst v12  }
0x1e6: {  	[tilespmem:s19+$0x5320] =	vst v12  }
0x1e7: {  	v12 =	vld.idx.msk [tilespmem:v5+s25+$0x0], $0xffff  }
0x1e8: {  	v13 =	vld.idx.msk [tilespmem:v6+s28+$0x0], $0xffff;
	_ =	sdelay $0x4  }
0x1e9: {  	v12 =	vadd.f32 v13, v12;
	_ =	sdelay $0x1  }
0x1ea: {  	v13 =	vmul.f32 $2.000000030e-01, v12  }
0x1eb: {  	vm13 =	vgt.f32 v12, $0.0e+00  }
0x1ec: {  	v12 =	vsel vm13, v12, v13  }
0x1ed: {  	v12 =	vmul.f32 $1.442695020e+00, v12;
	_ =	sdelay $0x1  }
0x1ee: {  	(erf) = vpow2.f32 v12;
	_ =	sdelay $0x7  }
0x1ef: {  	s12 =	sor.u32 $0x10, s21  }
0x1f0: {  	p4 =	slt.u32 s12, $0x29810;
	v12 =	vpop (erf)  }
0x1f1: {  	v12 =	vpsel !p4, $0x0, v12  }
0x1f2: {  	[tilespmem:$0x2E0] =	vst v12  }
0x1f3: {  	[tilespmem:s19+$0x5330] =	vst v12  }
0x1f4: {  	v12 =	vld.idx.msk [tilespmem:v7+s25+$0x0], $0xffff  }
0x1f5: {  	v13 =	vld.idx.msk [tilespmem:v8+s28+$0x0], $0xffff;
	_ =	sdelay $0x4  }
0x1f6: {  	v12 =	vadd.f32 v13, v12;
	_ =	sdelay $0x1  }
0x1f7: {  	v13 =	vmul.f32 $2.000000030e-01, v12  }
0x1f8: {  	vm14 =	vgt.f32 v12, $0.0e+00  }
0x1f9: {  	v12 =	vsel vm14, v12, v13  }
0x1fa: {  	v12 =	vmul.f32 $1.442695020e+00, v12;
	_ =	sdelay $0x1  }
0x1fb: {  	(erf) = vpow2.f32 v12;
	_ =	sdelay $0x7  }
0x1fc: {  	s16 =	sor.u32 $0x20, s21  }
0x1fd: {  	p5 =	slt.u32 s16, $0x29810;
	v12 =	vpop (erf)  }
0x1fe: {  	v12 =	vpsel !p5, $0x0, v12  }
0x1ff: {  	[tilespmem:$0x2F0] =	vst v12  }
0x200: {  	[tilespmem:s19+$0x5340] =	vst v12  }
0x201: {  	v12 =	vld.idx.msk [tilespmem:v9+s25+$0x0], $0xffff  }
0x202: {  	v13 =	vld.idx.msk [tilespmem:v10+s28+$0x0], $0xffff;
	_ =	sdelay $0x4  }
0x203: {  	v12 =	vadd.f32 v13, v12;
	_ =	sdelay $0x1  }
0x204: {  	v13 =	vmul.f32 $2.000000030e-01, v12  }
0x205: {  	vm15 =	vgt.f32 v12, $0.0e+00  }
0x206: {  	v12 =	vsel vm15, v12, v13  }
0x207: {  	v12 =	vmul.f32 $1.442695020e+00, v12;
	_ =	sdelay $0x1  }
0x208: {  	(erf) = vpow2.f32 v12;
	_ =	sdelay $0x7  }
0x209: {  	s3 =	sor.u32 $0x30, s21  }
0x20a: {  	p6 =	slt.u32 s3, $0x29810;
	v12 =	vpop (erf)  }
0x20b: {  	v12 =	vpsel !p6, $0x0, v12  }
0x20c: {  	[tilespmem:$0x300] =	vst v12  }
0x20d: {  	s11 =	simm.s32 $0x2760;
	[tilespmem:s19+$0x5350] =	vst v12  }
0x20e: {  	v17 =	vld [tilespmem:s11+$0xFFFFFFC0]  }
0x20f: {  	s21 =	simm.s32 $0x0;
	v20 =	vld [tilespmem:s11+$0x30]  }
0x210: {  	v13 =	vld.msk [tilespmem:s21+$0x2D0 ss:$0x0], $0xffff  }
0x211: {  	v18 =	vld [tilespmem:s11+$0xFFFFFFE0]  }
0x212: {  	v12 =	vld [tilespmem:s11+$0xFFFFFFF0]  }
0x213: {  	v14 =	vld [tilespmem:s11+$0x20]  }
0x214: {  	v15 =	vld [tilespmem:s11+$0xFFFFFFD0]  }
0x215: {  	v16 =	vld [tilespmem:s11+$0x10]  }
0x216: {  	v21 =	vmul.f32 v13, v17;
	v19 =	vmul.f32 v11, v13;
	v17 =	vld [tilespmem:s11+$0x0]  }
0x217: {  	s16 =	simm.s32 $0x4;
	s3 =	simm.s32 $0x2760;
	v18 =	vmul.f32 v18, v13;
	v20 =	vmul.f32 v20, v13  }
.LBB2_7:
0x218: {  	p0 =	sne.s32 s16, $0xFC  }
0x219: {  	[tilespmem:s11+$0xFFFFFFC0] =	vst v21;
	v15 =	vmul.f32 v15, v13;
	v14 =	vmul.f32 v14, v13;
	s3 =	sadd.s32 $0x90, s3;
	s12 =	smov.u32 s16;
	s16 =	sadd.s32 $0x4, s16  }
0x21a: {  	v21 =	vmul.f32 v12, v13;
	v12 =	vmul.f32 v16, v13;
	[tilespmem:s11+$0x40] =	vst v19  }
0x21b: {  	v13 =	vmul.f32 v17, v13;
	[tilespmem:s11+$0x30] =	vst v20  }
0x21c: {  	[tilespmem:s11+$0xFFFFFFE0] =	vst v18  }
0x21d: {  	[tilespmem:s11+$0x10] =	vst v12  }
0x21e: {  	[tilespmem:s11+$0x0] =	vst v13  }
0x21f: {  	v12 =	vld [tilespmem:s3+$0xFFFFFFF0];
	[tilespmem:s11+$0xFFFFFFF0] =	vst v21  }
0x220: {  	v18 =	vld [tilespmem:s3+$0xFFFFFFC0];
	[tilespmem:s11+$0x20] =	vst v14  }
0x221: {  	s12 =	sshra.s32 s12, $0x2;
	v20 =	vld [tilespmem:s3+$0x30];
	[tilespmem:s11+$0xFFFFFFD0] =	vst v15;
	s11 =	smov.u32 s3  }
0x222: {  	v13 =	vld.msk [tilespmem:s12+$0x2D0 ss:$0x0], $0xffff  }
0x223: {  	v22 =	vld [tilespmem:s3+$0xFFFFFFE0]  }
0x224: {  	v14 =	vld [tilespmem:s3+$0x20]  }
.Ltmp4:
0x225: {  	v15 =	vld [tilespmem:s3+$0xFFFFFFD0];
	(pc) =	sbr.rel @p0 .LBB2_7-.Ltmp4, $4  }
0x226: {  	v16 =	vld [tilespmem:s3+$0x10]  }
0x227: {  	v17 =	vld [tilespmem:s3+$0x0]  }
0x228: {  	v21 =	vmul.f32 v13, v18;
	v19 =	vmul.f32 v11, v13  }
0x229: {  	v20 =	vmul.f32 v20, v13;
	v18 =	vmul.f32 v22, v13  }
0x22a: {  	[tilespmem:s11+$0xFFFFFFC0] =	vst v21  }
0x22b: {  	[tilespmem:s11+$0x40] =	vst v19  }
0x22c: {  	v12 =	vmul.f32 v12, v13;
	[tilespmem:s11+$0x30] =	vst v20  }
0x22d: {  	v14 =	vmul.f32 v14, v13;
	s24 =	sadd.s32 $0x1, s24;
	[tilespmem:s11+$0xFFFFFFE0] =	vst v18  }
0x22e: {  	v63 =	vmul.f32 v15, v13;
	p0 =	sne.s32 s24, $0x54;
	[tilespmem:s11+$0xFFFFFFF0] =	vst v12  }
.Ltmp5:
0x22f: {  	v16 =	vmul.f32 v16, v13;
	[tilespmem:s11+$0x20] =	vst v14;
	(pc) =	sbr.rel @p0 .LBB2_4-.Ltmp5, $4  }
0x230: {  	v17 =	vmul.f32 v17, v13;
	[tilespmem:s11+$0xFFFFFFD0] =	vst v63  }
0x231: {  	[tilespmem:s11+$0x10] =	vst v16  }
0x232: {  	s3 =	simm.s32 $0x240;
	[tilespmem:s11+$0x0] =	vst v17  }
0x233: {  	[spmem:s4] =	stream.indirect.scatter.add.f32 [tilespmem:s25], [sflag:$0x6], $0x90, s3, s13, $0xb8;
	[tilespmem:$0x1EEA0] =	vst v63  }
0x234: {  	s3 =	simm.s32 $0x5  }
0x235: {  	_ =	swait.ge [sflag:s3], $0x2400  }
0x236: {  	[sflag:s3] =	ssyncset.done $0x0  }
0x237: {  	[sflag:s3] =	ssyncadd.s32 $0xFFFFDC00  }
0x238: {  	_ =	swait.ge [sflag:s10], $0x2400  }
0x239: {  	[sflag:s10] =	ssyncset.done $0x0  }
0x23a: {  	[sflag:s10] =	ssyncadd.s32 $0xFFFFDC00  }
0x23b: {  	s24 =	stileid.u32;
	[bflag:$0x0] =	sbarrier.arrive $0xFFFF  }
0x23c: {  	s3 =	sshll.u32 s24, $0x6;
	s21 =	rddreg [dreg:$0x6]  }
0x23d: {  	s3 =	sor.u32 $0x1C07, s3;
	s12 =	rddreg [dreg:$0xd];
	s11 =	sshrl.u32 s21, $0x3  }
0x23e: {  	[hbm:s12], [sflag:s3] =	dma.local [spmem:s11], $0x2D00  }
0x23f: {  	_ =	swait.ge [sflag:s0], $0x2D00  }
0x240: {  	[sflag:s0] =	ssyncset.done $0x0  }
0x241: {  	s11 =	rddreg [dreg:$0x5];
	[sflag:s0] =	ssyncadd.s32 $0xFFFFD300  }
0x242: {  	[tilespmem:s2], [sflag:$0x7] =	stream.linear.gather [spmem:s11], $0x900, $0x38;
	[tilespmem:$0x1EEA0] =	vst v63  }
0x243: {  	_ =	swait.ge [sflag:s0], $0x900  }
0x244: {  	[sflag:s0] =	ssyncset.done $0x0  }
0x245: {  	[sflag:s0] =	ssyncadd.s32 $0xFFFFF700  }
0x246: {  	v12 =	vld.idx.msk [tilespmem:v4+s2+$0x0], $0xffff;
	_ =	sdelay $0x2  }
0x247: {  	s16 =	simm.s32 $0x0;
	s3 =	simm.s32 $0x40  }
.LBB2_10:
0x248: {  	p0 =	sne.s32 s3, $0x9C0  }
0x249: {  	[tilespmem:s16+$0x4B20] =	vst v12;
	s11 =	sadd.s32 $0x900, s11;
	s12 =	smov.u32 s3;
	s3 =	sadd.s32 $0x40, s3  }
0x24a: {  	[tilespmem:s2], [sflag:$0x7] =	stream.linear.gather [spmem:s11], $0x900, $0x38;
	[tilespmem:$0x1EEA0] =	vst v63  }
0x24b: {  	_ =	swait.ge [sflag:s0], $0x900  }
0x24c: {  	[sflag:s0] =	ssyncset.done $0x0  }
0x24d: {  	[sflag:s0] =	ssyncadd.s32 $0xFFFFF700  }
0x24e: {  	v12 =	vld.idx.msk [tilespmem:v4+s2+$0x0], $0xffff  }
.Ltmp6:
0x24f: {  	(pc) =	sbr.rel @p0 .LBB2_10-.Ltmp6, $2  }
0x250: {  	_ =	sdelay $0x2  }
0x251: {  	s16 =	sshra.s32 s12, $0x2  }
0x252: {  	[tilespmem:s16+$0x4B20] =	vst v12;
	s24 =	simm.s32 $0x0;
	s3 =	rddreg [dreg:$0xe]  }
0x253: {  	[hbm4b:s3+s24] =	stream.linear.scatter [tilespmem:s20], [sflag:$0x7], $0x280, $0x38;
	[tilespmem:$0x1EEA0] =	vst v63  }
0x254: {  	_ =	swait.ge [sflag:s0], $0x280  }
0x255: {  	[sflag:s0] =	ssyncset.done $0x0  }
0x256: {  	[sflag:s0] =	ssyncadd.s32 $0xFFFFFD80  }
0x257: {  	[bflag:$0x0] =	sbarrier.arrive $0xFFFF  }
0x258: {  	s11 =	simm.s32 $0x80;
	s19 =	simm.s32 $0x1;
	s16 =	rddreg [dreg:$0xa]  }
0x259: {  	[tilespmem:s11], [sflag:$0x1] =	stream.linear.gather [hbm4b:s16+s24], $0x40, $0x38;
	[tilespmem:$0x1EEA0] =	vst v63  }
0x25a: {  	_ =	swait.ge [sflag:s19], $0x40  }
0x25b: {  	[sflag:s19] =	ssyncset.done $0x0  }
0x25c: {  	[sflag:s19] =	ssyncadd.s32 $0xFFFFFFC0  }
0x25d: {  	v54 =	vld [tilespmem:$0x80]  }
0x25e: {  	v13 =	vld [tilespmem:$0x90]  }
0x25f: {  	v14 =	vld [tilespmem:$0xA0]  }
0x260: {  	v16 =	vld [tilespmem:$0xB0];
	_ =	sdelay $0x1  }
0x261: {  	v12 =	vand.u32 $0xF, v54  }
0x262: {  	v57 =	vand.u32 $0xF, v13;
	[tilespmem:$0x200] =	vst v12  }
0x263: {  	v60 =	vand.u32 $0xF, v14;
	[tilespmem:$0x210] =	vst v57  }
0x264: {  	v15 =	vshra.s32 v54, $0x4;
	v63 =	vand.u32 $0xF, v16;
	[tilespmem:$0x220] =	vst v60  }
0x265: {  	v55 =	vshra.s32 v13, $0x4;
	v15 =	vadd.s32 v2, v15;
	[tilespmem:$0x230] =	vst v63  }
0x266: {  	v58 =	vshra.s32 v14, $0x4;
	v56 =	vadd.s32 v2, v55;
	[tilespmem:$0x180] =	vst v15  }
0x267: {  	v61 =	vshra.s32 v16, $0x4;
	v59 =	vadd.s32 v2, v58;
	[tilespmem:$0x190] =	vst v56  }
.Ltmp7:
0x268: {  	v62 =	vadd.s32 v2, v61;
	[tilespmem:$0x1A0] =	vst v59;
	(pc) =	sbr.rel .LBB2_12-.Ltmp7, $4  }
0x269: {  	s11 =	simm.s32 $0x180;
	s19 =	rddreg [dreg:$0x2];
	[tilespmem:$0x1B0] =	vst v62  }
0x26a: {  	[tilespmem:s20], [sflag:$0x3] =	stream.indirect.gather [hbm4b:s19+s13], $0x10, s11, s13, $0xb8;
	[tilespmem:$0x1EEA0] =	vst v63  }
0x26b: {  	s16 =	simm.s32 $0xC0;
	s12 =	rddreg [dreg:$0xc];
	s11 =	simm.s32 $0x5360  }
0x26c: {  	[tilespmem:s16], [sflag:$0x2] =	stream.linear.gather [hbm4b:s12+s24], $0x40, $0x38;
	[tilespmem:$0x1EEA0] =	vst v63  }
.LBB2_13:
0x26d: {  	_ =	swait.ge [sflag:s15], $0x400  }
0x26e: {  	[sflag:s15] =	ssyncset.done $0x0  }
0x26f: {  	[sflag:s15] =	ssyncadd.s32 $0xFFFFFC00  }
.LBB2_15:
0x270: {  	_ =	swait.ge [sflag:s10], $0x40  }
0x271: {  	[sflag:s10] =	ssyncset.done $0x0  }
0x272: {  	[sflag:s10] =	ssyncadd.s32 $0xFFFFFFC0  }
.LBB2_16:
0x273: {  	v12 =	vld [tilespmem:$0x240];
	_ =	sdelay $0x4  }
0x274: {  	v12 =	vadd.s32 v0, v12;
	_ =	sdelay $0x4  }
0x275: {  	v12 =	vld.idx.msk [tilespmem:v12+s28+$0x0], $0xffff;
	_ =	sdelay $0x4  }
0x276: {  	v12 =	vadd.f32 $1.000000020e-16, v12;
	_ =	sdelay $0x1  }
0x277: {  	(erf) = vrcp.f32 v12;
	_ =	sdelay $0x2  }
0x278: {  	v57 =	vld [tilespmem:$0x250];
	_ =	sdelay $0x1  }
0x279: {  	v13 =	vld [tilespmem:s11+$0x0];
	_ =	sdelay $0x2  }
0x27a: {  	v12 =	vadd.s32 v6, v57  }
0x27b: {  	v14 =	vpop (erf)  }
0x27c: {  	v13 =	vmul.f32 v14, v13;
	_ =	sdelay $0x1  }
0x27d: {  	[tilespmem:$0x7D60] =	vst v13  }
0x27e: {  	v12 =	vld.idx.msk [tilespmem:v12+s28+$0x0], $0xffff;
	_ =	sdelay $0x4  }
0x27f: {  	v12 =	vadd.f32 $1.000000020e-16, v12;
	_ =	sdelay $0x1  }
0x280: {  	(erf) = vrcp.f32 v12;
	_ =	sdelay $0x2  }
0x281: {  	v58 =	vld [tilespmem:$0x260];
	_ =	sdelay $0x1  }
0x282: {  	v13 =	vld [tilespmem:s11+$0x10];
	_ =	sdelay $0x2  }
0x283: {  	v12 =	vadd.s32 v8, v58  }
0x284: {  	v59 =	vpop (erf)  }
0x285: {  	v13 =	vmul.f32 v59, v13;
	_ =	sdelay $0x1  }
0x286: {  	[tilespmem:$0x7D70] =	vst v13  }
0x287: {  	v12 =	vld.idx.msk [tilespmem:v12+s28+$0x0], $0xffff;
	_ =	sdelay $0x4  }
0x288: {  	v12 =	vadd.f32 $1.000000020e-16, v12;
	_ =	sdelay $0x1  }
0x289: {  	(erf) = vrcp.f32 v12;
	_ =	sdelay $0x2  }
0x28a: {  	v60 =	vld [tilespmem:$0x270];
	_ =	sdelay $0x1  }
0x28b: {  	v13 =	vld [tilespmem:s11+$0x20];
	_ =	sdelay $0x2  }
0x28c: {  	v12 =	vadd.s32 v10, v60  }
0x28d: {  	v61 =	vpop (erf)  }
0x28e: {  	v13 =	vmul.f32 v61, v13;
	_ =	sdelay $0x1  }
0x28f: {  	[tilespmem:$0x7D80] =	vst v13  }
0x290: {  	v12 =	vld.idx.msk [tilespmem:v12+s28+$0x0], $0xffff;
	_ =	sdelay $0x4  }
0x291: {  	v12 =	vadd.f32 $1.000000020e-16, v12;
	_ =	sdelay $0x1  }
0x292: {  	(erf) = vrcp.f32 v12;
	_ =	sdelay $0x4  }
0x293: {  	v62 =	vld [tilespmem:s11+$0x30];
	_ =	sdelay $0x1  }
0x294: {  	s3 =	sadd.s32 s24, s18;
	s24 =	sadd.s32 $0x10, s24  }
0x295: {  	p0 =	sne.s32 s24, $0x540  }
.Ltmp8:
0x296: {  	v63 =	vpop (erf);
	(pc) =	sbr.rel @!p0 .LBB2_17-.Ltmp8, $3  }
0x297: {  	v12 =	vmul.f32 v63, v62;
	_ =	sdelay $0x1  }
0x298: {  	s12 =	simm.s32 $0x7D60;
	s11 =	sadd.s32 $0x80, s11;
	[tilespmem:$0x7D90] =	vst v12  }
0x299: {  	[hbm4b:s3+s5] =	stream.linear.scatter [tilespmem:s12], [sflag:$0x6], $0x40, $0x38;
	[tilespmem:$0x1EEA0] =	vst v63  }
.LBB2_12:
0x29a: {  	_ =	swait.ge [sflag:s22], $0x40  }
0x29b: {  	[sflag:s22] =	ssyncset.done $0x0  }
0x29c: {  	[sflag:s22] =	ssyncadd.s32 $0xFFFFFFC0  }
0x29d: {  	v12 =	vld [tilespmem:$0xC0]  }
0x29e: {  	v13 =	vld [tilespmem:$0xD0]  }
0x29f: {  	v14 =	vld [tilespmem:$0xE0]  }
0x2a0: {  	v16 =	vld [tilespmem:$0xF0];
	_ =	sdelay $0x1  }
0x2a1: {  	v15 =	vshra.s32 v12, $0x4;
	v12 =	vand.u32 $0xF, v12  }
0x2a2: {  	v47 =	vand.u32 $0xF, v13;
	[tilespmem:$0x240] =	vst v12  }
0x2a3: {  	v50 =	vand.u32 $0xF, v14;
	[tilespmem:$0x250] =	vst v47  }
0x2a4: {  	v53 =	vand.u32 $0xF, v16;
	[tilespmem:$0x260] =	vst v50  }
0x2a5: {  	v45 =	vshra.s32 v13, $0x4;
	v15 =	vadd.s32 v2, v15;
	[tilespmem:$0x270] =	vst v53  }
0x2a6: {  	v48 =	vshra.s32 v14, $0x4;
	v46 =	vadd.s32 v2, v45;
	[tilespmem:$0x1C0] =	vst v15  }
0x2a7: {  	v51 =	vshra.s32 v16, $0x4;
	v49 =	vadd.s32 v2, v48;
	[tilespmem:$0x1D0] =	vst v46  }
0x2a8: {  	p0 =	seq.s32 s24, $0x530;
	v52 =	vadd.s32 v2, v51;
	[tilespmem:$0x1E0] =	vst v49  }
0x2a9: {  	s3 =	sadd.s32 @!p0 s24, s23;
	[tilespmem:$0x1F0] =	vst v52  }
0x2aa: {  	[tilespmem:s28], [sflag:$0x4] =	stream.indirect.gather [hbm4b:s19+s13], $0x10, s26, s13, $0xb8;
	[tilespmem:$0x1EEA0] =	vst v63  }
0x2ab: {  	s12 =	simm.s32 @!p0 $0x0;
	s16 =	simm.s32 @!p0 $0x80;
	s3 =	sadd.s32 @!p0 $0x10, s3  }
0x2ac: {  	[tilespmem:s16], [sflag:$0x1] =	stream.linear.gather @!p0 [hbm4b:s3+s12], $0x40, $0x38;
	[tilespmem:$0x1EEA0] =	vst v63  }
0x2ad: {  	_ =	swait.ge [sflag:s29], $0x400  }
0x2ae: {  	p0 =	seq.s32 s24, $0x0;
	[sflag:s29] =	ssyncset.done $0x0  }
0x2af: {  	s3 =	simm.s32 @!p0 $0x5;
	[sflag:s29] =	ssyncadd.s32 $0xFFFFFC00  }
0x2b0: {  	_ =	swait.ge @!p0 [sflag:s3], $0x40  }
0x2b1: {  	[sflag:s3] =	ssyncset.done @!p0 $0x0  }
0x2b2: {  	[sflag:s3] =	ssyncadd.s32 @!p0 $0xFFFFFFC0  }
0x2b3: {  	v54 =	vld [tilespmem:$0x200];
	_ =	sdelay $0x4  }
0x2b4: {  	v12 =	vadd.s32 v0, v54;
	_ =	sdelay $0x4  }
0x2b5: {  	v12 =	vld.idx.msk [tilespmem:v12+s20+$0x0], $0xffff;
	_ =	sdelay $0x4  }
0x2b6: {  	v12 =	vadd.f32 $1.000000020e-16, v12;
	_ =	sdelay $0x1  }
0x2b7: {  	(erf) = vrcp.f32 v12;
	_ =	sdelay $0x2  }
0x2b8: {  	v55 =	vld [tilespmem:$0x210];
	_ =	sdelay $0x1  }
0x2b9: {  	v56 =	vld [tilespmem:s11+$0xFFFFFFC0];
	_ =	sdelay $0x2  }
0x2ba: {  	v12 =	vadd.s32 v6, v55  }
0x2bb: {  	v57 =	vpop (erf)  }
0x2bc: {  	v13 =	vmul.f32 v57, v56;
	_ =	sdelay $0x1  }
0x2bd: {  	[tilespmem:$0x7D20] =	vst v13  }
0x2be: {  	v12 =	vld.idx.msk [tilespmem:v12+s20+$0x0], $0xffff;
	_ =	sdelay $0x4  }
0x2bf: {  	v12 =	vadd.f32 $1.000000020e-16, v12;
	_ =	sdelay $0x1  }
0x2c0: {  	(erf) = vrcp.f32 v12;
	_ =	sdelay $0x2  }
0x2c1: {  	v58 =	vld [tilespmem:$0x220];
	_ =	sdelay $0x1  }
0x2c2: {  	v13 =	vld [tilespmem:s11+$0xFFFFFFD0];
	_ =	sdelay $0x2  }
0x2c3: {  	v12 =	vadd.s32 v8, v58  }
0x2c4: {  	v59 =	vpop (erf)  }
0x2c5: {  	v13 =	vmul.f32 v59, v13;
	_ =	sdelay $0x1  }
0x2c6: {  	[tilespmem:$0x7D30] =	vst v13  }
0x2c7: {  	v12 =	vld.idx.msk [tilespmem:v12+s20+$0x0], $0xffff;
	_ =	sdelay $0x4  }
0x2c8: {  	v12 =	vadd.f32 $1.000000020e-16, v12;
	_ =	sdelay $0x1  }
0x2c9: {  	(erf) = vrcp.f32 v12;
	_ =	sdelay $0x2  }
0x2ca: {  	v60 =	vld [tilespmem:$0x230];
	_ =	sdelay $0x1  }
0x2cb: {  	v13 =	vld [tilespmem:s11+$0xFFFFFFE0];
	_ =	sdelay $0x2  }
0x2cc: {  	v12 =	vadd.s32 v10, v60  }
0x2cd: {  	v61 =	vpop (erf)  }
0x2ce: {  	v13 =	vmul.f32 v61, v13;
	_ =	sdelay $0x1  }
0x2cf: {  	[tilespmem:$0x7D40] =	vst v13  }
0x2d0: {  	v12 =	vld.idx.msk [tilespmem:v12+s20+$0x0], $0xffff;
	_ =	sdelay $0x4  }
0x2d1: {  	v12 =	vadd.f32 $1.000000020e-16, v12;
	_ =	sdelay $0x1  }
0x2d2: {  	(erf) = vrcp.f32 v12;
	_ =	sdelay $0x4  }
0x2d3: {  	v62 =	vld [tilespmem:s11+$0xFFFFFFF0];
	_ =	sdelay $0x2  }
0x2d4: {  	p1 =	sne.s32 s24, $0x530  }
.Ltmp9:
0x2d5: {  	v63 =	vpop (erf);
	(pc) =	sbr.rel @!p1 .LBB2_13-.Ltmp9, $3  }
0x2d6: {  	v12 =	vmul.f32 v63, v62;
	_ =	sdelay $0x1  }
0x2d7: {  	s12 =	sadd.s32 s24, s17;
	s16 =	simm.s32 $0x7D20;
	[tilespmem:$0x7D50] =	vst v12  }
0x2d8: {  	[hbm4b:s12+s5] =	stream.linear.scatter [tilespmem:s16], [sflag:$0x5], $0x40, $0x38;
	[tilespmem:$0x1EEA0] =	vst v63  }
0x2d9: {  	s3 =	simm.s32 $0x1  }
0x2da: {  	_ =	swait.ge [sflag:s3], $0x40  }
0x2db: {  	[sflag:s3] =	ssyncset.done $0x0  }
0x2dc: {  	[sflag:s3] =	ssyncadd.s32 $0xFFFFFFC0  }
0x2dd: {  	v12 =	vld [tilespmem:$0x80]  }
0x2de: {  	v13 =	vld [tilespmem:$0x90]  }
0x2df: {  	v14 =	vld [tilespmem:$0xA0]  }
0x2e0: {  	v16 =	vld [tilespmem:$0xB0];
	_ =	sdelay $0x1  }
0x2e1: {  	v15 =	vshra.s32 v12, $0x4;
	v12 =	vand.u32 $0xF, v12  }
0x2e2: {  	v57 =	vand.u32 $0xF, v13;
	[tilespmem:$0x200] =	vst v12  }
0x2e3: {  	v60 =	vand.u32 $0xF, v14;
	[tilespmem:$0x210] =	vst v57  }
0x2e4: {  	v63 =	vand.u32 $0xF, v16;
	[tilespmem:$0x220] =	vst v60  }
0x2e5: {  	v55 =	vshra.s32 v13, $0x4;
	v15 =	vadd.s32 v2, v15;
	[tilespmem:$0x230] =	vst v63  }
0x2e6: {  	v58 =	vshra.s32 v14, $0x4;
	v56 =	vadd.s32 v2, v55;
	[tilespmem:$0x180] =	vst v15  }
0x2e7: {  	v61 =	vshra.s32 v16, $0x4;
	v59 =	vadd.s32 v2, v58;
	[tilespmem:$0x190] =	vst v56  }
0x2e8: {  	v62 =	vadd.s32 v2, v61;
	[tilespmem:$0x1A0] =	vst v59  }
0x2e9: {  	s12 =	simm.s32 $0x180;
	s16 =	sadd.s32 s24, s23;
	[tilespmem:$0x1B0] =	vst v62  }
0x2ea: {  	[tilespmem:s20], [sflag:$0x3] =	stream.indirect.gather [hbm4b:s19+s13], $0x10, s12, s13, $0xb8;
	[tilespmem:$0x1EEA0] =	vst v63  }
0x2eb: {  	s3 =	sadd.s32 $0x18, s16;
	s12 =	simm.s32 $0xC0  }
0x2ec: {  	[tilespmem:s12], [sflag:$0x2] =	stream.linear.gather [hbm4b:s3+s5], $0x40, $0x38;
	[tilespmem:$0x1EEA0] =	vst v63  }
.Ltmp10:
0x2ed: {  	_ = 	snop;
	(pc) =	sbr.rel @!p0 .LBB2_15-.Ltmp10, $4  }
.Ltmp11:
0x2ee: {  	_ = 	snop;
	(pc) =	sbr.rel @p0 .LBB2_16-.Ltmp11, $4  }
0x2ef: {  	_ =	swait.ge [sflag:s15], $0x400  }
0x2f0: {  	[sflag:s15] =	ssyncset.done $0x0  }
0x2f1: {  	[sflag:s15] =	ssyncadd.s32 $0xFFFFFC00  }
0x2f2: {  	_ = 	snop  }
.LBB2_18:
0x2f3: {  	_ =	sfence.sel $0x180000  }
0x2f4: {  	[bflag:$0x0] =	sbarrier.arrive $0xFFFF  }
0x2f5: {  	_ =	strace $0x90000047  }
0x2f6: {  	s0 =	stileid.u32;
	[bflag:$0x2] =	sbarrier.arrive $0xFFFF  }
0x2f7: {  	p0 =	sne.s32 s0, $0x0;
	s0 =	rddreg [dreg:$0x4]  }
0x2f8: {  	s0 =	sadd.s32 @!p0 $0x100000, s0  }
0x2f9: {  	[sflag:s0] =	ssyncadd.tile.s32 @!p0 $0x1;
	_ =	shalt  }
.Lfunc_end2:
_tile_overlayer_lowered:
.L_overlay_start_2:
0x2fa: {  	(tag) =	ssettag $0x2  }
0x2fb: {  	s0 =	rddreg [dreg:$0x0];
	s2 =	stileid.u32  }
0x2fc: {  	s1 =	rddreg [dreg:$0x1];
	p0 =	sne.s32 s2, $0x0  }
0x2fd: {  	s3 =	rddreg [dreg:$0x2];
	[bflag:$0x3] =	sbarrier.arrive $0xFFFF;
	s2 =	simm.s32 @!p0 $0x1C07  }
0x2fe: {  	[timem:s3], [sflag:s2] =	dma.local @!p0 [hbm:s0], s1  }
0x2ff: {  	s0 =	simm.s32 @!p0 $0x7  }
0x300: {  	_ =	swait.ge @!p0 [sflag:s0], s1  }
0x301: {  	s1 =	ssub.s32 @!p0 $0x0, s1;
	[sflag:s0] =	ssyncset.done @!p0 $0x0  }
0x302: {  	[sflag:s0] =	ssyncadd.s32 @!p0 s1  }
0x303: {  	[bflag:$0x3] =	sbarrier.arrive $0xFFFF  }
0x304: {  	_ =	shalt  }

</sc_bundles>
